<compile_context>
chip_gen: v7x
topology: tpu7x:2x2x1
jax: 0.10.2.dev20260603
libtpu: 0.0.44.dev20260713+nightly
codegen_flags: <defaults>
</compile_context>

<pallas_src>
import functools

import jax
import jax.numpy as jnp
from jax import lax
from jax.experimental import pallas as pl
from jax.experimental.pallas import tpu as pltpu
from jax.experimental.pallas import tpu_sc as plsc

RADIUS = 0.07
G = 14
NCELL = G * G * G
N_IN = 13824
N_OUT = 16384
K = 48
NW = 32
QPW = N_OUT // NW
NGRP = QPW // 16
QB = 256


def _sc_search_body(qx_h, qy_h, qz_h, xo_h, yo_h, zo_h, order_h, starts_h,
                    ftab_h, fg_h, yg_h, cnt_h,
                    qxv, qyv, qzv, xov, yov, zov, orderv, startsv,
                    idxbuf, ygflat, frows, cntv, fshared, semG, semW, semY):
    r2 = jnp.float32(RADIUS * RADIUS)
    sid = lax.axis_index("s")
    wid = sid * 2 + lax.axis_index("c")
    base = wid * QPW

    @pl.when(sid == 0)
    def _stage_f():
        pltpu.sync_copy(ftab_h, fshared)
    plsc.subcore_barrier()

    pltpu.sync_copy(qx_h.at[pl.ds(base, QPW)], qxv)
    pltpu.sync_copy(qy_h.at[pl.ds(base, QPW)], qyv)
    pltpu.sync_copy(qz_h.at[pl.ds(base, QPW)], qzv)
    pltpu.sync_copy(xo_h, xov)
    pltpu.sync_copy(yo_h, yov)
    pltpu.sync_copy(zo_h, zov)
    pltpu.sync_copy(order_h, orderv)
    pltpu.sync_copy(starts_h, startsv)

    def _zf(i, c):
        ygflat[pl.ds(i * 16, 16)] = jnp.zeros((16,), jnp.float32)
        return c
    lax.fori_loop(0, (2 * 16 * K * 4) // 16, _zf, 0)

    lane = lax.iota(jnp.int32, 16)
    sentinel = jnp.full((16,), N_IN, jnp.int32)

    def group(g, carry):
        qoff = g * 16
        p = g & 1
        pidx = p * (16 * K)
        pyg = p * (16 * K * 4)
        qxg = qxv[pl.ds(qoff, 16)]
        qyg = qyv[pl.ds(qoff, 16)]
        qzg = qzv[pl.ds(qoff, 16)]
        cxq = jnp.clip((qxg * G).astype(jnp.int32), 0, G - 1)
        cyq = jnp.clip((qyg * G).astype(jnp.int32), 0, G - 1)
        czq = jnp.clip((qzg * G).astype(jnp.int32), 0, G - 1)
        z0 = jnp.maximum(czq - 1, 0)
        z1 = jnp.minimum(czq + 1, G - 1)

        def _sent(i, c):
            idxbuf[pl.ds(pidx + i * 16, 16)] = sentinel
            return c
        lax.fori_loop(0, K, _sent, 0)

        slot = jnp.zeros((16,), jnp.int32)
        for dx in (-1, 0, 1):
            for dy in (-1, 0, 1):
                ax = cxq + dx
                ay = cyq + dy
                okrun = (ax >= 0) & (ax < G) & (ay >= 0) & (ay < G)
                axc = jnp.clip(ax, 0, G - 1)
                ayc = jnp.clip(ay, 0, G - 1)
                cbase = (axc * G + ayc) * G
                c0 = cbase + z0
                c1 = cbase + z1
                s_v = plsc.load_gather(startsv, [c0])
                e_v = plsc.load_gather(startsv, [c1 + 1])
                s_v = jnp.where(okrun, s_v, 0)
                e_v = jnp.where(okrun, e_v, 0)
                maxlen = jnp.max(e_v - s_v)

                def jbody(j, slot):
                    si = s_v + j
                    valid = si < e_v
                    sic = jnp.where(valid, si, 0)
                    oid = plsc.load_gather(orderv, [sic])
                    px = plsc.load_gather(xov, [oid])
                    py = plsc.load_gather(yov, [oid])
                    pz = plsc.load_gather(zov, [oid])
                    ddx = px - qxg
                    ddy = py - qyg
                    ddz = pz - qzg
                    d2 = (ddx * ddx + ddy * ddy) + ddz * ddz
                    acc = valid & (d2 <= r2) & (slot < K)
                    dest = lane * K + slot
                    plsc.store_scatter(idxbuf, [pidx + dest], oid, mask=acc)
                    d4 = pyg + dest * 4
                    plsc.store_scatter(ygflat, [d4], px, mask=acc)
                    plsc.store_scatter(ygflat, [d4 + 1], py, mask=acc)
                    plsc.store_scatter(ygflat, [d4 + 2], pz, mask=acc)
                    return slot + jnp.where(acc, 1, 0).astype(jnp.int32)

                slot = lax.fori_loop(0, maxlen, jbody, slot)

        cntv[pl.ds(qoff, 16)] = slot

        @pl.when(g > 0)
        def _drain_prev():
            gm16 = qoff - 16
            pltpu.make_async_copy(
                frows, fg_h.at[pl.ds((base + gm16) * K, 16 * K), :], semW).wait()
            pltpu.make_async_copy(
                ygflat.at[pl.ds((1 - p) * (16 * K * 4), 16 * K * 4)],
                yg_h.at[pl.ds((base + gm16) * K * 4, 16 * K * 4)], semY).wait()

        copies = []
        for h in range((16 * K) // 128):
            copies.append(pltpu.async_copy(
                fshared.at[idxbuf.at[pl.ds(pidx + h * 128, 128)]],
                frows.at[pl.ds(h * 128, 128), :], semG))
        for c in copies:
            c.wait()
        pltpu.async_copy(
            frows, fg_h.at[pl.ds((base + qoff) * K, 16 * K), :], semW)
        pltpu.async_copy(
            ygflat.at[pl.ds(pyg, 16 * K * 4)],
            yg_h.at[pl.ds((base + qoff) * K * 4, 16 * K * 4)], semY)
        return carry

    lax.fori_loop(0, NGRP, group, 0)

    lastq = (NGRP - 1) * 16
    pltpu.make_async_copy(
        frows, fg_h.at[pl.ds((base + lastq) * K, 16 * K), :], semW).wait()
    pltpu.make_async_copy(
        ygflat.at[pl.ds(((NGRP - 1) & 1) * (16 * K * 4), 16 * K * 4)],
        yg_h.at[pl.ds((base + lastq) * K * 4, 16 * K * 4)], semY).wait()
    pltpu.sync_copy(cntv, cnt_h.at[pl.ds(base, QPW)])


def _sc_search(qx, qy, qz, xo, yo, zo, order, starts, ftab):
    kfn = functools.partial(
        pl.kernel,
        mesh=plsc.VectorSubcoreMesh(core_axis_name="c", subcore_axis_name="s"),
        compiler_params=pltpu.CompilerParams(
            needs_layout_passes=False, use_tc_tiling_on_sc=False),
        out_type=[
            jax.ShapeDtypeStruct((N_OUT * K, 64), jnp.bfloat16),
            jax.ShapeDtypeStruct((N_OUT * K * 4,), jnp.float32),
            jax.ShapeDtypeStruct((N_OUT,), jnp.int32),
        ],
        scratch_types=[
            pltpu.VMEM((QPW,), jnp.float32),
            pltpu.VMEM((QPW,), jnp.float32),
            pltpu.VMEM((QPW,), jnp.float32),
            pltpu.VMEM((N_IN,), jnp.float32),
            pltpu.VMEM((N_IN,), jnp.float32),
            pltpu.VMEM((N_IN,), jnp.float32),
            pltpu.VMEM((N_IN,), jnp.int32),
            pltpu.VMEM((NCELL + 8,), jnp.int32),
            pltpu.VMEM((2 * 16 * K,), jnp.int32),
            pltpu.VMEM((2 * 16 * K * 4,), jnp.float32),
            pltpu.VMEM((16 * K, 64), jnp.bfloat16),
            pltpu.VMEM((QPW,), jnp.int32),
            pltpu.VMEM_SHARED((N_IN + 8, 64), jnp.bfloat16),
            pltpu.SemaphoreType.DMA,
            pltpu.SemaphoreType.DMA,
            pltpu.SemaphoreType.DMA,
        ],
    )(_sc_search_body)
    return kfn(qx, qy, qz, xo, yo, zo, order, starts, ftab)


def _tc_mlp_body(yg_ref, xq_ref, fg_ref, cnt_ref, W1a_ref, W1b_ref, b1_ref,
                 W2_ref, b2_ref, W3_ref, b3_ref, Wp_ref, bp_ref, out_ref):
    yg = yg_ref[...]
    xq = xq_ref[...]
    fg = fg_ref[...].astype(jnp.float32)
    cnt = cnt_ref[...]

    yW = jnp.dot(yg, W1a_ref[...], preferred_element_type=jnp.float32)
    xW = jnp.dot(xq, W1b_ref[...], preferred_element_type=jnp.float32)
    xWrep = jnp.broadcast_to(xW[:, None, :], (QB, K, 64)).reshape(QB * K, 64)
    h = jax.nn.gelu(yW + xWrep + b1_ref[...])
    h = jax.nn.gelu(jnp.dot(h, W2_ref[...], preferred_element_type=jnp.float32)
                    + b2_ref[...])
    h = jnp.dot(h, W3_ref[...], preferred_element_type=jnp.float32) + b3_ref[...]
    prod = h * fg

    s = prod.reshape(QB, K, 64).sum(axis=1)
    invd = 1.0 / jnp.maximum(cnt, 1).astype(jnp.float32)
    out_ref[...] = jnp.dot(s * invd, Wp_ref[...],
                           preferred_element_type=jnp.float32) + bp_ref[...]


def _tc_mlp(yg2, xq4, fg, cnt2, W1a, W1b, b1, W2, b2, W3, b3, Wp8, bp8):
    grid = (N_OUT // QB,)
    return pl.pallas_call(
        _tc_mlp_body,
        grid=grid,
        in_specs=[
            pl.BlockSpec((QB * K, 4), lambda i: (i, 0)),
            pl.BlockSpec((QB, 4), lambda i: (i, 0)),
            pl.BlockSpec((QB * K, 64), lambda i: (i, 0)),
            pl.BlockSpec((QB, 1), lambda i: (i, 0)),
            pl.BlockSpec((4, 64), lambda i: (0, 0)),
            pl.BlockSpec((4, 64), lambda i: (0, 0)),
            pl.BlockSpec((1, 64), lambda i: (0, 0)),
            pl.BlockSpec((64, 64), lambda i: (0, 0)),
            pl.BlockSpec((1, 64), lambda i: (0, 0)),
            pl.BlockSpec((64, 64), lambda i: (0, 0)),
            pl.BlockSpec((1, 64), lambda i: (0, 0)),
            pl.BlockSpec((64, 8), lambda i: (0, 0)),
            pl.BlockSpec((1, 8), lambda i: (0, 0)),
        ],
        out_specs=pl.BlockSpec((QB, 8), lambda i: (i, 0)),
        out_shape=jax.ShapeDtypeStruct((N_OUT, 8), jnp.float32),
    )(yg2, xq4, fg, cnt2, W1a, W1b, b1, W2, b2, W3, b3, Wp8, bp8)


def kernel(latent_embed, latent_queries, output_queries,
           W1, b1, W2, b2, W3, b3, Wp, bp):
    in_p = latent_queries[0].reshape(-1, 3)
    out_p = output_queries[0]
    f_y = latent_embed.reshape(1, -1, latent_embed.shape[-1])[0]

    ci = jnp.clip((in_p * G).astype(jnp.int32), 0, G - 1)
    cid = (ci[:, 0] * G + ci[:, 1]) * G + ci[:, 2]
    order = jnp.argsort(cid).astype(jnp.int32)
    cid_s = cid[order]
    starts = jnp.searchsorted(
        cid_s, jnp.arange(NCELL + 1, dtype=jnp.int32)).astype(jnp.int32)
    starts = jnp.concatenate([starts, jnp.full((7,), N_IN, jnp.int32)])
    ftab = jnp.concatenate([f_y, jnp.zeros((8, 64), f_y.dtype)], axis=0).astype(jnp.bfloat16)

    fg, ygflat, cnt = _sc_search(
        out_p[:, 0], out_p[:, 1], out_p[:, 2],
        in_p[:, 0], in_p[:, 1], in_p[:, 2],
        order, starts, ftab)

    yg2 = ygflat.reshape(N_OUT * K, 4)
    xq4 = jnp.concatenate([out_p, jnp.zeros((N_OUT, 1), jnp.float32)], axis=1)
    cnt2 = cnt.reshape(N_OUT, 1)
    W1a = jnp.zeros((4, 64), jnp.float32).at[:3].set(W1[:3])
    W1b = jnp.zeros((4, 64), jnp.float32).at[:3].set(W1[3:])
    Wp8 = jnp.zeros((64, 8), jnp.float32).at[:, :3].set(Wp)
    bp8 = jnp.zeros((1, 8), jnp.float32).at[0, :3].set(bp)

    out8 = _tc_mlp(yg2, xq4, fg, cnt2, W1a, W1b, b1.reshape(1, 64),
                   W2, b2.reshape(1, 64), W3, b3.reshape(1, 64), Wp8, bp8)
    return out8[:, :3]

# --- scband reference (transcript-rebuilt; emitter-appended) ---
"""Pipeline reference for scband-gino-decoder-33071248179439 (READ-ONLY COPY).

The authoritative reference and input builder live on the scoring server;
editing this copy changes nothing except your own understanding.
"""

import jax, jax.numpy as jnp
import numpy as np

RADIUS = 0.07

def _neighbor_search(in_p, out_p, radius):
    # CSR radius neighbor search (mirrors neuralop NeighborSearch fallback).
    in_np = np.asarray(in_p, dtype=np.float32)
    out_np = np.asarray(out_p, dtype=np.float32)
    r2 = np.float32(radius * radius)
    idx_chunks = []
    counts = np.zeros(out_np.shape[0], dtype=np.int64)
    chunk = 512
    for s in range(0, out_np.shape[0], chunk):
        q = out_np[s:s + chunk]
        d2 = ((q[:, None, :] - in_np[None, :, :]) ** 2).sum(-1)
        mask = d2 <= r2
        rows, cols = np.nonzero(mask)  # row-major: grouped by query, cols ascending
        idx_chunks.append(cols.astype(np.int64))
        counts[s:s + q.shape[0]] = mask.sum(axis=1)
    neighbors_index = np.concatenate(idx_chunks) if idx_chunks else np.zeros(0, np.int64)
    row_splits = np.zeros(out_np.shape[0] + 1, dtype=np.int64)
    row_splits[1:] = np.cumsum(counts)
    return neighbors_index, row_splits, counts

def setup_inputs(seed: int = 0) -> dict:
    key = jax.random.key(seed)
    ks = jax.random.split(key, 8)
    latent_embed = jax.random.normal(ks[0], (1, 24, 24, 24, 64), dtype=jnp.float32)
    latent_queries = jax.random.uniform(ks[1], (1, 24, 24, 24, 3), dtype=jnp.float32)
    output_queries = jax.random.uniform(ks[2], (1, 16384, 3), dtype=jnp.float32)
    def lin(k, fan_in, fan_out):
        s = 1.0 / np.sqrt(fan_in)
        kw, kb = jax.random.split(k)
        W = jax.random.uniform(kw, (fan_in, fan_out), dtype=jnp.float32, minval=-s, maxval=s)
        b = jax.random.uniform(kb, (fan_out,), dtype=jnp.float32, minval=-s, maxval=s)
        return W, b
    # kernel MLP layers: [2*3, 64, 64, 64] (hidden [64,64] with in_dim=6 inserted, proj_ch=64 appended)
    W1, b1 = lin(ks[3], 6, 64)
    W2, b2 = lin(ks[4], 64, 64)
    W3, b3 = lin(ks[5], 64, 64)
    # projection MLPLinear: [64, 3] -> single linear layer
    Wp, bp = lin(ks[6], 64, 3)
    return {"latent_embed": latent_embed, "latent_queries": latent_queries,
            "output_queries": output_queries, "W1": W1, "b1": b1, "W2": W2, "b2": b2,
            "W3": W3, "b3": b3, "Wp": Wp, "bp": bp}

def reference(latent_embed, latent_queries, output_queries, W1, b1, W2, b2, W3, b3, Wp, bp):
    # squeeze leading batch dims as in GINO_Decoder.forward
    lq = latent_queries[0]
    oq = output_queries[0]
    in_p = lq.reshape(-1, lq.shape[-1])          # [N_in, 3]
    out_p = oq                                    # [N_out, 3]
    # rearrange latent_embed: b n1 n2 n3 c -> (n1 n2 n3) c, batch=1
    f_y = latent_embed.reshape(latent_embed.shape[0], -1, latent_embed.shape[-1])[0]
    r2 = jnp.float32(RADIUS * RADIUS)
    n_out = out_p.shape[0]
    n_in = in_p.shape[0]
    chunk = 128
    pad = (-n_out) % chunk
    q_pad = jnp.concatenate(
        [out_p, jnp.zeros((pad, out_p.shape[-1]), out_p.dtype)], axis=0)
    q_chunks = q_pad.reshape(-1, chunk, out_p.shape[-1])
    def _chunk(q):
        d2 = ((q[:, None, :] - in_p[None, :, :]) ** 2).sum(-1)
        mask = d2 <= r2                               # [chunk, N_in]
        rep_features = jnp.broadcast_to(in_p[None, :, :], (chunk, n_in, in_p.shape[-1]))
        self_features = jnp.broadcast_to(q[:, None, :], (chunk, n_in, q.shape[-1]))
        agg = jnp.concatenate([rep_features, self_features], axis=-1)  # [chunk, N_in, 6]
        h = jax.nn.gelu(agg @ W1 + b1)
        h = jax.nn.gelu(h @ W2 + b2)
        h = h @ W3 + b3                               # kernel k(x,y): [chunk, N_in, 64]
        h = h * f_y[None, :, :]                       # k(x,y) * f(y)
        h = jnp.where(mask[..., None], h, jnp.zeros((), h.dtype))
        return h.sum(axis=1), mask.sum(axis=1)
    summed_c, counts_c = jax.lax.map(_chunk, q_chunks)
    summed = summed_c.reshape(-1, summed_c.shape[-1])[:n_out]
    counts = counts_c.reshape(-1)[:n_out]
    denom = jnp.maximum(counts, 1).astype(summed.dtype)[:, None]
    out = summed / denom                                 # segment mean (neighbor average)
    out = out @ Wp + bp                                  # projection MLPLinear [64 -> 3]
    return out

if __name__ == "__main__":
    import jax
    _d = setup_inputs()
    print(jax.jit(kernel)(*tuple(_d.values())))

</pallas_src>

<mosaic_0001>
#map = affine_map<(d0, d1) -> (0)>
#map1 = affine_map<(d0, d1) -> (0, 0)>
module attributes {stable_mosaic.version = 14 : i64} {
  func.func @_sc_search_body(%arg0: i32, %arg1: i32, %arg2: memref<16384xf32, #tpu.memory_space<hbm>>, %arg3: memref<16384xf32, #tpu.memory_space<hbm>>, %arg4: memref<16384xf32, #tpu.memory_space<hbm>>, %arg5: memref<13824xf32, #tpu.memory_space<hbm>>, %arg6: memref<13824xf32, #tpu.memory_space<hbm>>, %arg7: memref<13824xf32, #tpu.memory_space<hbm>>, %arg8: memref<13824xi32, #tpu.memory_space<hbm>>, %arg9: memref<2752xi32, #tpu.memory_space<hbm>>, %arg10: memref<13832x64xbf16, #tpu.memory_space<hbm>>, %arg11: memref<786432x64xbf16, #tpu.memory_space<hbm>>, %arg12: memref<3145728xf32, #tpu.memory_space<hbm>>, %arg13: memref<16384xi32, #tpu.memory_space<hbm>>, %arg14: memref<512xf32, #tpu.memory_space<vmem>>, %arg15: memref<512xf32, #tpu.memory_space<vmem>>, %arg16: memref<512xf32, #tpu.memory_space<vmem>>, %arg17: memref<13824xf32, #tpu.memory_space<vmem>>, %arg18: memref<13824xf32, #tpu.memory_space<vmem>>, %arg19: memref<13824xf32, #tpu.memory_space<vmem>>, %arg20: memref<13824xi32, #tpu.memory_space<vmem>>, %arg21: memref<2752xi32, #tpu.memory_space<vmem>>, %arg22: memref<1536xi32, #tpu.memory_space<vmem>>, %arg23: memref<6144xf32, #tpu.memory_space<vmem>>, %arg24: memref<768x64xbf16, #tpu.memory_space<vmem>>, %arg25: memref<512xi32, #tpu.memory_space<vmem>>, %arg26: memref<13832x64xbf16, #tpu.memory_space<vmem_shared>>, %arg27: memref<!tpu.dma_semaphore, #tpu.memory_space<semaphore_mem>>, %arg28: memref<!tpu.dma_semaphore, #tpu.memory_space<semaphore_mem>>, %arg29: memref<!tpu.dma_semaphore, #tpu.memory_space<semaphore_mem>>) attributes {dimension_semantics = [#tpu.dimension_semantics<core_parallel>, #tpu.dimension_semantics<subcore_parallel>], iteration_bounds = array<i64: 2, 16>, scalar_prefetch = 0 : i64, scratch_operands = 16 : i64, tpu.core_type = #tpu.core_type<sc_vector_subcore>, window_params = [{transform_indices = #map}, {transform_indices = #map}, {transform_indices = #map}, {transform_indices = #map}, {transform_indices = #map}, {transform_indices = #map}, {transform_indices = #map}, {transform_indices = #map}, {transform_indices = #map1}, {transform_indices = #map1}, {transform_indices = #map}, {transform_indices = #map}]} {
    %mul3A = arith.constant 2 : i32
    %mul3A_0 = arith.muli %arg1, %mul3A : i32
    %add3A = arith.addi %mul3A_0, %arg0 : i32
    %mul3A_1 = arith.constant 512 : i32
    %mul3A_2 = arith.muli %add3A, %mul3A_1 : i32
    %eq3A = arith.constant 0 : i32
    %eq3A_3 = arith.cmpi eq, %arg1, %eq3A : i32
    %convert_element_type3A = arith.extui %eq3A_3 : i1 to i32
    %cond3A = arith.constant 0 : i32
    %cond3A_4 = arith.cmpi ne, %convert_element_type3A, %cond3A : i32
    scf.if %cond3A_4 {
      "tpu.region"() ({
        %run_scoped3A = tpu.sem_alloc : memref<!tpu.dma_semaphore, #tpu.memory_space<semaphore_mem>>
        tpu.enqueue_dma source(%arg10 : memref<13832x64xbf16, #tpu.memory_space<hbm>>) target(%arg26 : memref<13832x64xbf16, #tpu.memory_space<vmem_shared>>) target_semaphore(%run_scoped3A : memref<!tpu.dma_semaphore, #tpu.memory_space<semaphore_mem>>)
        tpu.wait_dma2 semaphore(%run_scoped3A : memref<!tpu.dma_semaphore, #tpu.memory_space<semaphore_mem>>) src(%arg10 : memref<13832x64xbf16, #tpu.memory_space<hbm>>) dst(%arg26 : memref<13832x64xbf16, #tpu.memory_space<vmem_shared>>)
        tpu.yield
      }) : () -> ()
    } else {
    }
    %barrier3A = arith.constant 0 : index
    tpu.barrier barrier_id(%barrier3A)
    "tpu.region"() ({
      %run_scoped3A = tpu.sem_alloc : memref<!tpu.dma_semaphore, #tpu.memory_space<semaphore_mem>>
      %dma_start3A = tpu.memref_slice %arg2[%mul3A_2] : memref<16384xf32, #tpu.memory_space<hbm>> -> memref<512xf32, #tpu.memory_space<hbm>>
      %dma_start3A_37 = tpu.memref_slice %arg2[%mul3A_2] : memref<16384xf32, #tpu.memory_space<hbm>> -> memref<512xf32, #tpu.memory_space<hbm>>
      tpu.enqueue_dma source(%dma_start3A_37 : memref<512xf32, #tpu.memory_space<hbm>>) target(%arg14 : memref<512xf32, #tpu.memory_space<vmem>>) target_semaphore(%run_scoped3A : memref<!tpu.dma_semaphore, #tpu.memory_space<semaphore_mem>>)
      %dma_wait3A_38 = tpu.memref_slice %arg2[%mul3A_2] : memref<16384xf32, #tpu.memory_space<hbm>> -> memref<512xf32, #tpu.memory_space<hbm>>
      %dma_wait3A_39 = tpu.memref_slice %arg2[%mul3A_2] : memref<16384xf32, #tpu.memory_space<hbm>> -> memref<512xf32, #tpu.memory_space<hbm>>
      tpu.wait_dma2 semaphore(%run_scoped3A : memref<!tpu.dma_semaphore, #tpu.memory_space<semaphore_mem>>) src(%dma_wait3A_39 : memref<512xf32, #tpu.memory_space<hbm>>) dst(%arg14 : memref<512xf32, #tpu.memory_space<vmem>>)
      tpu.yield
    }) : () -> ()
    "tpu.region"() ({
      %run_scoped3A = tpu.sem_alloc : memref<!tpu.dma_semaphore, #tpu.memory_space<semaphore_mem>>
      %dma_start3A = tpu.memref_slice %arg3[%mul3A_2] : memref<16384xf32, #tpu.memory_space<hbm>> -> memref<512xf32, #tpu.memory_space<hbm>>
      %dma_start3A_37 = tpu.memref_slice %arg3[%mul3A_2] : memref<16384xf32, #tpu.memory_space<hbm>> -> memref<512xf32, #tpu.memory_space<hbm>>
      tpu.enqueue_dma source(%dma_start3A_37 : memref<512xf32, #tpu.memory_space<hbm>>) target(%arg15 : memref<512xf32, #tpu.memory_space<vmem>>) target_semaphore(%run_scoped3A : memref<!tpu.dma_semaphore, #tpu.memory_space<semaphore_mem>>)
      %dma_wait3A_38 = tpu.memref_slice %arg3[%mul3A_2] : memref<16384xf32, #tpu.memory_space<hbm>> -> memref<512xf32, #tpu.memory_space<hbm>>
      %dma_wait3A_39 = tpu.memref_slice %arg3[%mul3A_2] : memref<16384xf32, #tpu.memory_space<hbm>> -> memref<512xf32, #tpu.memory_space<hbm>>
      tpu.wait_dma2 semaphore(%run_scoped3A : memref<!tpu.dma_semaphore, #tpu.memory_space<semaphore_mem>>) src(%dma_wait3A_39 : memref<512xf32, #tpu.memory_space<hbm>>) dst(%arg15 : memref<512xf32, #tpu.memory_space<vmem>>)
      tpu.yield
    }) : () -> ()
    "tpu.region"() ({
      %run_scoped3A = tpu.sem_alloc : memref<!tpu.dma_semaphore, #tpu.memory_space<semaphore_mem>>
      %dma_start3A = tpu.memref_slice %arg4[%mul3A_2] : memref<16384xf32, #tpu.memory_space<hbm>> -> memref<512xf32, #tpu.memory_space<hbm>>
      %dma_start3A_37 = tpu.memref_slice %arg4[%mul3A_2] : memref<16384xf32, #tpu.memory_space<hbm>> -> memref<512xf32, #tpu.memory_space<hbm>>
      tpu.enqueue_dma source(%dma_start3A_37 : memref<512xf32, #tpu.memory_space<hbm>>) target(%arg16 : memref<512xf32, #tpu.memory_space<vmem>>) target_semaphore(%run_scoped3A : memref<!tpu.dma_semaphore, #tpu.memory_space<semaphore_mem>>)
      %dma_wait3A_38 = tpu.memref_slice %arg4[%mul3A_2] : memref<16384xf32, #tpu.memory_space<hbm>> -> memref<512xf32, #tpu.memory_space<hbm>>
      %dma_wait3A_39 = tpu.memref_slice %arg4[%mul3A_2] : memref<16384xf32, #tpu.memory_space<hbm>> -> memref<512xf32, #tpu.memory_space<hbm>>
      tpu.wait_dma2 semaphore(%run_scoped3A : memref<!tpu.dma_semaphore, #tpu.memory_space<semaphore_mem>>) src(%dma_wait3A_39 : memref<512xf32, #tpu.memory_space<hbm>>) dst(%arg16 : memref<512xf32, #tpu.memory_space<vmem>>)
      tpu.yield
    }) : () -> ()
    "tpu.region"() ({
      %run_scoped3A = tpu.sem_alloc : memref<!tpu.dma_semaphore, #tpu.memory_space<semaphore_mem>>
      tpu.enqueue_dma source(%arg5 : memref<13824xf32, #tpu.memory_space<hbm>>) target(%arg17 : memref<13824xf32, #tpu.memory_space<vmem>>) target_semaphore(%run_scoped3A : memref<!tpu.dma_semaphore, #tpu.memory_space<semaphore_mem>>)
      tpu.wait_dma2 semaphore(%run_scoped3A : memref<!tpu.dma_semaphore, #tpu.memory_space<semaphore_mem>>) src(%arg5 : memref<13824xf32, #tpu.memory_space<hbm>>) dst(%arg17 : memref<13824xf32, #tpu.memory_space<vmem>>)
      tpu.yield
    }) : () -> ()
    "tpu.region"() ({
      %run_scoped3A = tpu.sem_alloc : memref<!tpu.dma_semaphore, #tpu.memory_space<semaphore_mem>>
      tpu.enqueue_dma source(%arg6 : memref<13824xf32, #tpu.memory_space<hbm>>) target(%arg18 : memref<13824xf32, #tpu.memory_space<vmem>>) target_semaphore(%run_scoped3A : memref<!tpu.dma_semaphore, #tpu.memory_space<semaphore_mem>>)
      tpu.wait_dma2 semaphore(%run_scoped3A : memref<!tpu.dma_semaphore, #tpu.memory_space<semaphore_mem>>) src(%arg6 : memref<13824xf32, #tpu.memory_space<hbm>>) dst(%arg18 : memref<13824xf32, #tpu.memory_space<vmem>>)
      tpu.yield
    }) : () -> ()
    "tpu.region"() ({
      %run_scoped3A = tpu.sem_alloc : memref<!tpu.dma_semaphore, #tpu.memory_space<semaphore_mem>>
      tpu.enqueue_dma source(%arg7 : memref<13824xf32, #tpu.memory_space<hbm>>) target(%arg19 : memref<13824xf32, #tpu.memory_space<vmem>>) target_semaphore(%run_scoped3A : memref<!tpu.dma_semaphore, #tpu.memory_space<semaphore_mem>>)
      tpu.wait_dma2 semaphore(%run_scoped3A : memref<!tpu.dma_semaphore, #tpu.memory_space<semaphore_mem>>) src(%arg7 : memref<13824xf32, #tpu.memory_space<hbm>>) dst(%arg19 : memref<13824xf32, #tpu.memory_space<vmem>>)
      tpu.yield
    }) : () -> ()
    "tpu.region"() ({
      %run_scoped3A = tpu.sem_alloc : memref<!tpu.dma_semaphore, #tpu.memory_space<semaphore_mem>>
      tpu.enqueue_dma source(%arg8 : memref<13824xi32, #tpu.memory_space<hbm>>) target(%arg20 : memref<13824xi32, #tpu.memory_space<vmem>>) target_semaphore(%run_scoped3A : memref<!tpu.dma_semaphore, #tpu.memory_space<semaphore_mem>>)
      tpu.wait_dma2 semaphore(%run_scoped3A : memref<!tpu.dma_semaphore, #tpu.memory_space<semaphore_mem>>) src(%arg8 : memref<13824xi32, #tpu.memory_space<hbm>>) dst(%arg20 : memref<13824xi32, #tpu.memory_space<vmem>>)
      tpu.yield
    }) : () -> ()
    "tpu.region"() ({
      %run_scoped3A = tpu.sem_alloc : memref<!tpu.dma_semaphore, #tpu.memory_space<semaphore_mem>>
      tpu.enqueue_dma source(%arg9 : memref<2752xi32, #tpu.memory_space<hbm>>) target(%arg21 : memref<2752xi32, #tpu.memory_space<vmem>>) target_semaphore(%run_scoped3A : memref<!tpu.dma_semaphore, #tpu.memory_space<semaphore_mem>>)
      tpu.wait_dma2 semaphore(%run_scoped3A : memref<!tpu.dma_semaphore, #tpu.memory_space<semaphore_mem>>) src(%arg9 : memref<2752xi32, #tpu.memory_space<hbm>>) dst(%arg21 : memref<2752xi32, #tpu.memory_space<vmem>>)
      tpu.yield
    }) : () -> ()
    %scan3A = arith.constant 0 : i32
    %scan3A_5 = arith.constant 0 : i32
    %scan3A_6 = arith.constant 384 : i32
    %scan3A_7 = arith.addi %scan3A_5, %scan3A_6 : i32
    %scan3A_8 = arith.constant 1 : i32
    scf.for %scan3A_37 = %scan3A_5 to %scan3A_7 step %scan3A_8  : i32 {
      %broadcast_in_dim3A_38 = arith.constant 0.000000e+00 : f32
      %broadcast_in_dim3A_39 = vector.broadcast %broadcast_in_dim3A_38 : f32 to vector<16xf32>
      %mul3A_40 = arith.constant 16 : i32
      %mul3A_41 = arith.muli %scan3A_37, %mul3A_40 : i32
      %swap3A = arith.index_cast %mul3A_41 : i32 to index
      %swap3A_42 = tpu.vector_load %arg23[%swap3A] {strides = array<i32>} : memref<6144xf32, #tpu.memory_space<vmem>>, vector<16xf32>,
      tpu.vector_store %arg23[%swap3A], %broadcast_in_dim3A_39 {strides = array<i32>} : memref<6144xf32, #tpu.memory_space<vmem>>, vector<16xf32>,
    }
    %scan3A_9 = arith.constant 384 : i32
    %iota3A = tpu.iota {dimensions = array<i32: 0>} : vector<16xi32>
    %broadcast_in_dim3A = arith.constant 13824 : i32
    %broadcast_in_dim3A_10 = vector.broadcast %broadcast_in_dim3A : i32 to vector<16xi32>
    %scan3A_11 = arith.constant 0 : i32
    %scan3A_12 = arith.constant 4.900000e-03 : f32
    %scan3A_13 = arith.constant 0 : i32
    %scan3A_14 = arith.constant 32 : i32
    %scan3A_15 = arith.addi %scan3A_13, %scan3A_14 : i32
    %scan3A_16 = arith.constant 1 : i32
    scf.for %scan3A_37 = %scan3A_13 to %scan3A_15 step %scan3A_16  : i32 {
      %mul3A_38 = arith.constant 16 : i32
      %mul3A_39 = arith.muli %scan3A_37, %mul3A_38 : i32
      %and3A = arith.constant 1 : i32
      %and3A_40 = arith.andi %scan3A_37, %and3A : i32
      %mul3A_41 = arith.constant 768 : i32
      %mul3A_42 = arith.muli %and3A_40, %mul3A_41 : i32
      %mul3A_43 = arith.constant 3072 : i32
      %mul3A_44 = arith.muli %and3A_40, %mul3A_43 : i32
      %get3A = arith.index_cast %mul3A_39 : i32 to index
      %get3A_45 = tpu.vector_load %arg14[%get3A] {strides = array<i32>} : memref<512xf32, #tpu.memory_space<vmem>>, vector<16xf32>,
      %get3A_46 = arith.index_cast %mul3A_39 : i32 to index
      %get3A_47 = tpu.vector_load %arg15[%get3A_46] {strides = array<i32>} : memref<512xf32, #tpu.memory_space<vmem>>, vector<16xf32>,
      %get3A_48 = arith.index_cast %mul3A_39 : i32 to index
      %get3A_49 = tpu.vector_load %arg16[%get3A_48] {strides = array<i32>} : memref<512xf32, #tpu.memory_space<vmem>>, vector<16xf32>,
      %mul3A_50 = arith.constant 1.400000e+01 : f32
      %mul3A_51 = vector.broadcast %mul3A_50 : f32 to vector<16xf32>
      %mul3A_52 = arith.mulf %get3A_45, %mul3A_51 : vector<16xf32>
      %convert_element_type3A_53 = arith.fptosi %mul3A_52 : vector<16xf32> to vector<16xi32>
      %jit3A = arith.constant 0 : i32
      %jit3A_54 = arith.constant 13 : i32
      %max3A = vector.broadcast %jit3A : i32 to vector<16xi32>
      %max3A_55 = arith.maxsi %max3A, %convert_element_type3A_53 : vector<16xi32>
      %min3A = vector.broadcast %jit3A_54 : i32 to vector<16xi32>
      %min3A_56 = arith.minsi %min3A, %max3A_55 : vector<16xi32>
      %mul3A_57 = arith.constant 1.400000e+01 : f32
      %mul3A_58 = vector.broadcast %mul3A_57 : f32 to vector<16xf32>
      %mul3A_59 = arith.mulf %get3A_47, %mul3A_58 : vector<16xf32>
      %convert_element_type3A_60 = arith.fptosi %mul3A_59 : vector<16xf32> to vector<16xi32>
      %jit3A_61 = arith.constant 0 : i32
      %jit3A_62 = arith.constant 13 : i32
      %max3A_63 = vector.broadcast %jit3A_61 : i32 to vector<16xi32>
      %max3A_64 = arith.maxsi %max3A_63, %convert_element_type3A_60 : vector<16xi32>
      %min3A_65 = vector.broadcast %jit3A_62 : i32 to vector<16xi32>
      %min3A_66 = arith.minsi %min3A_65, %max3A_64 : vector<16xi32>
      %mul3A_67 = arith.constant 1.400000e+01 : f32
      %mul3A_68 = vector.broadcast %mul3A_67 : f32 to vector<16xf32>
      %mul3A_69 = arith.mulf %get3A_49, %mul3A_68 : vector<16xf32>
      %convert_element_type3A_70 = arith.fptosi %mul3A_69 : vector<16xf32> to vector<16xi32>
      %jit3A_71 = arith.constant 0 : i32
      %jit3A_72 = arith.constant 13 : i32
      %max3A_73 = vector.broadcast %jit3A_71 : i32 to vector<16xi32>
      %max3A_74 = arith.maxsi %max3A_73, %convert_element_type3A_70 : vector<16xi32>
      %min3A_75 = vector.broadcast %jit3A_72 : i32 to vector<16xi32>
      %min3A_76 = arith.minsi %min3A_75, %max3A_74 : vector<16xi32>
      %sub3A = arith.constant 1 : i32
      %sub3A_77 = vector.broadcast %sub3A : i32 to vector<16xi32>
      %sub3A_78 = arith.subi %min3A_76, %sub3A_77 : vector<16xi32>
      %max3A_79 = arith.constant 0 : i32
      %max3A_80 = vector.broadcast %max3A_79 : i32 to vector<16xi32>
      %max3A_81 = arith.maxsi %sub3A_78, %max3A_80 : vector<16xi32>
      %add3A_82 = arith.constant 1 : i32
      %add3A_83 = vector.broadcast %add3A_82 : i32 to vector<16xi32>
      %add3A_84 = arith.addi %min3A_76, %add3A_83 : vector<16xi32>
      %min3A_85 = arith.constant 13 : i32
      %min3A_86 = vector.broadcast %min3A_85 : i32 to vector<16xi32>
      %min3A_87 = arith.minsi %add3A_84, %min3A_86 : vector<16xi32>
      %scan3A_88 = arith.constant 0 : i32
      %scan3A_89 = arith.constant 0 : i32
      %scan3A_90 = arith.constant 48 : i32
      %scan3A_91 = arith.addi %scan3A_89, %scan3A_90 : i32
      %scan3A_92 = arith.constant 1 : i32
      scf.for %scan3A_863 = %scan3A_89 to %scan3A_91 step %scan3A_92  : i32 {
        %mul3A_864 = arith.constant 16 : i32
        %mul3A_865 = arith.muli %scan3A_863, %mul3A_864 : i32
        %add3A_866 = arith.addi %mul3A_42, %mul3A_865 : i32
        %swap3A_867 = arith.index_cast %add3A_866 : i32 to index
        %swap3A_868 = tpu.vector_load %arg22[%swap3A_867] {strides = array<i32>} : memref<1536xi32, #tpu.memory_space<vmem>>, vector<16xi32>,
        tpu.vector_store %arg22[%swap3A_867], %broadcast_in_dim3A_10 {strides = array<i32>} : memref<1536xi32, #tpu.memory_space<vmem>>, vector<16xi32>,
      }
      %scan3A_93 = arith.constant 48 : i32
      %broadcast_in_dim3A_94 = arith.constant 0 : i32
      %broadcast_in_dim3A_95 = vector.broadcast %broadcast_in_dim3A_94 : i32 to vector<16xi32>
      %add3A_96 = arith.constant -1 : i32
      %add3A_97 = vector.broadcast %add3A_96 : i32 to vector<16xi32>
      %add3A_98 = arith.addi %min3A_56, %add3A_97 : vector<16xi32>
      %add3A_99 = arith.constant -1 : i32
      %add3A_100 = vector.broadcast %add3A_99 : i32 to vector<16xi32>
      %add3A_101 = arith.addi %min3A_66, %add3A_100 : vector<16xi32>
      %ge3A = arith.constant 0 : i32
      %ge3A_102 = vector.broadcast %ge3A : i32 to vector<16xi32>
      %ge3A_103 = arith.cmpi sge, %add3A_98, %ge3A_102 : vector<16xi32>
      %lt3A = arith.constant 14 : i32
      %lt3A_104 = vector.broadcast %lt3A : i32 to vector<16xi32>
      %lt3A_105 = arith.cmpi slt, %add3A_98, %lt3A_104 : vector<16xi32>
      %and3A_106 = arith.andi %ge3A_103, %lt3A_105 : vector<16xi1>
      %ge3A_107 = arith.constant 0 : i32
      %ge3A_108 = vector.broadcast %ge3A_107 : i32 to vector<16xi32>
      %ge3A_109 = arith.cmpi sge, %add3A_101, %ge3A_108 : vector<16xi32>
      %and3A_110 = arith.andi %and3A_106, %ge3A_109 : vector<16xi1>
      %lt3A_111 = arith.constant 14 : i32
      %lt3A_112 = vector.broadcast %lt3A_111 : i32 to vector<16xi32>
      %lt3A_113 = arith.cmpi slt, %add3A_101, %lt3A_112 : vector<16xi32>
      %and3A_114 = arith.andi %and3A_110, %lt3A_113 : vector<16xi1>
      %jit3A_115 = arith.constant 0 : i32
      %jit3A_116 = arith.constant 13 : i32
      %max3A_117 = vector.broadcast %jit3A_115 : i32 to vector<16xi32>
      %max3A_118 = arith.maxsi %max3A_117, %add3A_98 : vector<16xi32>
      %min3A_119 = vector.broadcast %jit3A_116 : i32 to vector<16xi32>
      %min3A_120 = arith.minsi %min3A_119, %max3A_118 : vector<16xi32>
      %jit3A_121 = arith.constant 0 : i32
      %jit3A_122 = arith.constant 13 : i32
      %max3A_123 = vector.broadcast %jit3A_121 : i32 to vector<16xi32>
      %max3A_124 = arith.maxsi %max3A_123, %add3A_101 : vector<16xi32>
      %min3A_125 = vector.broadcast %jit3A_122 : i32 to vector<16xi32>
      %min3A_126 = arith.minsi %min3A_125, %max3A_124 : vector<16xi32>
      %mul3A_127 = arith.constant 14 : i32
      %mul3A_128 = vector.broadcast %mul3A_127 : i32 to vector<16xi32>
      %mul3A_129 = arith.muli %min3A_120, %mul3A_128 : vector<16xi32>
      %add3A_130 = arith.addi %mul3A_129, %min3A_126 : vector<16xi32>
      %mul3A_131 = arith.constant 14 : i32
      %mul3A_132 = vector.broadcast %mul3A_131 : i32 to vector<16xi32>
      %mul3A_133 = arith.muli %add3A_130, %mul3A_132 : vector<16xi32>
      %add3A_134 = arith.addi %mul3A_133, %max3A_81 : vector<16xi32>
      %add3A_135 = arith.addi %mul3A_133, %min3A_87 : vector<16xi32>
      %gather3A = tpu.vector_load_idx %arg21[%add3A_134] : memref<2752xi32, #tpu.memory_space<vmem>>[vector<16xi32>], vector<16xi32>,
      %add3A_136 = arith.constant 1 : i32
      %add3A_137 = vector.broadcast %add3A_136 : i32 to vector<16xi32>
      %add3A_138 = arith.addi %add3A_135, %add3A_137 : vector<16xi32>
      %gather3A_139 = tpu.vector_load_idx %arg21[%add3A_138] : memref<2752xi32, #tpu.memory_space<vmem>>[vector<16xi32>], vector<16xi32>,
      %jit3A_140 = arith.constant 0 : i32
      %broadcast_in_dim3A_141 = vector.broadcast %jit3A_140 : i32 to vector<16xi32>
      %select_n3A = arith.select %and3A_114, %gather3A, %broadcast_in_dim3A_141 : vector<16xi1>, vector<16xi32>
      %jit3A_142 = arith.constant 0 : i32
      %broadcast_in_dim3A_143 = vector.broadcast %jit3A_142 : i32 to vector<16xi32>
      %select_n3A_144 = arith.select %and3A_114, %gather3A_139, %broadcast_in_dim3A_143 : vector<16xi1>, vector<16xi32>
      %sub3A_145 = arith.subi %select_n3A_144, %select_n3A : vector<16xi32>
      %reduce_max3A = arith.constant true
      %reduce_max3A_146 = vector.broadcast %reduce_max3A : i1 to vector<16xi1>
      %reduce_max3A_147 = arith.constant -2147483648 : i32
      %reduce_max3A_148 = vector.broadcast %reduce_max3A_147 : i32 to vector<16xi32>
      %reduce_max3A_149 = arith.xori %sub3A_145, %reduce_max3A_148 : vector<16xi32>
      %reduce_max3A_150 = tpu.scan <max>, %reduce_max3A_149 masked %reduce_max3A_146 : vector<16xi32>, vector<16xi1> -> vector<16xi32>
      %reduce_max3A_151 = arith.xori %reduce_max3A_150, %reduce_max3A_148 : vector<16xi32>
      %reduce_max3A_152 = vector.extract %reduce_max3A_151[15] : i32 from vector<16xi32>
      %while3A = arith.constant 0 : i32
      %while3A_153 = arith.subi %reduce_max3A_152, %while3A : i32
      %while3A_154 = arith.addi %while3A, %while3A_153 : i32
      %while3A_155 = arith.constant 1 : i32
      %while3A_156 = arith.divsi %while3A_153, %while3A_155 : i32
      %while3A_157 = arith.muli %while3A_156, %while3A_155 : i32
      %while3A_158 = arith.addi %while3A, %while3A_157 : i32
      %while3A_159 = arith.constant 1 : i32
      %while3A_160 = scf.for %while3A_863 = %while3A to %while3A_158 step %while3A_159 iter_args(%while3A_864 = %broadcast_in_dim3A_95) -> (vector<16xi32>)  : i32 {
        %add3A_865 = vector.broadcast %while3A_863 : i32 to vector<16xi32>
        %add3A_866 = arith.addi %select_n3A, %add3A_865 : vector<16xi32>
        %lt3A_867 = arith.cmpi slt, %add3A_866, %select_n3A_144 : vector<16xi32>
        %jit3A_868 = arith.constant 0 : i32
        %broadcast_in_dim3A_869 = vector.broadcast %jit3A_868 : i32 to vector<16xi32>
        %select_n3A_870 = arith.select %lt3A_867, %add3A_866, %broadcast_in_dim3A_869 : vector<16xi1>, vector<16xi32>
        %gather3A_871 = tpu.vector_load_idx %arg20[%select_n3A_870] : memref<13824xi32, #tpu.memory_space<vmem>>[vector<16xi32>], vector<16xi32>,
        %gather3A_872 = tpu.vector_load_idx %arg17[%gather3A_871] : memref<13824xf32, #tpu.memory_space<vmem>>[vector<16xi32>], vector<16xf32>,
        %gather3A_873 = tpu.vector_load_idx %arg18[%gather3A_871] : memref<13824xf32, #tpu.memory_space<vmem>>[vector<16xi32>], vector<16xf32>,
        %gather3A_874 = tpu.vector_load_idx %arg19[%gather3A_871] : memref<13824xf32, #tpu.memory_space<vmem>>[vector<16xi32>], vector<16xf32>,
        %sub3A_875 = arith.subf %gather3A_872, %get3A_45 : vector<16xf32>
        %sub3A_876 = arith.subf %gather3A_873, %get3A_47 : vector<16xf32>
        %sub3A_877 = arith.subf %gather3A_874, %get3A_49 : vector<16xf32>
        %mul3A_878 = arith.mulf %sub3A_875, %sub3A_875 : vector<16xf32>
        %mul3A_879 = arith.mulf %sub3A_876, %sub3A_876 : vector<16xf32>
        %add3A_880 = arith.addf %mul3A_878, %mul3A_879 : vector<16xf32>
        %mul3A_881 = arith.mulf %sub3A_877, %sub3A_877 : vector<16xf32>
        %add3A_882 = arith.addf %add3A_880, %mul3A_881 : vector<16xf32>
        %le3A = vector.broadcast %scan3A_12 : f32 to vector<16xf32>
        %le3A_883 = arith.cmpf ole, %add3A_882, %le3A : vector<16xf32>
        %and3A_884 = arith.andi %lt3A_867, %le3A_883 : vector<16xi1>
        %lt3A_885 = arith.constant 48 : i32
        %lt3A_886 = vector.broadcast %lt3A_885 : i32 to vector<16xi32>
        %lt3A_887 = arith.cmpi slt, %while3A_864, %lt3A_886 : vector<16xi32>
        %and3A_888 = arith.andi %and3A_884, %lt3A_887 : vector<16xi1>
        %mul3A_889 = arith.constant 48 : i32
        %mul3A_890 = vector.broadcast %mul3A_889 : i32 to vector<16xi32>
        %mul3A_891 = arith.muli %iota3A, %mul3A_890 : vector<16xi32>
        %add3A_892 = arith.addi %mul3A_891, %while3A_864 : vector<16xi32>
        %add3A_893 = vector.broadcast %mul3A_42 : i32 to vector<16xi32>
        %add3A_894 = arith.addi %add3A_893, %add3A_892 : vector<16xi32>
        tpu.vector_store_idx %arg22[%add3A_894], %gather3A_871 masked %and3A_888 : memref<1536xi32, #tpu.memory_space<vmem>>[vector<16xi32>], vector<16xi32>, vector<16xi1>
        %mul3A_895 = arith.constant 4 : i32
        %mul3A_896 = vector.broadcast %mul3A_895 : i32 to vector<16xi32>
        %mul3A_897 = arith.muli %add3A_892, %mul3A_896 : vector<16xi32>
        %add3A_898 = vector.broadcast %mul3A_44 : i32 to vector<16xi32>
        %add3A_899 = arith.addi %add3A_898, %mul3A_897 : vector<16xi32>
        tpu.vector_store_idx %arg23[%add3A_899], %gather3A_872 masked %and3A_888 : memref<6144xf32, #tpu.memory_space<vmem>>[vector<16xi32>], vector<16xf32>, vector<16xi1>
        %add3A_900 = arith.constant 1 : i32
        %add3A_901 = vector.broadcast %add3A_900 : i32 to vector<16xi32>
        %add3A_902 = arith.addi %add3A_899, %add3A_901 : vector<16xi32>
        tpu.vector_store_idx %arg23[%add3A_902], %gather3A_873 masked %and3A_888 : memref<6144xf32, #tpu.memory_space<vmem>>[vector<16xi32>], vector<16xf32>, vector<16xi1>
        %add3A_903 = arith.constant 2 : i32
        %add3A_904 = vector.broadcast %add3A_903 : i32 to vector<16xi32>
        %add3A_905 = arith.addi %add3A_899, %add3A_904 : vector<16xi32>
        tpu.vector_store_idx %arg23[%add3A_905], %gather3A_874 masked %and3A_888 : memref<6144xf32, #tpu.memory_space<vmem>>[vector<16xi32>], vector<16xf32>, vector<16xi1>
        %jit3A_906 = arith.constant 1 : i32
        %jit3A_907 = arith.constant 0 : i32
        %broadcast_in_dim3A_908 = vector.broadcast %jit3A_906 : i32 to vector<16xi32>
        %broadcast_in_dim3A_909 = vector.broadcast %jit3A_907 : i32 to vector<16xi32>
        %select_n3A_910 = arith.select %and3A_888, %broadcast_in_dim3A_908, %broadcast_in_dim3A_909 : vector<16xi1>, vector<16xi32>
        %add3A_911 = arith.addi %while3A_864, %select_n3A_910 : vector<16xi32>
        scf.yield %add3A_911 : vector<16xi32>
      }
      %while3A_161 = arith.constant 1 : i32
      %while3A_162 = scf.for %while3A_863 = %while3A_158 to %while3A_154 step %while3A_161 iter_args(%while3A_864 = %while3A_160) -> (vector<16xi32>)  : i32 {
        %add3A_865 = vector.broadcast %while3A_863 : i32 to vector<16xi32>
        %add3A_866 = arith.addi %select_n3A, %add3A_865 : vector<16xi32>
        %lt3A_867 = arith.cmpi slt, %add3A_866, %select_n3A_144 : vector<16xi32>
        %jit3A_868 = arith.constant 0 : i32
        %broadcast_in_dim3A_869 = vector.broadcast %jit3A_868 : i32 to vector<16xi32>
        %select_n3A_870 = arith.select %lt3A_867, %add3A_866, %broadcast_in_dim3A_869 : vector<16xi1>, vector<16xi32>
        %gather3A_871 = tpu.vector_load_idx %arg20[%select_n3A_870] : memref<13824xi32, #tpu.memory_space<vmem>>[vector<16xi32>], vector<16xi32>,
        %gather3A_872 = tpu.vector_load_idx %arg17[%gather3A_871] : memref<13824xf32, #tpu.memory_space<vmem>>[vector<16xi32>], vector<16xf32>,
        %gather3A_873 = tpu.vector_load_idx %arg18[%gather3A_871] : memref<13824xf32, #tpu.memory_space<vmem>>[vector<16xi32>], vector<16xf32>,
        %gather3A_874 = tpu.vector_load_idx %arg19[%gather3A_871] : memref<13824xf32, #tpu.memory_space<vmem>>[vector<16xi32>], vector<16xf32>,
        %sub3A_875 = arith.subf %gather3A_872, %get3A_45 : vector<16xf32>
        %sub3A_876 = arith.subf %gather3A_873, %get3A_47 : vector<16xf32>
        %sub3A_877 = arith.subf %gather3A_874, %get3A_49 : vector<16xf32>
        %mul3A_878 = arith.mulf %sub3A_875, %sub3A_875 : vector<16xf32>
        %mul3A_879 = arith.mulf %sub3A_876, %sub3A_876 : vector<16xf32>
        %add3A_880 = arith.addf %mul3A_878, %mul3A_879 : vector<16xf32>
        %mul3A_881 = arith.mulf %sub3A_877, %sub3A_877 : vector<16xf32>
        %add3A_882 = arith.addf %add3A_880, %mul3A_881 : vector<16xf32>
        %le3A = vector.broadcast %scan3A_12 : f32 to vector<16xf32>
        %le3A_883 = arith.cmpf ole, %add3A_882, %le3A : vector<16xf32>
        %and3A_884 = arith.andi %lt3A_867, %le3A_883 : vector<16xi1>
        %lt3A_885 = arith.constant 48 : i32
        %lt3A_886 = vector.broadcast %lt3A_885 : i32 to vector<16xi32>
        %lt3A_887 = arith.cmpi slt, %while3A_864, %lt3A_886 : vector<16xi32>
        %and3A_888 = arith.andi %and3A_884, %lt3A_887 : vector<16xi1>
        %mul3A_889 = arith.constant 48 : i32
        %mul3A_890 = vector.broadcast %mul3A_889 : i32 to vector<16xi32>
        %mul3A_891 = arith.muli %iota3A, %mul3A_890 : vector<16xi32>
        %add3A_892 = arith.addi %mul3A_891, %while3A_864 : vector<16xi32>
        %add3A_893 = vector.broadcast %mul3A_42 : i32 to vector<16xi32>
        %add3A_894 = arith.addi %add3A_893, %add3A_892 : vector<16xi32>
        tpu.vector_store_idx %arg22[%add3A_894], %gather3A_871 masked %and3A_888 : memref<1536xi32, #tpu.memory_space<vmem>>[vector<16xi32>], vector<16xi32>, vector<16xi1>
        %mul3A_895 = arith.constant 4 : i32
        %mul3A_896 = vector.broadcast %mul3A_895 : i32 to vector<16xi32>
        %mul3A_897 = arith.muli %add3A_892, %mul3A_896 : vector<16xi32>
        %add3A_898 = vector.broadcast %mul3A_44 : i32 to vector<16xi32>
        %add3A_899 = arith.addi %add3A_898, %mul3A_897 : vector<16xi32>
        tpu.vector_store_idx %arg23[%add3A_899], %gather3A_872 masked %and3A_888 : memref<6144xf32, #tpu.memory_space<vmem>>[vector<16xi32>], vector<16xf32>, vector<16xi1>
        %add3A_900 = arith.constant 1 : i32
        %add3A_901 = vector.broadcast %add3A_900 : i32 to vector<16xi32>
        %add3A_902 = arith.addi %add3A_899, %add3A_901 : vector<16xi32>
        tpu.vector_store_idx %arg23[%add3A_902], %gather3A_873 masked %and3A_888 : memref<6144xf32, #tpu.memory_space<vmem>>[vector<16xi32>], vector<16xf32>, vector<16xi1>
        %add3A_903 = arith.constant 2 : i32
        %add3A_904 = vector.broadcast %add3A_903 : i32 to vector<16xi32>
        %add3A_905 = arith.addi %add3A_899, %add3A_904 : vector<16xi32>
        tpu.vector_store_idx %arg23[%add3A_905], %gather3A_874 masked %and3A_888 : memref<6144xf32, #tpu.memory_space<vmem>>[vector<16xi32>], vector<16xf32>, vector<16xi1>
        %jit3A_906 = arith.constant 1 : i32
        %jit3A_907 = arith.constant 0 : i32
        %broadcast_in_dim3A_908 = vector.broadcast %jit3A_906 : i32 to vector<16xi32>
        %broadcast_in_dim3A_909 = vector.broadcast %jit3A_907 : i32 to vector<16xi32>
        %select_n3A_910 = arith.select %and3A_888, %broadcast_in_dim3A_908, %broadcast_in_dim3A_909 : vector<16xi1>, vector<16xi32>
        %add3A_911 = arith.addi %while3A_864, %select_n3A_910 : vector<16xi32>
        scf.yield %add3A_911 : vector<16xi32>
      }
      %add3A_163 = arith.constant -1 : i32
      %add3A_164 = vector.broadcast %add3A_163 : i32 to vector<16xi32>
      %add3A_165 = arith.addi %min3A_56, %add3A_164 : vector<16xi32>
      %add3A_166 = arith.constant 0 : i32
      %add3A_167 = vector.broadcast %add3A_166 : i32 to vector<16xi32>
      %add3A_168 = arith.addi %min3A_66, %add3A_167 : vector<16xi32>
      %ge3A_169 = arith.constant 0 : i32
      %ge3A_170 = vector.broadcast %ge3A_169 : i32 to vector<16xi32>
      %ge3A_171 = arith.cmpi sge, %add3A_165, %ge3A_170 : vector<16xi32>
      %lt3A_172 = arith.constant 14 : i32
      %lt3A_173 = vector.broadcast %lt3A_172 : i32 to vector<16xi32>
      %lt3A_174 = arith.cmpi slt, %add3A_165, %lt3A_173 : vector<16xi32>
      %and3A_175 = arith.andi %ge3A_171, %lt3A_174 : vector<16xi1>
      %ge3A_176 = arith.constant 0 : i32
      %ge3A_177 = vector.broadcast %ge3A_176 : i32 to vector<16xi32>
      %ge3A_178 = arith.cmpi sge, %add3A_168, %ge3A_177 : vector<16xi32>
      %and3A_179 = arith.andi %and3A_175, %ge3A_178 : vector<16xi1>
      %lt3A_180 = arith.constant 14 : i32
      %lt3A_181 = vector.broadcast %lt3A_180 : i32 to vector<16xi32>
      %lt3A_182 = arith.cmpi slt, %add3A_168, %lt3A_181 : vector<16xi32>
      %and3A_183 = arith.andi %and3A_179, %lt3A_182 : vector<16xi1>
      %jit3A_184 = arith.constant 0 : i32
      %jit3A_185 = arith.constant 13 : i32
      %max3A_186 = vector.broadcast %jit3A_184 : i32 to vector<16xi32>
      %max3A_187 = arith.maxsi %max3A_186, %add3A_165 : vector<16xi32>
      %min3A_188 = vector.broadcast %jit3A_185 : i32 to vector<16xi32>
      %min3A_189 = arith.minsi %min3A_188, %max3A_187 : vector<16xi32>
      %jit3A_190 = arith.constant 0 : i32
      %jit3A_191 = arith.constant 13 : i32
      %max3A_192 = vector.broadcast %jit3A_190 : i32 to vector<16xi32>
      %max3A_193 = arith.maxsi %max3A_192, %add3A_168 : vector<16xi32>
      %min3A_194 = vector.broadcast %jit3A_191 : i32 to vector<16xi32>
      %min3A_195 = arith.minsi %min3A_194, %max3A_193 : vector<16xi32>
      %mul3A_196 = arith.constant 14 : i32
      %mul3A_197 = vector.broadcast %mul3A_196 : i32 to vector<16xi32>
      %mul3A_198 = arith.muli %min3A_189, %mul3A_197 : vector<16xi32>
      %add3A_199 = arith.addi %mul3A_198, %min3A_195 : vector<16xi32>
      %mul3A_200 = arith.constant 14 : i32
      %mul3A_201 = vector.broadcast %mul3A_200 : i32 to vector<16xi32>
      %mul3A_202 = arith.muli %add3A_199, %mul3A_201 : vector<16xi32>
      %add3A_203 = arith.addi %mul3A_202, %max3A_81 : vector<16xi32>
      %add3A_204 = arith.addi %mul3A_202, %min3A_87 : vector<16xi32>
      %gather3A_205 = tpu.vector_load_idx %arg21[%add3A_203] : memref<2752xi32, #tpu.memory_space<vmem>>[vector<16xi32>], vector<16xi32>,
      %add3A_206 = arith.constant 1 : i32
      %add3A_207 = vector.broadcast %add3A_206 : i32 to vector<16xi32>
      %add3A_208 = arith.addi %add3A_204, %add3A_207 : vector<16xi32>
      %gather3A_209 = tpu.vector_load_idx %arg21[%add3A_208] : memref<2752xi32, #tpu.memory_space<vmem>>[vector<16xi32>], vector<16xi32>,
      %jit3A_210 = arith.constant 0 : i32
      %broadcast_in_dim3A_211 = vector.broadcast %jit3A_210 : i32 to vector<16xi32>
      %select_n3A_212 = arith.select %and3A_183, %gather3A_205, %broadcast_in_dim3A_211 : vector<16xi1>, vector<16xi32>
      %jit3A_213 = arith.constant 0 : i32
      %broadcast_in_dim3A_214 = vector.broadcast %jit3A_213 : i32 to vector<16xi32>
      %select_n3A_215 = arith.select %and3A_183, %gather3A_209, %broadcast_in_dim3A_214 : vector<16xi1>, vector<16xi32>
      %sub3A_216 = arith.subi %select_n3A_215, %select_n3A_212 : vector<16xi32>
      %reduce_max3A_217 = arith.constant true
      %reduce_max3A_218 = vector.broadcast %reduce_max3A_217 : i1 to vector<16xi1>
      %reduce_max3A_219 = arith.constant -2147483648 : i32
      %reduce_max3A_220 = vector.broadcast %reduce_max3A_219 : i32 to vector<16xi32>
      %reduce_max3A_221 = arith.xori %sub3A_216, %reduce_max3A_220 : vector<16xi32>
      %reduce_max3A_222 = tpu.scan <max>, %reduce_max3A_221 masked %reduce_max3A_218 : vector<16xi32>, vector<16xi1> -> vector<16xi32>
      %reduce_max3A_223 = arith.xori %reduce_max3A_222, %reduce_max3A_220 : vector<16xi32>
      %reduce_max3A_224 = vector.extract %reduce_max3A_223[15] : i32 from vector<16xi32>
      %while3A_225 = arith.constant 0 : i32
      %while3A_226 = arith.subi %reduce_max3A_224, %while3A_225 : i32
      %while3A_227 = arith.addi %while3A_225, %while3A_226 : i32
      %while3A_228 = arith.constant 1 : i32
      %while3A_229 = arith.divsi %while3A_226, %while3A_228 : i32
      %while3A_230 = arith.muli %while3A_229, %while3A_228 : i32
      %while3A_231 = arith.addi %while3A_225, %while3A_230 : i32
      %while3A_232 = arith.constant 1 : i32
      %while3A_233 = scf.for %while3A_863 = %while3A_225 to %while3A_231 step %while3A_232 iter_args(%while3A_864 = %while3A_162) -> (vector<16xi32>)  : i32 {
        %add3A_865 = vector.broadcast %while3A_863 : i32 to vector<16xi32>
        %add3A_866 = arith.addi %select_n3A_212, %add3A_865 : vector<16xi32>
        %lt3A_867 = arith.cmpi slt, %add3A_866, %select_n3A_215 : vector<16xi32>
        %jit3A_868 = arith.constant 0 : i32
        %broadcast_in_dim3A_869 = vector.broadcast %jit3A_868 : i32 to vector<16xi32>
        %select_n3A_870 = arith.select %lt3A_867, %add3A_866, %broadcast_in_dim3A_869 : vector<16xi1>, vector<16xi32>
        %gather3A_871 = tpu.vector_load_idx %arg20[%select_n3A_870] : memref<13824xi32, #tpu.memory_space<vmem>>[vector<16xi32>], vector<16xi32>,
        %gather3A_872 = tpu.vector_load_idx %arg17[%gather3A_871] : memref<13824xf32, #tpu.memory_space<vmem>>[vector<16xi32>], vector<16xf32>,
        %gather3A_873 = tpu.vector_load_idx %arg18[%gather3A_871] : memref<13824xf32, #tpu.memory_space<vmem>>[vector<16xi32>], vector<16xf32>,
        %gather3A_874 = tpu.vector_load_idx %arg19[%gather3A_871] : memref<13824xf32, #tpu.memory_space<vmem>>[vector<16xi32>], vector<16xf32>,
        %sub3A_875 = arith.subf %gather3A_872, %get3A_45 : vector<16xf32>
        %sub3A_876 = arith.subf %gather3A_873, %get3A_47 : vector<16xf32>
        %sub3A_877 = arith.subf %gather3A_874, %get3A_49 : vector<16xf32>
        %mul3A_878 = arith.mulf %sub3A_875, %sub3A_875 : vector<16xf32>
        %mul3A_879 = arith.mulf %sub3A_876, %sub3A_876 : vector<16xf32>
        %add3A_880 = arith.addf %mul3A_878, %mul3A_879 : vector<16xf32>
        %mul3A_881 = arith.mulf %sub3A_877, %sub3A_877 : vector<16xf32>
        %add3A_882 = arith.addf %add3A_880, %mul3A_881 : vector<16xf32>
        %le3A = vector.broadcast %scan3A_12 : f32 to vector<16xf32>
        %le3A_883 = arith.cmpf ole, %add3A_882, %le3A : vector<16xf32>
        %and3A_884 = arith.andi %lt3A_867, %le3A_883 : vector<16xi1>
        %lt3A_885 = arith.constant 48 : i32
        %lt3A_886 = vector.broadcast %lt3A_885 : i32 to vector<16xi32>
        %lt3A_887 = arith.cmpi slt, %while3A_864, %lt3A_886 : vector<16xi32>
        %and3A_888 = arith.andi %and3A_884, %lt3A_887 : vector<16xi1>
        %mul3A_889 = arith.constant 48 : i32
        %mul3A_890 = vector.broadcast %mul3A_889 : i32 to vector<16xi32>
        %mul3A_891 = arith.muli %iota3A, %mul3A_890 : vector<16xi32>
        %add3A_892 = arith.addi %mul3A_891, %while3A_864 : vector<16xi32>
        %add3A_893 = vector.broadcast %mul3A_42 : i32 to vector<16xi32>
        %add3A_894 = arith.addi %add3A_893, %add3A_892 : vector<16xi32>
        tpu.vector_store_idx %arg22[%add3A_894], %gather3A_871 masked %and3A_888 : memref<1536xi32, #tpu.memory_space<vmem>>[vector<16xi32>], vector<16xi32>, vector<16xi1>
        %mul3A_895 = arith.constant 4 : i32
        %mul3A_896 = vector.broadcast %mul3A_895 : i32 to vector<16xi32>
        %mul3A_897 = arith.muli %add3A_892, %mul3A_896 : vector<16xi32>
        %add3A_898 = vector.broadcast %mul3A_44 : i32 to vector<16xi32>
        %add3A_899 = arith.addi %add3A_898, %mul3A_897 : vector<16xi32>
        tpu.vector_store_idx %arg23[%add3A_899], %gather3A_872 masked %and3A_888 : memref<6144xf32, #tpu.memory_space<vmem>>[vector<16xi32>], vector<16xf32>, vector<16xi1>
        %add3A_900 = arith.constant 1 : i32
        %add3A_901 = vector.broadcast %add3A_900 : i32 to vector<16xi32>
        %add3A_902 = arith.addi %add3A_899, %add3A_901 : vector<16xi32>
        tpu.vector_store_idx %arg23[%add3A_902], %gather3A_873 masked %and3A_888 : memref<6144xf32, #tpu.memory_space<vmem>>[vector<16xi32>], vector<16xf32>, vector<16xi1>
        %add3A_903 = arith.constant 2 : i32
        %add3A_904 = vector.broadcast %add3A_903 : i32 to vector<16xi32>
        %add3A_905 = arith.addi %add3A_899, %add3A_904 : vector<16xi32>
        tpu.vector_store_idx %arg23[%add3A_905], %gather3A_874 masked %and3A_888 : memref<6144xf32, #tpu.memory_space<vmem>>[vector<16xi32>], vector<16xf32>, vector<16xi1>
        %jit3A_906 = arith.constant 1 : i32
        %jit3A_907 = arith.constant 0 : i32
        %broadcast_in_dim3A_908 = vector.broadcast %jit3A_906 : i32 to vector<16xi32>
        %broadcast_in_dim3A_909 = vector.broadcast %jit3A_907 : i32 to vector<16xi32>
        %select_n3A_910 = arith.select %and3A_888, %broadcast_in_dim3A_908, %broadcast_in_dim3A_909 : vector<16xi1>, vector<16xi32>
        %add3A_911 = arith.addi %while3A_864, %select_n3A_910 : vector<16xi32>
        scf.yield %add3A_911 : vector<16xi32>
      }
      %while3A_234 = arith.constant 1 : i32
      %while3A_235 = scf.for %while3A_863 = %while3A_231 to %while3A_227 step %while3A_234 iter_args(%while3A_864 = %while3A_233) -> (vector<16xi32>)  : i32 {
        %add3A_865 = vector.broadcast %while3A_863 : i32 to vector<16xi32>
        %add3A_866 = arith.addi %select_n3A_212, %add3A_865 : vector<16xi32>
        %lt3A_867 = arith.cmpi slt, %add3A_866, %select_n3A_215 : vector<16xi32>
        %jit3A_868 = arith.constant 0 : i32
        %broadcast_in_dim3A_869 = vector.broadcast %jit3A_868 : i32 to vector<16xi32>
        %select_n3A_870 = arith.select %lt3A_867, %add3A_866, %broadcast_in_dim3A_869 : vector<16xi1>, vector<16xi32>
        %gather3A_871 = tpu.vector_load_idx %arg20[%select_n3A_870] : memref<13824xi32, #tpu.memory_space<vmem>>[vector<16xi32>], vector<16xi32>,
        %gather3A_872 = tpu.vector_load_idx %arg17[%gather3A_871] : memref<13824xf32, #tpu.memory_space<vmem>>[vector<16xi32>], vector<16xf32>,
        %gather3A_873 = tpu.vector_load_idx %arg18[%gather3A_871] : memref<13824xf32, #tpu.memory_space<vmem>>[vector<16xi32>], vector<16xf32>,
        %gather3A_874 = tpu.vector_load_idx %arg19[%gather3A_871] : memref<13824xf32, #tpu.memory_space<vmem>>[vector<16xi32>], vector<16xf32>,
        %sub3A_875 = arith.subf %gather3A_872, %get3A_45 : vector<16xf32>
        %sub3A_876 = arith.subf %gather3A_873, %get3A_47 : vector<16xf32>
        %sub3A_877 = arith.subf %gather3A_874, %get3A_49 : vector<16xf32>
        %mul3A_878 = arith.mulf %sub3A_875, %sub3A_875 : vector<16xf32>
        %mul3A_879 = arith.mulf %sub3A_876, %sub3A_876 : vector<16xf32>
        %add3A_880 = arith.addf %mul3A_878, %mul3A_879 : vector<16xf32>
        %mul3A_881 = arith.mulf %sub3A_877, %sub3A_877 : vector<16xf32>
        %add3A_882 = arith.addf %add3A_880, %mul3A_881 : vector<16xf32>
        %le3A = vector.broadcast %scan3A_12 : f32 to vector<16xf32>
        %le3A_883 = arith.cmpf ole, %add3A_882, %le3A : vector<16xf32>
        %and3A_884 = arith.andi %lt3A_867, %le3A_883 : vector<16xi1>
        %lt3A_885 = arith.constant 48 : i32
        %lt3A_886 = vector.broadcast %lt3A_885 : i32 to vector<16xi32>
        %lt3A_887 = arith.cmpi slt, %while3A_864, %lt3A_886 : vector<16xi32>
        %and3A_888 = arith.andi %and3A_884, %lt3A_887 : vector<16xi1>
        %mul3A_889 = arith.constant 48 : i32
        %mul3A_890 = vector.broadcast %mul3A_889 : i32 to vector<16xi32>
        %mul3A_891 = arith.muli %iota3A, %mul3A_890 : vector<16xi32>
        %add3A_892 = arith.addi %mul3A_891, %while3A_864 : vector<16xi32>
        %add3A_893 = vector.broadcast %mul3A_42 : i32 to vector<16xi32>
        %add3A_894 = arith.addi %add3A_893, %add3A_892 : vector<16xi32>
        tpu.vector_store_idx %arg22[%add3A_894], %gather3A_871 masked %and3A_888 : memref<1536xi32, #tpu.memory_space<vmem>>[vector<16xi32>], vector<16xi32>, vector<16xi1>
        %mul3A_895 = arith.constant 4 : i32
        %mul3A_896 = vector.broadcast %mul3A_895 : i32 to vector<16xi32>
        %mul3A_897 = arith.muli %add3A_892, %mul3A_896 : vector<16xi32>
        %add3A_898 = vector.broadcast %mul3A_44 : i32 to vector<16xi32>
        %add3A_899 = arith.addi %add3A_898, %mul3A_897 : vector<16xi32>
        tpu.vector_store_idx %arg23[%add3A_899], %gather3A_872 masked %and3A_888 : memref<6144xf32, #tpu.memory_space<vmem>>[vector<16xi32>], vector<16xf32>, vector<16xi1>
        %add3A_900 = arith.constant 1 : i32
        %add3A_901 = vector.broadcast %add3A_900 : i32 to vector<16xi32>
        %add3A_902 = arith.addi %add3A_899, %add3A_901 : vector<16xi32>
        tpu.vector_store_idx %arg23[%add3A_902], %gather3A_873 masked %and3A_888 : memref<6144xf32, #tpu.memory_space<vmem>>[vector<16xi32>], vector<16xf32>, vector<16xi1>
        %add3A_903 = arith.constant 2 : i32
        %add3A_904 = vector.broadcast %add3A_903 : i32 to vector<16xi32>
        %add3A_905 = arith.addi %add3A_899, %add3A_904 : vector<16xi32>
        tpu.vector_store_idx %arg23[%add3A_905], %gather3A_874 masked %and3A_888 : memref<6144xf32, #tpu.memory_space<vmem>>[vector<16xi32>], vector<16xf32>, vector<16xi1>
        %jit3A_906 = arith.constant 1 : i32
        %jit3A_907 = arith.constant 0 : i32
        %broadcast_in_dim3A_908 = vector.broadcast %jit3A_906 : i32 to vector<16xi32>
        %broadcast_in_dim3A_909 = vector.broadcast %jit3A_907 : i32 to vector<16xi32>
        %select_n3A_910 = arith.select %and3A_888, %broadcast_in_dim3A_908, %broadcast_in_dim3A_909 : vector<16xi1>, vector<16xi32>
        %add3A_911 = arith.addi %while3A_864, %select_n3A_910 : vector<16xi32>
        scf.yield %add3A_911 : vector<16xi32>
      }
      %add3A_236 = arith.constant -1 : i32
      %add3A_237 = vector.broadcast %add3A_236 : i32 to vector<16xi32>
      %add3A_238 = arith.addi %min3A_56, %add3A_237 : vector<16xi32>
      %add3A_239 = arith.constant 1 : i32
      %add3A_240 = vector.broadcast %add3A_239 : i32 to vector<16xi32>
      %add3A_241 = arith.addi %min3A_66, %add3A_240 : vector<16xi32>
      %ge3A_242 = arith.constant 0 : i32
      %ge3A_243 = vector.broadcast %ge3A_242 : i32 to vector<16xi32>
      %ge3A_244 = arith.cmpi sge, %add3A_238, %ge3A_243 : vector<16xi32>
      %lt3A_245 = arith.constant 14 : i32
      %lt3A_246 = vector.broadcast %lt3A_245 : i32 to vector<16xi32>
      %lt3A_247 = arith.cmpi slt, %add3A_238, %lt3A_246 : vector<16xi32>
      %and3A_248 = arith.andi %ge3A_244, %lt3A_247 : vector<16xi1>
      %ge3A_249 = arith.constant 0 : i32
      %ge3A_250 = vector.broadcast %ge3A_249 : i32 to vector<16xi32>
      %ge3A_251 = arith.cmpi sge, %add3A_241, %ge3A_250 : vector<16xi32>
      %and3A_252 = arith.andi %and3A_248, %ge3A_251 : vector<16xi1>
      %lt3A_253 = arith.constant 14 : i32
      %lt3A_254 = vector.broadcast %lt3A_253 : i32 to vector<16xi32>
      %lt3A_255 = arith.cmpi slt, %add3A_241, %lt3A_254 : vector<16xi32>
      %and3A_256 = arith.andi %and3A_252, %lt3A_255 : vector<16xi1>
      %jit3A_257 = arith.constant 0 : i32
      %jit3A_258 = arith.constant 13 : i32
      %max3A_259 = vector.broadcast %jit3A_257 : i32 to vector<16xi32>
      %max3A_260 = arith.maxsi %max3A_259, %add3A_238 : vector<16xi32>
      %min3A_261 = vector.broadcast %jit3A_258 : i32 to vector<16xi32>
      %min3A_262 = arith.minsi %min3A_261, %max3A_260 : vector<16xi32>
      %jit3A_263 = arith.constant 0 : i32
      %jit3A_264 = arith.constant 13 : i32
      %max3A_265 = vector.broadcast %jit3A_263 : i32 to vector<16xi32>
      %max3A_266 = arith.maxsi %max3A_265, %add3A_241 : vector<16xi32>
      %min3A_267 = vector.broadcast %jit3A_264 : i32 to vector<16xi32>
      %min3A_268 = arith.minsi %min3A_267, %max3A_266 : vector<16xi32>
      %mul3A_269 = arith.constant 14 : i32
      %mul3A_270 = vector.broadcast %mul3A_269 : i32 to vector<16xi32>
      %mul3A_271 = arith.muli %min3A_262, %mul3A_270 : vector<16xi32>
      %add3A_272 = arith.addi %mul3A_271, %min3A_268 : vector<16xi32>
      %mul3A_273 = arith.constant 14 : i32
      %mul3A_274 = vector.broadcast %mul3A_273 : i32 to vector<16xi32>
      %mul3A_275 = arith.muli %add3A_272, %mul3A_274 : vector<16xi32>
      %add3A_276 = arith.addi %mul3A_275, %max3A_81 : vector<16xi32>
      %add3A_277 = arith.addi %mul3A_275, %min3A_87 : vector<16xi32>
      %gather3A_278 = tpu.vector_load_idx %arg21[%add3A_276] : memref<2752xi32, #tpu.memory_space<vmem>>[vector<16xi32>], vector<16xi32>,
      %add3A_279 = arith.constant 1 : i32
      %add3A_280 = vector.broadcast %add3A_279 : i32 to vector<16xi32>
      %add3A_281 = arith.addi %add3A_277, %add3A_280 : vector<16xi32>
      %gather3A_282 = tpu.vector_load_idx %arg21[%add3A_281] : memref<2752xi32, #tpu.memory_space<vmem>>[vector<16xi32>], vector<16xi32>,
      %jit3A_283 = arith.constant 0 : i32
      %broadcast_in_dim3A_284 = vector.broadcast %jit3A_283 : i32 to vector<16xi32>
      %select_n3A_285 = arith.select %and3A_256, %gather3A_278, %broadcast_in_dim3A_284 : vector<16xi1>, vector<16xi32>
      %jit3A_286 = arith.constant 0 : i32
      %broadcast_in_dim3A_287 = vector.broadcast %jit3A_286 : i32 to vector<16xi32>
      %select_n3A_288 = arith.select %and3A_256, %gather3A_282, %broadcast_in_dim3A_287 : vector<16xi1>, vector<16xi32>
      %sub3A_289 = arith.subi %select_n3A_288, %select_n3A_285 : vector<16xi32>
      %reduce_max3A_290 = arith.constant true
      %reduce_max3A_291 = vector.broadcast %reduce_max3A_290 : i1 to vector<16xi1>
      %reduce_max3A_292 = arith.constant -2147483648 : i32
      %reduce_max3A_293 = vector.broadcast %reduce_max3A_292 : i32 to vector<16xi32>
      %reduce_max3A_294 = arith.xori %sub3A_289, %reduce_max3A_293 : vector<16xi32>
      %reduce_max3A_295 = tpu.scan <max>, %reduce_max3A_294 masked %reduce_max3A_291 : vector<16xi32>, vector<16xi1> -> vector<16xi32>
      %reduce_max3A_296 = arith.xori %reduce_max3A_295, %reduce_max3A_293 : vector<16xi32>
      %reduce_max3A_297 = vector.extract %reduce_max3A_296[15] : i32 from vector<16xi32>
      %while3A_298 = arith.constant 0 : i32
      %while3A_299 = arith.subi %reduce_max3A_297, %while3A_298 : i32
      %while3A_300 = arith.addi %while3A_298, %while3A_299 : i32
      %while3A_301 = arith.constant 1 : i32
      %while3A_302 = arith.divsi %while3A_299, %while3A_301 : i32
      %while3A_303 = arith.muli %while3A_302, %while3A_301 : i32
      %while3A_304 = arith.addi %while3A_298, %while3A_303 : i32
      %while3A_305 = arith.constant 1 : i32
      %while3A_306 = scf.for %while3A_863 = %while3A_298 to %while3A_304 step %while3A_305 iter_args(%while3A_864 = %while3A_235) -> (vector<16xi32>)  : i32 {
        %add3A_865 = vector.broadcast %while3A_863 : i32 to vector<16xi32>
        %add3A_866 = arith.addi %select_n3A_285, %add3A_865 : vector<16xi32>
        %lt3A_867 = arith.cmpi slt, %add3A_866, %select_n3A_288 : vector<16xi32>
        %jit3A_868 = arith.constant 0 : i32
        %broadcast_in_dim3A_869 = vector.broadcast %jit3A_868 : i32 to vector<16xi32>
        %select_n3A_870 = arith.select %lt3A_867, %add3A_866, %broadcast_in_dim3A_869 : vector<16xi1>, vector<16xi32>
        %gather3A_871 = tpu.vector_load_idx %arg20[%select_n3A_870] : memref<13824xi32, #tpu.memory_space<vmem>>[vector<16xi32>], vector<16xi32>,
        %gather3A_872 = tpu.vector_load_idx %arg17[%gather3A_871] : memref<13824xf32, #tpu.memory_space<vmem>>[vector<16xi32>], vector<16xf32>,
        %gather3A_873 = tpu.vector_load_idx %arg18[%gather3A_871] : memref<13824xf32, #tpu.memory_space<vmem>>[vector<16xi32>], vector<16xf32>,
        %gather3A_874 = tpu.vector_load_idx %arg19[%gather3A_871] : memref<13824xf32, #tpu.memory_space<vmem>>[vector<16xi32>], vector<16xf32>,
        %sub3A_875 = arith.subf %gather3A_872, %get3A_45 : vector<16xf32>
        %sub3A_876 = arith.subf %gather3A_873, %get3A_47 : vector<16xf32>
        %sub3A_877 = arith.subf %gather3A_874, %get3A_49 : vector<16xf32>
        %mul3A_878 = arith.mulf %sub3A_875, %sub3A_875 : vector<16xf32>
        %mul3A_879 = arith.mulf %sub3A_876, %sub3A_876 : vector<16xf32>
        %add3A_880 = arith.addf %mul3A_878, %mul3A_879 : vector<16xf32>
        %mul3A_881 = arith.mulf %sub3A_877, %sub3A_877 : vector<16xf32>
        %add3A_882 = arith.addf %add3A_880, %mul3A_881 : vector<16xf32>
        %le3A = vector.broadcast %scan3A_12 : f32 to vector<16xf32>
        %le3A_883 = arith.cmpf ole, %add3A_882, %le3A : vector<16xf32>
        %and3A_884 = arith.andi %lt3A_867, %le3A_883 : vector<16xi1>
        %lt3A_885 = arith.constant 48 : i32
        %lt3A_886 = vector.broadcast %lt3A_885 : i32 to vector<16xi32>
        %lt3A_887 = arith.cmpi slt, %while3A_864, %lt3A_886 : vector<16xi32>
        %and3A_888 = arith.andi %and3A_884, %lt3A_887 : vector<16xi1>
        %mul3A_889 = arith.constant 48 : i32
        %mul3A_890 = vector.broadcast %mul3A_889 : i32 to vector<16xi32>
        %mul3A_891 = arith.muli %iota3A, %mul3A_890 : vector<16xi32>
        %add3A_892 = arith.addi %mul3A_891, %while3A_864 : vector<16xi32>
        %add3A_893 = vector.broadcast %mul3A_42 : i32 to vector<16xi32>
        %add3A_894 = arith.addi %add3A_893, %add3A_892 : vector<16xi32>
        tpu.vector_store_idx %arg22[%add3A_894], %gather3A_871 masked %and3A_888 : memref<1536xi32, #tpu.memory_space<vmem>>[vector<16xi32>], vector<16xi32>, vector<16xi1>
        %mul3A_895 = arith.constant 4 : i32
        %mul3A_896 = vector.broadcast %mul3A_895 : i32 to vector<16xi32>
        %mul3A_897 = arith.muli %add3A_892, %mul3A_896 : vector<16xi32>
        %add3A_898 = vector.broadcast %mul3A_44 : i32 to vector<16xi32>
        %add3A_899 = arith.addi %add3A_898, %mul3A_897 : vector<16xi32>
        tpu.vector_store_idx %arg23[%add3A_899], %gather3A_872 masked %and3A_888 : memref<6144xf32, #tpu.memory_space<vmem>>[vector<16xi32>], vector<16xf32>, vector<16xi1>
        %add3A_900 = arith.constant 1 : i32
        %add3A_901 = vector.broadcast %add3A_900 : i32 to vector<16xi32>
        %add3A_902 = arith.addi %add3A_899, %add3A_901 : vector<16xi32>
        tpu.vector_store_idx %arg23[%add3A_902], %gather3A_873 masked %and3A_888 : memref<6144xf32, #tpu.memory_space<vmem>>[vector<16xi32>], vector<16xf32>, vector<16xi1>
        %add3A_903 = arith.constant 2 : i32
        %add3A_904 = vector.broadcast %add3A_903 : i32 to vector<16xi32>
        %add3A_905 = arith.addi %add3A_899, %add3A_904 : vector<16xi32>
        tpu.vector_store_idx %arg23[%add3A_905], %gather3A_874 masked %and3A_888 : memref<6144xf32, #tpu.memory_space<vmem>>[vector<16xi32>], vector<16xf32>, vector<16xi1>
        %jit3A_906 = arith.constant 1 : i32
        %jit3A_907 = arith.constant 0 : i32
        %broadcast_in_dim3A_908 = vector.broadcast %jit3A_906 : i32 to vector<16xi32>
        %broadcast_in_dim3A_909 = vector.broadcast %jit3A_907 : i32 to vector<16xi32>
        %select_n3A_910 = arith.select %and3A_888, %broadcast_in_dim3A_908, %broadcast_in_dim3A_909 : vector<16xi1>, vector<16xi32>
        %add3A_911 = arith.addi %while3A_864, %select_n3A_910 : vector<16xi32>
        scf.yield %add3A_911 : vector<16xi32>
      }
      %while3A_307 = arith.constant 1 : i32
      %while3A_308 = scf.for %while3A_863 = %while3A_304 to %while3A_300 step %while3A_307 iter_args(%while3A_864 = %while3A_306) -> (vector<16xi32>)  : i32 {
        %add3A_865 = vector.broadcast %while3A_863 : i32 to vector<16xi32>
        %add3A_866 = arith.addi %select_n3A_285, %add3A_865 : vector<16xi32>
        %lt3A_867 = arith.cmpi slt, %add3A_866, %select_n3A_288 : vector<16xi32>
        %jit3A_868 = arith.constant 0 : i32
        %broadcast_in_dim3A_869 = vector.broadcast %jit3A_868 : i32 to vector<16xi32>
        %select_n3A_870 = arith.select %lt3A_867, %add3A_866, %broadcast_in_dim3A_869 : vector<16xi1>, vector<16xi32>
        %gather3A_871 = tpu.vector_load_idx %arg20[%select_n3A_870] : memref<13824xi32, #tpu.memory_space<vmem>>[vector<16xi32>], vector<16xi32>,
        %gather3A_872 = tpu.vector_load_idx %arg17[%gather3A_871] : memref<13824xf32, #tpu.memory_space<vmem>>[vector<16xi32>], vector<16xf32>,
        %gather3A_873 = tpu.vector_load_idx %arg18[%gather3A_871] : memref<13824xf32, #tpu.memory_space<vmem>>[vector<16xi32>], vector<16xf32>,
        %gather3A_874 = tpu.vector_load_idx %arg19[%gather3A_871] : memref<13824xf32, #tpu.memory_space<vmem>>[vector<16xi32>], vector<16xf32>,
        %sub3A_875 = arith.subf %gather3A_872, %get3A_45 : vector<16xf32>
        %sub3A_876 = arith.subf %gather3A_873, %get3A_47 : vector<16xf32>
        %sub3A_877 = arith.subf %gather3A_874, %get3A_49 : vector<16xf32>
        %mul3A_878 = arith.mulf %sub3A_875, %sub3A_875 : vector<16xf32>
        %mul3A_879 = arith.mulf %sub3A_876, %sub3A_876 : vector<16xf32>
        %add3A_880 = arith.addf %mul3A_878, %mul3A_879 : vector<16xf32>
        %mul3A_881 = arith.mulf %sub3A_877, %sub3A_877 : vector<16xf32>
        %add3A_882 = arith.addf %add3A_880, %mul3A_881 : vector<16xf32>
        %le3A = vector.broadcast %scan3A_12 : f32 to vector<16xf32>
        %le3A_883 = arith.cmpf ole, %add3A_882, %le3A : vector<16xf32>
        %and3A_884 = arith.andi %lt3A_867, %le3A_883 : vector<16xi1>
        %lt3A_885 = arith.constant 48 : i32
        %lt3A_886 = vector.broadcast %lt3A_885 : i32 to vector<16xi32>
        %lt3A_887 = arith.cmpi slt, %while3A_864, %lt3A_886 : vector<16xi32>
        %and3A_888 = arith.andi %and3A_884, %lt3A_887 : vector<16xi1>
        %mul3A_889 = arith.constant 48 : i32
        %mul3A_890 = vector.broadcast %mul3A_889 : i32 to vector<16xi32>
        %mul3A_891 = arith.muli %iota3A, %mul3A_890 : vector<16xi32>
        %add3A_892 = arith.addi %mul3A_891, %while3A_864 : vector<16xi32>
        %add3A_893 = vector.broadcast %mul3A_42 : i32 to vector<16xi32>
        %add3A_894 = arith.addi %add3A_893, %add3A_892 : vector<16xi32>
        tpu.vector_store_idx %arg22[%add3A_894], %gather3A_871 masked %and3A_888 : memref<1536xi32, #tpu.memory_space<vmem>>[vector<16xi32>], vector<16xi32>, vector<16xi1>
        %mul3A_895 = arith.constant 4 : i32
        %mul3A_896 = vector.broadcast %mul3A_895 : i32 to vector<16xi32>
        %mul3A_897 = arith.muli %add3A_892, %mul3A_896 : vector<16xi32>
        %add3A_898 = vector.broadcast %mul3A_44 : i32 to vector<16xi32>
        %add3A_899 = arith.addi %add3A_898, %mul3A_897 : vector<16xi32>
        tpu.vector_store_idx %arg23[%add3A_899], %gather3A_872 masked %and3A_888 : memref<6144xf32, #tpu.memory_space<vmem>>[vector<16xi32>], vector<16xf32>, vector<16xi1>
        %add3A_900 = arith.constant 1 : i32
        %add3A_901 = vector.broadcast %add3A_900 : i32 to vector<16xi32>
        %add3A_902 = arith.addi %add3A_899, %add3A_901 : vector<16xi32>
        tpu.vector_store_idx %arg23[%add3A_902], %gather3A_873 masked %and3A_888 : memref<6144xf32, #tpu.memory_space<vmem>>[vector<16xi32>], vector<16xf32>, vector<16xi1>
        %add3A_903 = arith.constant 2 : i32
        %add3A_904 = vector.broadcast %add3A_903 : i32 to vector<16xi32>
        %add3A_905 = arith.addi %add3A_899, %add3A_904 : vector<16xi32>
        tpu.vector_store_idx %arg23[%add3A_905], %gather3A_874 masked %and3A_888 : memref<6144xf32, #tpu.memory_space<vmem>>[vector<16xi32>], vector<16xf32>, vector<16xi1>
        %jit3A_906 = arith.constant 1 : i32
        %jit3A_907 = arith.constant 0 : i32
        %broadcast_in_dim3A_908 = vector.broadcast %jit3A_906 : i32 to vector<16xi32>
        %broadcast_in_dim3A_909 = vector.broadcast %jit3A_907 : i32 to vector<16xi32>
        %select_n3A_910 = arith.select %and3A_888, %broadcast_in_dim3A_908, %broadcast_in_dim3A_909 : vector<16xi1>, vector<16xi32>
        %add3A_911 = arith.addi %while3A_864, %select_n3A_910 : vector<16xi32>
        scf.yield %add3A_911 : vector<16xi32>
      }
      %add3A_309 = arith.constant 0 : i32
      %add3A_310 = vector.broadcast %add3A_309 : i32 to vector<16xi32>
      %add3A_311 = arith.addi %min3A_56, %add3A_310 : vector<16xi32>
      %add3A_312 = arith.constant -1 : i32
      %add3A_313 = vector.broadcast %add3A_312 : i32 to vector<16xi32>
      %add3A_314 = arith.addi %min3A_66, %add3A_313 : vector<16xi32>
      %ge3A_315 = arith.constant 0 : i32
      %ge3A_316 = vector.broadcast %ge3A_315 : i32 to vector<16xi32>
      %ge3A_317 = arith.cmpi sge, %add3A_311, %ge3A_316 : vector<16xi32>
      %lt3A_318 = arith.constant 14 : i32
      %lt3A_319 = vector.broadcast %lt3A_318 : i32 to vector<16xi32>
      %lt3A_320 = arith.cmpi slt, %add3A_311, %lt3A_319 : vector<16xi32>
      %and3A_321 = arith.andi %ge3A_317, %lt3A_320 : vector<16xi1>
      %ge3A_322 = arith.constant 0 : i32
      %ge3A_323 = vector.broadcast %ge3A_322 : i32 to vector<16xi32>
      %ge3A_324 = arith.cmpi sge, %add3A_314, %ge3A_323 : vector<16xi32>
      %and3A_325 = arith.andi %and3A_321, %ge3A_324 : vector<16xi1>
      %lt3A_326 = arith.constant 14 : i32
      %lt3A_327 = vector.broadcast %lt3A_326 : i32 to vector<16xi32>
      %lt3A_328 = arith.cmpi slt, %add3A_314, %lt3A_327 : vector<16xi32>
      %and3A_329 = arith.andi %and3A_325, %lt3A_328 : vector<16xi1>
      %jit3A_330 = arith.constant 0 : i32
      %jit3A_331 = arith.constant 13 : i32
      %max3A_332 = vector.broadcast %jit3A_330 : i32 to vector<16xi32>
      %max3A_333 = arith.maxsi %max3A_332, %add3A_311 : vector<16xi32>
      %min3A_334 = vector.broadcast %jit3A_331 : i32 to vector<16xi32>
      %min3A_335 = arith.minsi %min3A_334, %max3A_333 : vector<16xi32>
      %jit3A_336 = arith.constant 0 : i32
      %jit3A_337 = arith.constant 13 : i32
      %max3A_338 = vector.broadcast %jit3A_336 : i32 to vector<16xi32>
      %max3A_339 = arith.maxsi %max3A_338, %add3A_314 : vector<16xi32>
      %min3A_340 = vector.broadcast %jit3A_337 : i32 to vector<16xi32>
      %min3A_341 = arith.minsi %min3A_340, %max3A_339 : vector<16xi32>
      %mul3A_342 = arith.constant 14 : i32
      %mul3A_343 = vector.broadcast %mul3A_342 : i32 to vector<16xi32>
      %mul3A_344 = arith.muli %min3A_335, %mul3A_343 : vector<16xi32>
      %add3A_345 = arith.addi %mul3A_344, %min3A_341 : vector<16xi32>
      %mul3A_346 = arith.constant 14 : i32
      %mul3A_347 = vector.broadcast %mul3A_346 : i32 to vector<16xi32>
      %mul3A_348 = arith.muli %add3A_345, %mul3A_347 : vector<16xi32>
      %add3A_349 = arith.addi %mul3A_348, %max3A_81 : vector<16xi32>
      %add3A_350 = arith.addi %mul3A_348, %min3A_87 : vector<16xi32>
      %gather3A_351 = tpu.vector_load_idx %arg21[%add3A_349] : memref<2752xi32, #tpu.memory_space<vmem>>[vector<16xi32>], vector<16xi32>,
      %add3A_352 = arith.constant 1 : i32
      %add3A_353 = vector.broadcast %add3A_352 : i32 to vector<16xi32>
      %add3A_354 = arith.addi %add3A_350, %add3A_353 : vector<16xi32>
      %gather3A_355 = tpu.vector_load_idx %arg21[%add3A_354] : memref<2752xi32, #tpu.memory_space<vmem>>[vector<16xi32>], vector<16xi32>,
      %jit3A_356 = arith.constant 0 : i32
      %broadcast_in_dim3A_357 = vector.broadcast %jit3A_356 : i32 to vector<16xi32>
      %select_n3A_358 = arith.select %and3A_329, %gather3A_351, %broadcast_in_dim3A_357 : vector<16xi1>, vector<16xi32>
      %jit3A_359 = arith.constant 0 : i32
      %broadcast_in_dim3A_360 = vector.broadcast %jit3A_359 : i32 to vector<16xi32>
      %select_n3A_361 = arith.select %and3A_329, %gather3A_355, %broadcast_in_dim3A_360 : vector<16xi1>, vector<16xi32>
      %sub3A_362 = arith.subi %select_n3A_361, %select_n3A_358 : vector<16xi32>
      %reduce_max3A_363 = arith.constant true
      %reduce_max3A_364 = vector.broadcast %reduce_max3A_363 : i1 to vector<16xi1>
      %reduce_max3A_365 = arith.constant -2147483648 : i32
      %reduce_max3A_366 = vector.broadcast %reduce_max3A_365 : i32 to vector<16xi32>
      %reduce_max3A_367 = arith.xori %sub3A_362, %reduce_max3A_366 : vector<16xi32>
      %reduce_max3A_368 = tpu.scan <max>, %reduce_max3A_367 masked %reduce_max3A_364 : vector<16xi32>, vector<16xi1> -> vector<16xi32>
      %reduce_max3A_369 = arith.xori %reduce_max3A_368, %reduce_max3A_366 : vector<16xi32>
      %reduce_max3A_370 = vector.extract %reduce_max3A_369[15] : i32 from vector<16xi32>
      %while3A_371 = arith.constant 0 : i32
      %while3A_372 = arith.subi %reduce_max3A_370, %while3A_371 : i32
      %while3A_373 = arith.addi %while3A_371, %while3A_372 : i32
      %while3A_374 = arith.constant 1 : i32
      %while3A_375 = arith.divsi %while3A_372, %while3A_374 : i32
      %while3A_376 = arith.muli %while3A_375, %while3A_374 : i32
      %while3A_377 = arith.addi %while3A_371, %while3A_376 : i32
      %while3A_378 = arith.constant 1 : i32
      %while3A_379 = scf.for %while3A_863 = %while3A_371 to %while3A_377 step %while3A_378 iter_args(%while3A_864 = %while3A_308) -> (vector<16xi32>)  : i32 {
        %add3A_865 = vector.broadcast %while3A_863 : i32 to vector<16xi32>
        %add3A_866 = arith.addi %select_n3A_358, %add3A_865 : vector<16xi32>
        %lt3A_867 = arith.cmpi slt, %add3A_866, %select_n3A_361 : vector<16xi32>
        %jit3A_868 = arith.constant 0 : i32
        %broadcast_in_dim3A_869 = vector.broadcast %jit3A_868 : i32 to vector<16xi32>
        %select_n3A_870 = arith.select %lt3A_867, %add3A_866, %broadcast_in_dim3A_869 : vector<16xi1>, vector<16xi32>
        %gather3A_871 = tpu.vector_load_idx %arg20[%select_n3A_870] : memref<13824xi32, #tpu.memory_space<vmem>>[vector<16xi32>], vector<16xi32>,
        %gather3A_872 = tpu.vector_load_idx %arg17[%gather3A_871] : memref<13824xf32, #tpu.memory_space<vmem>>[vector<16xi32>], vector<16xf32>,
        %gather3A_873 = tpu.vector_load_idx %arg18[%gather3A_871] : memref<13824xf32, #tpu.memory_space<vmem>>[vector<16xi32>], vector<16xf32>,
        %gather3A_874 = tpu.vector_load_idx %arg19[%gather3A_871] : memref<13824xf32, #tpu.memory_space<vmem>>[vector<16xi32>], vector<16xf32>,
        %sub3A_875 = arith.subf %gather3A_872, %get3A_45 : vector<16xf32>
        %sub3A_876 = arith.subf %gather3A_873, %get3A_47 : vector<16xf32>
        %sub3A_877 = arith.subf %gather3A_874, %get3A_49 : vector<16xf32>
        %mul3A_878 = arith.mulf %sub3A_875, %sub3A_875 : vector<16xf32>
        %mul3A_879 = arith.mulf %sub3A_876, %sub3A_876 : vector<16xf32>
        %add3A_880 = arith.addf %mul3A_878, %mul3A_879 : vector<16xf32>
        %mul3A_881 = arith.mulf %sub3A_877, %sub3A_877 : vector<16xf32>
        %add3A_882 = arith.addf %add3A_880, %mul3A_881 : vector<16xf32>
        %le3A = vector.broadcast %scan3A_12 : f32 to vector<16xf32>
        %le3A_883 = arith.cmpf ole, %add3A_882, %le3A : vector<16xf32>
        %and3A_884 = arith.andi %lt3A_867, %le3A_883 : vector<16xi1>
        %lt3A_885 = arith.constant 48 : i32
        %lt3A_886 = vector.broadcast %lt3A_885 : i32 to vector<16xi32>
        %lt3A_887 = arith.cmpi slt, %while3A_864, %lt3A_886 : vector<16xi32>
        %and3A_888 = arith.andi %and3A_884, %lt3A_887 : vector<16xi1>
        %mul3A_889 = arith.constant 48 : i32
        %mul3A_890 = vector.broadcast %mul3A_889 : i32 to vector<16xi32>
        %mul3A_891 = arith.muli %iota3A, %mul3A_890 : vector<16xi32>
        %add3A_892 = arith.addi %mul3A_891, %while3A_864 : vector<16xi32>
        %add3A_893 = vector.broadcast %mul3A_42 : i32 to vector<16xi32>
        %add3A_894 = arith.addi %add3A_893, %add3A_892 : vector<16xi32>
        tpu.vector_store_idx %arg22[%add3A_894], %gather3A_871 masked %and3A_888 : memref<1536xi32, #tpu.memory_space<vmem>>[vector<16xi32>], vector<16xi32>, vector<16xi1>
        %mul3A_895 = arith.constant 4 : i32
        %mul3A_896 = vector.broadcast %mul3A_895 : i32 to vector<16xi32>
        %mul3A_897 = arith.muli %add3A_892, %mul3A_896 : vector<16xi32>
        %add3A_898 = vector.broadcast %mul3A_44 : i32 to vector<16xi32>
        %add3A_899 = arith.addi %add3A_898, %mul3A_897 : vector<16xi32>
        tpu.vector_store_idx %arg23[%add3A_899], %gather3A_872 masked %and3A_888 : memref<6144xf32, #tpu.memory_space<vmem>>[vector<16xi32>], vector<16xf32>, vector<16xi1>
        %add3A_900 = arith.constant 1 : i32
        %add3A_901 = vector.broadcast %add3A_900 : i32 to vector<16xi32>
        %add3A_902 = arith.addi %add3A_899, %add3A_901 : vector<16xi32>
        tpu.vector_store_idx %arg23[%add3A_902], %gather3A_873 masked %and3A_888 : memref<6144xf32, #tpu.memory_space<vmem>>[vector<16xi32>], vector<16xf32>, vector<16xi1>
        %add3A_903 = arith.constant 2 : i32
        %add3A_904 = vector.broadcast %add3A_903 : i32 to vector<16xi32>
        %add3A_905 = arith.addi %add3A_899, %add3A_904 : vector<16xi32>
        tpu.vector_store_idx %arg23[%add3A_905], %gather3A_874 masked %and3A_888 : memref<6144xf32, #tpu.memory_space<vmem>>[vector<16xi32>], vector<16xf32>, vector<16xi1>
        %jit3A_906 = arith.constant 1 : i32
        %jit3A_907 = arith.constant 0 : i32
        %broadcast_in_dim3A_908 = vector.broadcast %jit3A_906 : i32 to vector<16xi32>
        %broadcast_in_dim3A_909 = vector.broadcast %jit3A_907 : i32 to vector<16xi32>
        %select_n3A_910 = arith.select %and3A_888, %broadcast_in_dim3A_908, %broadcast_in_dim3A_909 : vector<16xi1>, vector<16xi32>
        %add3A_911 = arith.addi %while3A_864, %select_n3A_910 : vector<16xi32>
        scf.yield %add3A_911 : vector<16xi32>
      }
      %while3A_380 = arith.constant 1 : i32
      %while3A_381 = scf.for %while3A_863 = %while3A_377 to %while3A_373 step %while3A_380 iter_args(%while3A_864 = %while3A_379) -> (vector<16xi32>)  : i32 {
        %add3A_865 = vector.broadcast %while3A_863 : i32 to vector<16xi32>
        %add3A_866 = arith.addi %select_n3A_358, %add3A_865 : vector<16xi32>
        %lt3A_867 = arith.cmpi slt, %add3A_866, %select_n3A_361 : vector<16xi32>
        %jit3A_868 = arith.constant 0 : i32
        %broadcast_in_dim3A_869 = vector.broadcast %jit3A_868 : i32 to vector<16xi32>
        %select_n3A_870 = arith.select %lt3A_867, %add3A_866, %broadcast_in_dim3A_869 : vector<16xi1>, vector<16xi32>
        %gather3A_871 = tpu.vector_load_idx %arg20[%select_n3A_870] : memref<13824xi32, #tpu.memory_space<vmem>>[vector<16xi32>], vector<16xi32>,
        %gather3A_872 = tpu.vector_load_idx %arg17[%gather3A_871] : memref<13824xf32, #tpu.memory_space<vmem>>[vector<16xi32>], vector<16xf32>,
        %gather3A_873 = tpu.vector_load_idx %arg18[%gather3A_871] : memref<13824xf32, #tpu.memory_space<vmem>>[vector<16xi32>], vector<16xf32>,
        %gather3A_874 = tpu.vector_load_idx %arg19[%gather3A_871] : memref<13824xf32, #tpu.memory_space<vmem>>[vector<16xi32>], vector<16xf32>,
        %sub3A_875 = arith.subf %gather3A_872, %get3A_45 : vector<16xf32>
        %sub3A_876 = arith.subf %gather3A_873, %get3A_47 : vector<16xf32>
        %sub3A_877 = arith.subf %gather3A_874, %get3A_49 : vector<16xf32>
        %mul3A_878 = arith.mulf %sub3A_875, %sub3A_875 : vector<16xf32>
        %mul3A_879 = arith.mulf %sub3A_876, %sub3A_876 : vector<16xf32>
        %add3A_880 = arith.addf %mul3A_878, %mul3A_879 : vector<16xf32>
        %mul3A_881 = arith.mulf %sub3A_877, %sub3A_877 : vector<16xf32>
        %add3A_882 = arith.addf %add3A_880, %mul3A_881 : vector<16xf32>
        %le3A = vector.broadcast %scan3A_12 : f32 to vector<16xf32>
        %le3A_883 = arith.cmpf ole, %add3A_882, %le3A : vector<16xf32>
        %and3A_884 = arith.andi %lt3A_867, %le3A_883 : vector<16xi1>
        %lt3A_885 = arith.constant 48 : i32
        %lt3A_886 = vector.broadcast %lt3A_885 : i32 to vector<16xi32>
        %lt3A_887 = arith.cmpi slt, %while3A_864, %lt3A_886 : vector<16xi32>
        %and3A_888 = arith.andi %and3A_884, %lt3A_887 : vector<16xi1>
        %mul3A_889 = arith.constant 48 : i32
        %mul3A_890 = vector.broadcast %mul3A_889 : i32 to vector<16xi32>
        %mul3A_891 = arith.muli %iota3A, %mul3A_890 : vector<16xi32>
        %add3A_892 = arith.addi %mul3A_891, %while3A_864 : vector<16xi32>
        %add3A_893 = vector.broadcast %mul3A_42 : i32 to vector<16xi32>
        %add3A_894 = arith.addi %add3A_893, %add3A_892 : vector<16xi32>
        tpu.vector_store_idx %arg22[%add3A_894], %gather3A_871 masked %and3A_888 : memref<1536xi32, #tpu.memory_space<vmem>>[vector<16xi32>], vector<16xi32>, vector<16xi1>
        %mul3A_895 = arith.constant 4 : i32
        %mul3A_896 = vector.broadcast %mul3A_895 : i32 to vector<16xi32>
        %mul3A_897 = arith.muli %add3A_892, %mul3A_896 : vector<16xi32>
        %add3A_898 = vector.broadcast %mul3A_44 : i32 to vector<16xi32>
        %add3A_899 = arith.addi %add3A_898, %mul3A_897 : vector<16xi32>
        tpu.vector_store_idx %arg23[%add3A_899], %gather3A_872 masked %and3A_888 : memref<6144xf32, #tpu.memory_space<vmem>>[vector<16xi32>], vector<16xf32>, vector<16xi1>
        %add3A_900 = arith.constant 1 : i32
        %add3A_901 = vector.broadcast %add3A_900 : i32 to vector<16xi32>
        %add3A_902 = arith.addi %add3A_899, %add3A_901 : vector<16xi32>
        tpu.vector_store_idx %arg23[%add3A_902], %gather3A_873 masked %and3A_888 : memref<6144xf32, #tpu.memory_space<vmem>>[vector<16xi32>], vector<16xf32>, vector<16xi1>
        %add3A_903 = arith.constant 2 : i32
        %add3A_904 = vector.broadcast %add3A_903 : i32 to vector<16xi32>
        %add3A_905 = arith.addi %add3A_899, %add3A_904 : vector<16xi32>
        tpu.vector_store_idx %arg23[%add3A_905], %gather3A_874 masked %and3A_888 : memref<6144xf32, #tpu.memory_space<vmem>>[vector<16xi32>], vector<16xf32>, vector<16xi1>
        %jit3A_906 = arith.constant 1 : i32
        %jit3A_907 = arith.constant 0 : i32
        %broadcast_in_dim3A_908 = vector.broadcast %jit3A_906 : i32 to vector<16xi32>
        %broadcast_in_dim3A_909 = vector.broadcast %jit3A_907 : i32 to vector<16xi32>
        %select_n3A_910 = arith.select %and3A_888, %broadcast_in_dim3A_908, %broadcast_in_dim3A_909 : vector<16xi1>, vector<16xi32>
        %add3A_911 = arith.addi %while3A_864, %select_n3A_910 : vector<16xi32>
        scf.yield %add3A_911 : vector<16xi32>
      }
      %add3A_382 = arith.constant 0 : i32
      %add3A_383 = vector.broadcast %add3A_382 : i32 to vector<16xi32>
      %add3A_384 = arith.addi %min3A_56, %add3A_383 : vector<16xi32>
      %add3A_385 = arith.constant 0 : i32
      %add3A_386 = vector.broadcast %add3A_385 : i32 to vector<16xi32>
      %add3A_387 = arith.addi %min3A_66, %add3A_386 : vector<16xi32>
      %ge3A_388 = arith.constant 0 : i32
      %ge3A_389 = vector.broadcast %ge3A_388 : i32 to vector<16xi32>
      %ge3A_390 = arith.cmpi sge, %add3A_384, %ge3A_389 : vector<16xi32>
      %lt3A_391 = arith.constant 14 : i32
      %lt3A_392 = vector.broadcast %lt3A_391 : i32 to vector<16xi32>
      %lt3A_393 = arith.cmpi slt, %add3A_384, %lt3A_392 : vector<16xi32>
      %and3A_394 = arith.andi %ge3A_390, %lt3A_393 : vector<16xi1>
      %ge3A_395 = arith.constant 0 : i32
      %ge3A_396 = vector.broadcast %ge3A_395 : i32 to vector<16xi32>
      %ge3A_397 = arith.cmpi sge, %add3A_387, %ge3A_396 : vector<16xi32>
      %and3A_398 = arith.andi %and3A_394, %ge3A_397 : vector<16xi1>
      %lt3A_399 = arith.constant 14 : i32
      %lt3A_400 = vector.broadcast %lt3A_399 : i32 to vector<16xi32>
      %lt3A_401 = arith.cmpi slt, %add3A_387, %lt3A_400 : vector<16xi32>
      %and3A_402 = arith.andi %and3A_398, %lt3A_401 : vector<16xi1>
      %jit3A_403 = arith.constant 0 : i32
      %jit3A_404 = arith.constant 13 : i32
      %max3A_405 = vector.broadcast %jit3A_403 : i32 to vector<16xi32>
      %max3A_406 = arith.maxsi %max3A_405, %add3A_384 : vector<16xi32>
      %min3A_407 = vector.broadcast %jit3A_404 : i32 to vector<16xi32>
      %min3A_408 = arith.minsi %min3A_407, %max3A_406 : vector<16xi32>
      %jit3A_409 = arith.constant 0 : i32
      %jit3A_410 = arith.constant 13 : i32
      %max3A_411 = vector.broadcast %jit3A_409 : i32 to vector<16xi32>
      %max3A_412 = arith.maxsi %max3A_411, %add3A_387 : vector<16xi32>
      %min3A_413 = vector.broadcast %jit3A_410 : i32 to vector<16xi32>
      %min3A_414 = arith.minsi %min3A_413, %max3A_412 : vector<16xi32>
      %mul3A_415 = arith.constant 14 : i32
      %mul3A_416 = vector.broadcast %mul3A_415 : i32 to vector<16xi32>
      %mul3A_417 = arith.muli %min3A_408, %mul3A_416 : vector<16xi32>
      %add3A_418 = arith.addi %mul3A_417, %min3A_414 : vector<16xi32>
      %mul3A_419 = arith.constant 14 : i32
      %mul3A_420 = vector.broadcast %mul3A_419 : i32 to vector<16xi32>
      %mul3A_421 = arith.muli %add3A_418, %mul3A_420 : vector<16xi32>
      %add3A_422 = arith.addi %mul3A_421, %max3A_81 : vector<16xi32>
      %add3A_423 = arith.addi %mul3A_421, %min3A_87 : vector<16xi32>
      %gather3A_424 = tpu.vector_load_idx %arg21[%add3A_422] : memref<2752xi32, #tpu.memory_space<vmem>>[vector<16xi32>], vector<16xi32>,
      %add3A_425 = arith.constant 1 : i32
      %add3A_426 = vector.broadcast %add3A_425 : i32 to vector<16xi32>
      %add3A_427 = arith.addi %add3A_423, %add3A_426 : vector<16xi32>
      %gather3A_428 = tpu.vector_load_idx %arg21[%add3A_427] : memref<2752xi32, #tpu.memory_space<vmem>>[vector<16xi32>], vector<16xi32>,
      %jit3A_429 = arith.constant 0 : i32
      %broadcast_in_dim3A_430 = vector.broadcast %jit3A_429 : i32 to vector<16xi32>
      %select_n3A_431 = arith.select %and3A_402, %gather3A_424, %broadcast_in_dim3A_430 : vector<16xi1>, vector<16xi32>
      %jit3A_432 = arith.constant 0 : i32
      %broadcast_in_dim3A_433 = vector.broadcast %jit3A_432 : i32 to vector<16xi32>
      %select_n3A_434 = arith.select %and3A_402, %gather3A_428, %broadcast_in_dim3A_433 : vector<16xi1>, vector<16xi32>
      %sub3A_435 = arith.subi %select_n3A_434, %select_n3A_431 : vector<16xi32>
      %reduce_max3A_436 = arith.constant true
      %reduce_max3A_437 = vector.broadcast %reduce_max3A_436 : i1 to vector<16xi1>
      %reduce_max3A_438 = arith.constant -2147483648 : i32
      %reduce_max3A_439 = vector.broadcast %reduce_max3A_438 : i32 to vector<16xi32>
      %reduce_max3A_440 = arith.xori %sub3A_435, %reduce_max3A_439 : vector<16xi32>
      %reduce_max3A_441 = tpu.scan <max>, %reduce_max3A_440 masked %reduce_max3A_437 : vector<16xi32>, vector<16xi1> -> vector<16xi32>
      %reduce_max3A_442 = arith.xori %reduce_max3A_441, %reduce_max3A_439 : vector<16xi32>
      %reduce_max3A_443 = vector.extract %reduce_max3A_442[15] : i32 from vector<16xi32>
      %while3A_444 = arith.constant 0 : i32
      %while3A_445 = arith.subi %reduce_max3A_443, %while3A_444 : i32
      %while3A_446 = arith.addi %while3A_444, %while3A_445 : i32
      %while3A_447 = arith.constant 1 : i32
      %while3A_448 = arith.divsi %while3A_445, %while3A_447 : i32
      %while3A_449 = arith.muli %while3A_448, %while3A_447 : i32
      %while3A_450 = arith.addi %while3A_444, %while3A_449 : i32
      %while3A_451 = arith.constant 1 : i32
      %while3A_452 = scf.for %while3A_863 = %while3A_444 to %while3A_450 step %while3A_451 iter_args(%while3A_864 = %while3A_381) -> (vector<16xi32>)  : i32 {
        %add3A_865 = vector.broadcast %while3A_863 : i32 to vector<16xi32>
        %add3A_866 = arith.addi %select_n3A_431, %add3A_865 : vector<16xi32>
        %lt3A_867 = arith.cmpi slt, %add3A_866, %select_n3A_434 : vector<16xi32>
        %jit3A_868 = arith.constant 0 : i32
        %broadcast_in_dim3A_869 = vector.broadcast %jit3A_868 : i32 to vector<16xi32>
        %select_n3A_870 = arith.select %lt3A_867, %add3A_866, %broadcast_in_dim3A_869 : vector<16xi1>, vector<16xi32>
        %gather3A_871 = tpu.vector_load_idx %arg20[%select_n3A_870] : memref<13824xi32, #tpu.memory_space<vmem>>[vector<16xi32>], vector<16xi32>,
        %gather3A_872 = tpu.vector_load_idx %arg17[%gather3A_871] : memref<13824xf32, #tpu.memory_space<vmem>>[vector<16xi32>], vector<16xf32>,
        %gather3A_873 = tpu.vector_load_idx %arg18[%gather3A_871] : memref<13824xf32, #tpu.memory_space<vmem>>[vector<16xi32>], vector<16xf32>,
        %gather3A_874 = tpu.vector_load_idx %arg19[%gather3A_871] : memref<13824xf32, #tpu.memory_space<vmem>>[vector<16xi32>], vector<16xf32>,
        %sub3A_875 = arith.subf %gather3A_872, %get3A_45 : vector<16xf32>
        %sub3A_876 = arith.subf %gather3A_873, %get3A_47 : vector<16xf32>
        %sub3A_877 = arith.subf %gather3A_874, %get3A_49 : vector<16xf32>
        %mul3A_878 = arith.mulf %sub3A_875, %sub3A_875 : vector<16xf32>
        %mul3A_879 = arith.mulf %sub3A_876, %sub3A_876 : vector<16xf32>
        %add3A_880 = arith.addf %mul3A_878, %mul3A_879 : vector<16xf32>
        %mul3A_881 = arith.mulf %sub3A_877, %sub3A_877 : vector<16xf32>
        %add3A_882 = arith.addf %add3A_880, %mul3A_881 : vector<16xf32>
        %le3A = vector.broadcast %scan3A_12 : f32 to vector<16xf32>
        %le3A_883 = arith.cmpf ole, %add3A_882, %le3A : vector<16xf32>
        %and3A_884 = arith.andi %lt3A_867, %le3A_883 : vector<16xi1>
        %lt3A_885 = arith.constant 48 : i32
        %lt3A_886 = vector.broadcast %lt3A_885 : i32 to vector<16xi32>
        %lt3A_887 = arith.cmpi slt, %while3A_864, %lt3A_886 : vector<16xi32>
        %and3A_888 = arith.andi %and3A_884, %lt3A_887 : vector<16xi1>
        %mul3A_889 = arith.constant 48 : i32
        %mul3A_890 = vector.broadcast %mul3A_889 : i32 to vector<16xi32>
        %mul3A_891 = arith.muli %iota3A, %mul3A_890 : vector<16xi32>
        %add3A_892 = arith.addi %mul3A_891, %while3A_864 : vector<16xi32>
        %add3A_893 = vector.broadcast %mul3A_42 : i32 to vector<16xi32>
        %add3A_894 = arith.addi %add3A_893, %add3A_892 : vector<16xi32>
        tpu.vector_store_idx %arg22[%add3A_894], %gather3A_871 masked %and3A_888 : memref<1536xi32, #tpu.memory_space<vmem>>[vector<16xi32>], vector<16xi32>, vector<16xi1>
        %mul3A_895 = arith.constant 4 : i32
        %mul3A_896 = vector.broadcast %mul3A_895 : i32 to vector<16xi32>
        %mul3A_897 = arith.muli %add3A_892, %mul3A_896 : vector<16xi32>
        %add3A_898 = vector.broadcast %mul3A_44 : i32 to vector<16xi32>
        %add3A_899 = arith.addi %add3A_898, %mul3A_897 : vector<16xi32>
        tpu.vector_store_idx %arg23[%add3A_899], %gather3A_872 masked %and3A_888 : memref<6144xf32, #tpu.memory_space<vmem>>[vector<16xi32>], vector<16xf32>, vector<16xi1>
        %add3A_900 = arith.constant 1 : i32
        %add3A_901 = vector.broadcast %add3A_900 : i32 to vector<16xi32>
        %add3A_902 = arith.addi %add3A_899, %add3A_901 : vector<16xi32>
        tpu.vector_store_idx %arg23[%add3A_902], %gather3A_873 masked %and3A_888 : memref<6144xf32, #tpu.memory_space<vmem>>[vector<16xi32>], vector<16xf32>, vector<16xi1>
        %add3A_903 = arith.constant 2 : i32
        %add3A_904 = vector.broadcast %add3A_903 : i32 to vector<16xi32>
        %add3A_905 = arith.addi %add3A_899, %add3A_904 : vector<16xi32>
        tpu.vector_store_idx %arg23[%add3A_905], %gather3A_874 masked %and3A_888 : memref<6144xf32, #tpu.memory_space<vmem>>[vector<16xi32>], vector<16xf32>, vector<16xi1>
        %jit3A_906 = arith.constant 1 : i32
        %jit3A_907 = arith.constant 0 : i32
        %broadcast_in_dim3A_908 = vector.broadcast %jit3A_906 : i32 to vector<16xi32>
        %broadcast_in_dim3A_909 = vector.broadcast %jit3A_907 : i32 to vector<16xi32>
        %select_n3A_910 = arith.select %and3A_888, %broadcast_in_dim3A_908, %broadcast_in_dim3A_909 : vector<16xi1>, vector<16xi32>
        %add3A_911 = arith.addi %while3A_864, %select_n3A_910 : vector<16xi32>
        scf.yield %add3A_911 : vector<16xi32>
      }
      %while3A_453 = arith.constant 1 : i32
      %while3A_454 = scf.for %while3A_863 = %while3A_450 to %while3A_446 step %while3A_453 iter_args(%while3A_864 = %while3A_452) -> (vector<16xi32>)  : i32 {
        %add3A_865 = vector.broadcast %while3A_863 : i32 to vector<16xi32>
        %add3A_866 = arith.addi %select_n3A_431, %add3A_865 : vector<16xi32>
        %lt3A_867 = arith.cmpi slt, %add3A_866, %select_n3A_434 : vector<16xi32>
        %jit3A_868 = arith.constant 0 : i32
        %broadcast_in_dim3A_869 = vector.broadcast %jit3A_868 : i32 to vector<16xi32>
        %select_n3A_870 = arith.select %lt3A_867, %add3A_866, %broadcast_in_dim3A_869 : vector<16xi1>, vector<16xi32>
        %gather3A_871 = tpu.vector_load_idx %arg20[%select_n3A_870] : memref<13824xi32, #tpu.memory_space<vmem>>[vector<16xi32>], vector<16xi32>,
        %gather3A_872 = tpu.vector_load_idx %arg17[%gather3A_871] : memref<13824xf32, #tpu.memory_space<vmem>>[vector<16xi32>], vector<16xf32>,
        %gather3A_873 = tpu.vector_load_idx %arg18[%gather3A_871] : memref<13824xf32, #tpu.memory_space<vmem>>[vector<16xi32>], vector<16xf32>,
        %gather3A_874 = tpu.vector_load_idx %arg19[%gather3A_871] : memref<13824xf32, #tpu.memory_space<vmem>>[vector<16xi32>], vector<16xf32>,
        %sub3A_875 = arith.subf %gather3A_872, %get3A_45 : vector<16xf32>
        %sub3A_876 = arith.subf %gather3A_873, %get3A_47 : vector<16xf32>
        %sub3A_877 = arith.subf %gather3A_874, %get3A_49 : vector<16xf32>
        %mul3A_878 = arith.mulf %sub3A_875, %sub3A_875 : vector<16xf32>
        %mul3A_879 = arith.mulf %sub3A_876, %sub3A_876 : vector<16xf32>
        %add3A_880 = arith.addf %mul3A_878, %mul3A_879 : vector<16xf32>
        %mul3A_881 = arith.mulf %sub3A_877, %sub3A_877 : vector<16xf32>
        %add3A_882 = arith.addf %add3A_880, %mul3A_881 : vector<16xf32>
        %le3A = vector.broadcast %scan3A_12 : f32 to vector<16xf32>
        %le3A_883 = arith.cmpf ole, %add3A_882, %le3A : vector<16xf32>
        %and3A_884 = arith.andi %lt3A_867, %le3A_883 : vector<16xi1>
        %lt3A_885 = arith.constant 48 : i32
        %lt3A_886 = vector.broadcast %lt3A_885 : i32 to vector<16xi32>
        %lt3A_887 = arith.cmpi slt, %while3A_864, %lt3A_886 : vector<16xi32>
        %and3A_888 = arith.andi %and3A_884, %lt3A_887 : vector<16xi1>
        %mul3A_889 = arith.constant 48 : i32
        %mul3A_890 = vector.broadcast %mul3A_889 : i32 to vector<16xi32>
        %mul3A_891 = arith.muli %iota3A, %mul3A_890 : vector<16xi32>
        %add3A_892 = arith.addi %mul3A_891, %while3A_864 : vector<16xi32>
        %add3A_893 = vector.broadcast %mul3A_42 : i32 to vector<16xi32>
        %add3A_894 = arith.addi %add3A_893, %add3A_892 : vector<16xi32>
        tpu.vector_store_idx %arg22[%add3A_894], %gather3A_871 masked %and3A_888 : memref<1536xi32, #tpu.memory_space<vmem>>[vector<16xi32>], vector<16xi32>, vector<16xi1>
        %mul3A_895 = arith.constant 4 : i32
        %mul3A_896 = vector.broadcast %mul3A_895 : i32 to vector<16xi32>
        %mul3A_897 = arith.muli %add3A_892, %mul3A_896 : vector<16xi32>
        %add3A_898 = vector.broadcast %mul3A_44 : i32 to vector<16xi32>
        %add3A_899 = arith.addi %add3A_898, %mul3A_897 : vector<16xi32>
        tpu.vector_store_idx %arg23[%add3A_899], %gather3A_872 masked %and3A_888 : memref<6144xf32, #tpu.memory_space<vmem>>[vector<16xi32>], vector<16xf32>, vector<16xi1>
        %add3A_900 = arith.constant 1 : i32
        %add3A_901 = vector.broadcast %add3A_900 : i32 to vector<16xi32>
        %add3A_902 = arith.addi %add3A_899, %add3A_901 : vector<16xi32>
        tpu.vector_store_idx %arg23[%add3A_902], %gather3A_873 masked %and3A_888 : memref<6144xf32, #tpu.memory_space<vmem>>[vector<16xi32>], vector<16xf32>, vector<16xi1>
        %add3A_903 = arith.constant 2 : i32
        %add3A_904 = vector.broadcast %add3A_903 : i32 to vector<16xi32>
        %add3A_905 = arith.addi %add3A_899, %add3A_904 : vector<16xi32>
        tpu.vector_store_idx %arg23[%add3A_905], %gather3A_874 masked %and3A_888 : memref<6144xf32, #tpu.memory_space<vmem>>[vector<16xi32>], vector<16xf32>, vector<16xi1>
        %jit3A_906 = arith.constant 1 : i32
        %jit3A_907 = arith.constant 0 : i32
        %broadcast_in_dim3A_908 = vector.broadcast %jit3A_906 : i32 to vector<16xi32>
        %broadcast_in_dim3A_909 = vector.broadcast %jit3A_907 : i32 to vector<16xi32>
        %select_n3A_910 = arith.select %and3A_888, %broadcast_in_dim3A_908, %broadcast_in_dim3A_909 : vector<16xi1>, vector<16xi32>
        %add3A_911 = arith.addi %while3A_864, %select_n3A_910 : vector<16xi32>
        scf.yield %add3A_911 : vector<16xi32>
      }
      %add3A_455 = arith.constant 0 : i32
      %add3A_456 = vector.broadcast %add3A_455 : i32 to vector<16xi32>
      %add3A_457 = arith.addi %min3A_56, %add3A_456 : vector<16xi32>
      %add3A_458 = arith.constant 1 : i32
      %add3A_459 = vector.broadcast %add3A_458 : i32 to vector<16xi32>
      %add3A_460 = arith.addi %min3A_66, %add3A_459 : vector<16xi32>
      %ge3A_461 = arith.constant 0 : i32
      %ge3A_462 = vector.broadcast %ge3A_461 : i32 to vector<16xi32>
      %ge3A_463 = arith.cmpi sge, %add3A_457, %ge3A_462 : vector<16xi32>
      %lt3A_464 = arith.constant 14 : i32
      %lt3A_465 = vector.broadcast %lt3A_464 : i32 to vector<16xi32>
      %lt3A_466 = arith.cmpi slt, %add3A_457, %lt3A_465 : vector<16xi32>
      %and3A_467 = arith.andi %ge3A_463, %lt3A_466 : vector<16xi1>
      %ge3A_468 = arith.constant 0 : i32
      %ge3A_469 = vector.broadcast %ge3A_468 : i32 to vector<16xi32>
      %ge3A_470 = arith.cmpi sge, %add3A_460, %ge3A_469 : vector<16xi32>
      %and3A_471 = arith.andi %and3A_467, %ge3A_470 : vector<16xi1>
      %lt3A_472 = arith.constant 14 : i32
      %lt3A_473 = vector.broadcast %lt3A_472 : i32 to vector<16xi32>
      %lt3A_474 = arith.cmpi slt, %add3A_460, %lt3A_473 : vector<16xi32>
      %and3A_475 = arith.andi %and3A_471, %lt3A_474 : vector<16xi1>
      %jit3A_476 = arith.constant 0 : i32
      %jit3A_477 = arith.constant 13 : i32
      %max3A_478 = vector.broadcast %jit3A_476 : i32 to vector<16xi32>
      %max3A_479 = arith.maxsi %max3A_478, %add3A_457 : vector<16xi32>
      %min3A_480 = vector.broadcast %jit3A_477 : i32 to vector<16xi32>
      %min3A_481 = arith.minsi %min3A_480, %max3A_479 : vector<16xi32>
      %jit3A_482 = arith.constant 0 : i32
      %jit3A_483 = arith.constant 13 : i32
      %max3A_484 = vector.broadcast %jit3A_482 : i32 to vector<16xi32>
      %max3A_485 = arith.maxsi %max3A_484, %add3A_460 : vector<16xi32>
      %min3A_486 = vector.broadcast %jit3A_483 : i32 to vector<16xi32>
      %min3A_487 = arith.minsi %min3A_486, %max3A_485 : vector<16xi32>
      %mul3A_488 = arith.constant 14 : i32
      %mul3A_489 = vector.broadcast %mul3A_488 : i32 to vector<16xi32>
      %mul3A_490 = arith.muli %min3A_481, %mul3A_489 : vector<16xi32>
      %add3A_491 = arith.addi %mul3A_490, %min3A_487 : vector<16xi32>
      %mul3A_492 = arith.constant 14 : i32
      %mul3A_493 = vector.broadcast %mul3A_492 : i32 to vector<16xi32>
      %mul3A_494 = arith.muli %add3A_491, %mul3A_493 : vector<16xi32>
      %add3A_495 = arith.addi %mul3A_494, %max3A_81 : vector<16xi32>
      %add3A_496 = arith.addi %mul3A_494, %min3A_87 : vector<16xi32>
      %gather3A_497 = tpu.vector_load_idx %arg21[%add3A_495] : memref<2752xi32, #tpu.memory_space<vmem>>[vector<16xi32>], vector<16xi32>,
      %add3A_498 = arith.constant 1 : i32
      %add3A_499 = vector.broadcast %add3A_498 : i32 to vector<16xi32>
      %add3A_500 = arith.addi %add3A_496, %add3A_499 : vector<16xi32>
      %gather3A_501 = tpu.vector_load_idx %arg21[%add3A_500] : memref<2752xi32, #tpu.memory_space<vmem>>[vector<16xi32>], vector<16xi32>,
      %jit3A_502 = arith.constant 0 : i32
      %broadcast_in_dim3A_503 = vector.broadcast %jit3A_502 : i32 to vector<16xi32>
      %select_n3A_504 = arith.select %and3A_475, %gather3A_497, %broadcast_in_dim3A_503 : vector<16xi1>, vector<16xi32>
      %jit3A_505 = arith.constant 0 : i32
      %broadcast_in_dim3A_506 = vector.broadcast %jit3A_505 : i32 to vector<16xi32>
      %select_n3A_507 = arith.select %and3A_475, %gather3A_501, %broadcast_in_dim3A_506 : vector<16xi1>, vector<16xi32>
      %sub3A_508 = arith.subi %select_n3A_507, %select_n3A_504 : vector<16xi32>
      %reduce_max3A_509 = arith.constant true
      %reduce_max3A_510 = vector.broadcast %reduce_max3A_509 : i1 to vector<16xi1>
      %reduce_max3A_511 = arith.constant -2147483648 : i32
      %reduce_max3A_512 = vector.broadcast %reduce_max3A_511 : i32 to vector<16xi32>
      %reduce_max3A_513 = arith.xori %sub3A_508, %reduce_max3A_512 : vector<16xi32>
      %reduce_max3A_514 = tpu.scan <max>, %reduce_max3A_513 masked %reduce_max3A_510 : vector<16xi32>, vector<16xi1> -> vector<16xi32>
      %reduce_max3A_515 = arith.xori %reduce_max3A_514, %reduce_max3A_512 : vector<16xi32>
      %reduce_max3A_516 = vector.extract %reduce_max3A_515[15] : i32 from vector<16xi32>
      %while3A_517 = arith.constant 0 : i32
      %while3A_518 = arith.subi %reduce_max3A_516, %while3A_517 : i32
      %while3A_519 = arith.addi %while3A_517, %while3A_518 : i32
      %while3A_520 = arith.constant 1 : i32
      %while3A_521 = arith.divsi %while3A_518, %while3A_520 : i32
      %while3A_522 = arith.muli %while3A_521, %while3A_520 : i32
      %while3A_523 = arith.addi %while3A_517, %while3A_522 : i32
      %while3A_524 = arith.constant 1 : i32
      %while3A_525 = scf.for %while3A_863 = %while3A_517 to %while3A_523 step %while3A_524 iter_args(%while3A_864 = %while3A_454) -> (vector<16xi32>)  : i32 {
        %add3A_865 = vector.broadcast %while3A_863 : i32 to vector<16xi32>
        %add3A_866 = arith.addi %select_n3A_504, %add3A_865 : vector<16xi32>
        %lt3A_867 = arith.cmpi slt, %add3A_866, %select_n3A_507 : vector<16xi32>
        %jit3A_868 = arith.constant 0 : i32
        %broadcast_in_dim3A_869 = vector.broadcast %jit3A_868 : i32 to vector<16xi32>
        %select_n3A_870 = arith.select %lt3A_867, %add3A_866, %broadcast_in_dim3A_869 : vector<16xi1>, vector<16xi32>
        %gather3A_871 = tpu.vector_load_idx %arg20[%select_n3A_870] : memref<13824xi32, #tpu.memory_space<vmem>>[vector<16xi32>], vector<16xi32>,
        %gather3A_872 = tpu.vector_load_idx %arg17[%gather3A_871] : memref<13824xf32, #tpu.memory_space<vmem>>[vector<16xi32>], vector<16xf32>,
        %gather3A_873 = tpu.vector_load_idx %arg18[%gather3A_871] : memref<13824xf32, #tpu.memory_space<vmem>>[vector<16xi32>], vector<16xf32>,
        %gather3A_874 = tpu.vector_load_idx %arg19[%gather3A_871] : memref<13824xf32, #tpu.memory_space<vmem>>[vector<16xi32>], vector<16xf32>,
        %sub3A_875 = arith.subf %gather3A_872, %get3A_45 : vector<16xf32>
        %sub3A_876 = arith.subf %gather3A_873, %get3A_47 : vector<16xf32>
        %sub3A_877 = arith.subf %gather3A_874, %get3A_49 : vector<16xf32>
        %mul3A_878 = arith.mulf %sub3A_875, %sub3A_875 : vector<16xf32>
        %mul3A_879 = arith.mulf %sub3A_876, %sub3A_876 : vector<16xf32>
        %add3A_880 = arith.addf %mul3A_878, %mul3A_879 : vector<16xf32>
        %mul3A_881 = arith.mulf %sub3A_877, %sub3A_877 : vector<16xf32>
        %add3A_882 = arith.addf %add3A_880, %mul3A_881 : vector<16xf32>
        %le3A = vector.broadcast %scan3A_12 : f32 to vector<16xf32>
        %le3A_883 = arith.cmpf ole, %add3A_882, %le3A : vector<16xf32>
        %and3A_884 = arith.andi %lt3A_867, %le3A_883 : vector<16xi1>
        %lt3A_885 = arith.constant 48 : i32
        %lt3A_886 = vector.broadcast %lt3A_885 : i32 to vector<16xi32>
        %lt3A_887 = arith.cmpi slt, %while3A_864, %lt3A_886 : vector<16xi32>
        %and3A_888 = arith.andi %and3A_884, %lt3A_887 : vector<16xi1>
        %mul3A_889 = arith.constant 48 : i32
        %mul3A_890 = vector.broadcast %mul3A_889 : i32 to vector<16xi32>
        %mul3A_891 = arith.muli %iota3A, %mul3A_890 : vector<16xi32>
        %add3A_892 = arith.addi %mul3A_891, %while3A_864 : vector<16xi32>
        %add3A_893 = vector.broadcast %mul3A_42 : i32 to vector<16xi32>
        %add3A_894 = arith.addi %add3A_893, %add3A_892 : vector<16xi32>
        tpu.vector_store_idx %arg22[%add3A_894], %gather3A_871 masked %and3A_888 : memref<1536xi32, #tpu.memory_space<vmem>>[vector<16xi32>], vector<16xi32>, vector<16xi1>
        %mul3A_895 = arith.constant 4 : i32
        %mul3A_896 = vector.broadcast %mul3A_895 : i32 to vector<16xi32>
        %mul3A_897 = arith.muli %add3A_892, %mul3A_896 : vector<16xi32>
        %add3A_898 = vector.broadcast %mul3A_44 : i32 to vector<16xi32>
        %add3A_899 = arith.addi %add3A_898, %mul3A_897 : vector<16xi32>
        tpu.vector_store_idx %arg23[%add3A_899], %gather3A_872 masked %and3A_888 : memref<6144xf32, #tpu.memory_space<vmem>>[vector<16xi32>], vector<16xf32>, vector<16xi1>
        %add3A_900 = arith.constant 1 : i32
        %add3A_901 = vector.broadcast %add3A_900 : i32 to vector<16xi32>
        %add3A_902 = arith.addi %add3A_899, %add3A_901 : vector<16xi32>
        tpu.vector_store_idx %arg23[%add3A_902], %gather3A_873 masked %and3A_888 : memref<6144xf32, #tpu.memory_space<vmem>>[vector<16xi32>], vector<16xf32>, vector<16xi1>
        %add3A_903 = arith.constant 2 : i32
        %add3A_904 = vector.broadcast %add3A_903 : i32 to vector<16xi32>
        %add3A_905 = arith.addi %add3A_899, %add3A_904 : vector<16xi32>
        tpu.vector_store_idx %arg23[%add3A_905], %gather3A_874 masked %and3A_888 : memref<6144xf32, #tpu.memory_space<vmem>>[vector<16xi32>], vector<16xf32>, vector<16xi1>
        %jit3A_906 = arith.constant 1 : i32
        %jit3A_907 = arith.constant 0 : i32
        %broadcast_in_dim3A_908 = vector.broadcast %jit3A_906 : i32 to vector<16xi32>
        %broadcast_in_dim3A_909 = vector.broadcast %jit3A_907 : i32 to vector<16xi32>
        %select_n3A_910 = arith.select %and3A_888, %broadcast_in_dim3A_908, %broadcast_in_dim3A_909 : vector<16xi1>, vector<16xi32>
        %add3A_911 = arith.addi %while3A_864, %select_n3A_910 : vector<16xi32>
        scf.yield %add3A_911 : vector<16xi32>
      }
      %while3A_526 = arith.constant 1 : i32
      %while3A_527 = scf.for %while3A_863 = %while3A_523 to %while3A_519 step %while3A_526 iter_args(%while3A_864 = %while3A_525) -> (vector<16xi32>)  : i32 {
        %add3A_865 = vector.broadcast %while3A_863 : i32 to vector<16xi32>
        %add3A_866 = arith.addi %select_n3A_504, %add3A_865 : vector<16xi32>
        %lt3A_867 = arith.cmpi slt, %add3A_866, %select_n3A_507 : vector<16xi32>
        %jit3A_868 = arith.constant 0 : i32
        %broadcast_in_dim3A_869 = vector.broadcast %jit3A_868 : i32 to vector<16xi32>
        %select_n3A_870 = arith.select %lt3A_867, %add3A_866, %broadcast_in_dim3A_869 : vector<16xi1>, vector<16xi32>
        %gather3A_871 = tpu.vector_load_idx %arg20[%select_n3A_870] : memref<13824xi32, #tpu.memory_space<vmem>>[vector<16xi32>], vector<16xi32>,
        %gather3A_872 = tpu.vector_load_idx %arg17[%gather3A_871] : memref<13824xf32, #tpu.memory_space<vmem>>[vector<16xi32>], vector<16xf32>,
        %gather3A_873 = tpu.vector_load_idx %arg18[%gather3A_871] : memref<13824xf32, #tpu.memory_space<vmem>>[vector<16xi32>], vector<16xf32>,
        %gather3A_874 = tpu.vector_load_idx %arg19[%gather3A_871] : memref<13824xf32, #tpu.memory_space<vmem>>[vector<16xi32>], vector<16xf32>,
        %sub3A_875 = arith.subf %gather3A_872, %get3A_45 : vector<16xf32>
        %sub3A_876 = arith.subf %gather3A_873, %get3A_47 : vector<16xf32>
        %sub3A_877 = arith.subf %gather3A_874, %get3A_49 : vector<16xf32>
        %mul3A_878 = arith.mulf %sub3A_875, %sub3A_875 : vector<16xf32>
        %mul3A_879 = arith.mulf %sub3A_876, %sub3A_876 : vector<16xf32>
        %add3A_880 = arith.addf %mul3A_878, %mul3A_879 : vector<16xf32>
        %mul3A_881 = arith.mulf %sub3A_877, %sub3A_877 : vector<16xf32>
        %add3A_882 = arith.addf %add3A_880, %mul3A_881 : vector<16xf32>
        %le3A = vector.broadcast %scan3A_12 : f32 to vector<16xf32>
        %le3A_883 = arith.cmpf ole, %add3A_882, %le3A : vector<16xf32>
        %and3A_884 = arith.andi %lt3A_867, %le3A_883 : vector<16xi1>
        %lt3A_885 = arith.constant 48 : i32
        %lt3A_886 = vector.broadcast %lt3A_885 : i32 to vector<16xi32>
        %lt3A_887 = arith.cmpi slt, %while3A_864, %lt3A_886 : vector<16xi32>
        %and3A_888 = arith.andi %and3A_884, %lt3A_887 : vector<16xi1>
        %mul3A_889 = arith.constant 48 : i32
        %mul3A_890 = vector.broadcast %mul3A_889 : i32 to vector<16xi32>
        %mul3A_891 = arith.muli %iota3A, %mul3A_890 : vector<16xi32>
        %add3A_892 = arith.addi %mul3A_891, %while3A_864 : vector<16xi32>
        %add3A_893 = vector.broadcast %mul3A_42 : i32 to vector<16xi32>
        %add3A_894 = arith.addi %add3A_893, %add3A_892 : vector<16xi32>
        tpu.vector_store_idx %arg22[%add3A_894], %gather3A_871 masked %and3A_888 : memref<1536xi32, #tpu.memory_space<vmem>>[vector<16xi32>], vector<16xi32>, vector<16xi1>
        %mul3A_895 = arith.constant 4 : i32
        %mul3A_896 = vector.broadcast %mul3A_895 : i32 to vector<16xi32>
        %mul3A_897 = arith.muli %add3A_892, %mul3A_896 : vector<16xi32>
        %add3A_898 = vector.broadcast %mul3A_44 : i32 to vector<16xi32>
        %add3A_899 = arith.addi %add3A_898, %mul3A_897 : vector<16xi32>
        tpu.vector_store_idx %arg23[%add3A_899], %gather3A_872 masked %and3A_888 : memref<6144xf32, #tpu.memory_space<vmem>>[vector<16xi32>], vector<16xf32>, vector<16xi1>
        %add3A_900 = arith.constant 1 : i32
        %add3A_901 = vector.broadcast %add3A_900 : i32 to vector<16xi32>
        %add3A_902 = arith.addi %add3A_899, %add3A_901 : vector<16xi32>
        tpu.vector_store_idx %arg23[%add3A_902], %gather3A_873 masked %and3A_888 : memref<6144xf32, #tpu.memory_space<vmem>>[vector<16xi32>], vector<16xf32>, vector<16xi1>
        %add3A_903 = arith.constant 2 : i32
        %add3A_904 = vector.broadcast %add3A_903 : i32 to vector<16xi32>
        %add3A_905 = arith.addi %add3A_899, %add3A_904 : vector<16xi32>
        tpu.vector_store_idx %arg23[%add3A_905], %gather3A_874 masked %and3A_888 : memref<6144xf32, #tpu.memory_space<vmem>>[vector<16xi32>], vector<16xf32>, vector<16xi1>
        %jit3A_906 = arith.constant 1 : i32
        %jit3A_907 = arith.constant 0 : i32
        %broadcast_in_dim3A_908 = vector.broadcast %jit3A_906 : i32 to vector<16xi32>
        %broadcast_in_dim3A_909 = vector.broadcast %jit3A_907 : i32 to vector<16xi32>
        %select_n3A_910 = arith.select %and3A_888, %broadcast_in_dim3A_908, %broadcast_in_dim3A_909 : vector<16xi1>, vector<16xi32>
        %add3A_911 = arith.addi %while3A_864, %select_n3A_910 : vector<16xi32>
        scf.yield %add3A_911 : vector<16xi32>
      }
      %add3A_528 = arith.constant 1 : i32
      %add3A_529 = vector.broadcast %add3A_528 : i32 to vector<16xi32>
      %add3A_530 = arith.addi %min3A_56, %add3A_529 : vector<16xi32>
      %add3A_531 = arith.constant -1 : i32
      %add3A_532 = vector.broadcast %add3A_531 : i32 to vector<16xi32>
      %add3A_533 = arith.addi %min3A_66, %add3A_532 : vector<16xi32>
      %ge3A_534 = arith.constant 0 : i32
      %ge3A_535 = vector.broadcast %ge3A_534 : i32 to vector<16xi32>
      %ge3A_536 = arith.cmpi sge, %add3A_530, %ge3A_535 : vector<16xi32>
      %lt3A_537 = arith.constant 14 : i32
      %lt3A_538 = vector.broadcast %lt3A_537 : i32 to vector<16xi32>
      %lt3A_539 = arith.cmpi slt, %add3A_530, %lt3A_538 : vector<16xi32>
      %and3A_540 = arith.andi %ge3A_536, %lt3A_539 : vector<16xi1>
      %ge3A_541 = arith.constant 0 : i32
      %ge3A_542 = vector.broadcast %ge3A_541 : i32 to vector<16xi32>
      %ge3A_543 = arith.cmpi sge, %add3A_533, %ge3A_542 : vector<16xi32>
      %and3A_544 = arith.andi %and3A_540, %ge3A_543 : vector<16xi1>
      %lt3A_545 = arith.constant 14 : i32
      %lt3A_546 = vector.broadcast %lt3A_545 : i32 to vector<16xi32>
      %lt3A_547 = arith.cmpi slt, %add3A_533, %lt3A_546 : vector<16xi32>
      %and3A_548 = arith.andi %and3A_544, %lt3A_547 : vector<16xi1>
      %jit3A_549 = arith.constant 0 : i32
      %jit3A_550 = arith.constant 13 : i32
      %max3A_551 = vector.broadcast %jit3A_549 : i32 to vector<16xi32>
      %max3A_552 = arith.maxsi %max3A_551, %add3A_530 : vector<16xi32>
      %min3A_553 = vector.broadcast %jit3A_550 : i32 to vector<16xi32>
      %min3A_554 = arith.minsi %min3A_553, %max3A_552 : vector<16xi32>
      %jit3A_555 = arith.constant 0 : i32
      %jit3A_556 = arith.constant 13 : i32
      %max3A_557 = vector.broadcast %jit3A_555 : i32 to vector<16xi32>
      %max3A_558 = arith.maxsi %max3A_557, %add3A_533 : vector<16xi32>
      %min3A_559 = vector.broadcast %jit3A_556 : i32 to vector<16xi32>
      %min3A_560 = arith.minsi %min3A_559, %max3A_558 : vector<16xi32>
      %mul3A_561 = arith.constant 14 : i32
      %mul3A_562 = vector.broadcast %mul3A_561 : i32 to vector<16xi32>
      %mul3A_563 = arith.muli %min3A_554, %mul3A_562 : vector<16xi32>
      %add3A_564 = arith.addi %mul3A_563, %min3A_560 : vector<16xi32>
      %mul3A_565 = arith.constant 14 : i32
      %mul3A_566 = vector.broadcast %mul3A_565 : i32 to vector<16xi32>
      %mul3A_567 = arith.muli %add3A_564, %mul3A_566 : vector<16xi32>
      %add3A_568 = arith.addi %mul3A_567, %max3A_81 : vector<16xi32>
      %add3A_569 = arith.addi %mul3A_567, %min3A_87 : vector<16xi32>
      %gather3A_570 = tpu.vector_load_idx %arg21[%add3A_568] : memref<2752xi32, #tpu.memory_space<vmem>>[vector<16xi32>], vector<16xi32>,
      %add3A_571 = arith.constant 1 : i32
      %add3A_572 = vector.broadcast %add3A_571 : i32 to vector<16xi32>
      %add3A_573 = arith.addi %add3A_569, %add3A_572 : vector<16xi32>
      %gather3A_574 = tpu.vector_load_idx %arg21[%add3A_573] : memref<2752xi32, #tpu.memory_space<vmem>>[vector<16xi32>], vector<16xi32>,
      %jit3A_575 = arith.constant 0 : i32
      %broadcast_in_dim3A_576 = vector.broadcast %jit3A_575 : i32 to vector<16xi32>
      %select_n3A_577 = arith.select %and3A_548, %gather3A_570, %broadcast_in_dim3A_576 : vector<16xi1>, vector<16xi32>
      %jit3A_578 = arith.constant 0 : i32
      %broadcast_in_dim3A_579 = vector.broadcast %jit3A_578 : i32 to vector<16xi32>
      %select_n3A_580 = arith.select %and3A_548, %gather3A_574, %broadcast_in_dim3A_579 : vector<16xi1>, vector<16xi32>
      %sub3A_581 = arith.subi %select_n3A_580, %select_n3A_577 : vector<16xi32>
      %reduce_max3A_582 = arith.constant true
      %reduce_max3A_583 = vector.broadcast %reduce_max3A_582 : i1 to vector<16xi1>
      %reduce_max3A_584 = arith.constant -2147483648 : i32
      %reduce_max3A_585 = vector.broadcast %reduce_max3A_584 : i32 to vector<16xi32>
      %reduce_max3A_586 = arith.xori %sub3A_581, %reduce_max3A_585 : vector<16xi32>
      %reduce_max3A_587 = tpu.scan <max>, %reduce_max3A_586 masked %reduce_max3A_583 : vector<16xi32>, vector<16xi1> -> vector<16xi32>
      %reduce_max3A_588 = arith.xori %reduce_max3A_587, %reduce_max3A_585 : vector<16xi32>
      %reduce_max3A_589 = vector.extract %reduce_max3A_588[15] : i32 from vector<16xi32>
      %while3A_590 = arith.constant 0 : i32
      %while3A_591 = arith.subi %reduce_max3A_589, %while3A_590 : i32
      %while3A_592 = arith.addi %while3A_590, %while3A_591 : i32
      %while3A_593 = arith.constant 1 : i32
      %while3A_594 = arith.divsi %while3A_591, %while3A_593 : i32
      %while3A_595 = arith.muli %while3A_594, %while3A_593 : i32
      %while3A_596 = arith.addi %while3A_590, %while3A_595 : i32
      %while3A_597 = arith.constant 1 : i32
      %while3A_598 = scf.for %while3A_863 = %while3A_590 to %while3A_596 step %while3A_597 iter_args(%while3A_864 = %while3A_527) -> (vector<16xi32>)  : i32 {
        %add3A_865 = vector.broadcast %while3A_863 : i32 to vector<16xi32>
        %add3A_866 = arith.addi %select_n3A_577, %add3A_865 : vector<16xi32>
        %lt3A_867 = arith.cmpi slt, %add3A_866, %select_n3A_580 : vector<16xi32>
        %jit3A_868 = arith.constant 0 : i32
        %broadcast_in_dim3A_869 = vector.broadcast %jit3A_868 : i32 to vector<16xi32>
        %select_n3A_870 = arith.select %lt3A_867, %add3A_866, %broadcast_in_dim3A_869 : vector<16xi1>, vector<16xi32>
        %gather3A_871 = tpu.vector_load_idx %arg20[%select_n3A_870] : memref<13824xi32, #tpu.memory_space<vmem>>[vector<16xi32>], vector<16xi32>,
        %gather3A_872 = tpu.vector_load_idx %arg17[%gather3A_871] : memref<13824xf32, #tpu.memory_space<vmem>>[vector<16xi32>], vector<16xf32>,
        %gather3A_873 = tpu.vector_load_idx %arg18[%gather3A_871] : memref<13824xf32, #tpu.memory_space<vmem>>[vector<16xi32>], vector<16xf32>,
        %gather3A_874 = tpu.vector_load_idx %arg19[%gather3A_871] : memref<13824xf32, #tpu.memory_space<vmem>>[vector<16xi32>], vector<16xf32>,
        %sub3A_875 = arith.subf %gather3A_872, %get3A_45 : vector<16xf32>
        %sub3A_876 = arith.subf %gather3A_873, %get3A_47 : vector<16xf32>
        %sub3A_877 = arith.subf %gather3A_874, %get3A_49 : vector<16xf32>
        %mul3A_878 = arith.mulf %sub3A_875, %sub3A_875 : vector<16xf32>
        %mul3A_879 = arith.mulf %sub3A_876, %sub3A_876 : vector<16xf32>
        %add3A_880 = arith.addf %mul3A_878, %mul3A_879 : vector<16xf32>
        %mul3A_881 = arith.mulf %sub3A_877, %sub3A_877 : vector<16xf32>
        %add3A_882 = arith.addf %add3A_880, %mul3A_881 : vector<16xf32>
        %le3A = vector.broadcast %scan3A_12 : f32 to vector<16xf32>
        %le3A_883 = arith.cmpf ole, %add3A_882, %le3A : vector<16xf32>
        %and3A_884 = arith.andi %lt3A_867, %le3A_883 : vector<16xi1>
        %lt3A_885 = arith.constant 48 : i32
        %lt3A_886 = vector.broadcast %lt3A_885 : i32 to vector<16xi32>
        %lt3A_887 = arith.cmpi slt, %while3A_864, %lt3A_886 : vector<16xi32>
        %and3A_888 = arith.andi %and3A_884, %lt3A_887 : vector<16xi1>
        %mul3A_889 = arith.constant 48 : i32
        %mul3A_890 = vector.broadcast %mul3A_889 : i32 to vector<16xi32>
        %mul3A_891 = arith.muli %iota3A, %mul3A_890 : vector<16xi32>
        %add3A_892 = arith.addi %mul3A_891, %while3A_864 : vector<16xi32>
        %add3A_893 = vector.broadcast %mul3A_42 : i32 to vector<16xi32>
        %add3A_894 = arith.addi %add3A_893, %add3A_892 : vector<16xi32>
        tpu.vector_store_idx %arg22[%add3A_894], %gather3A_871 masked %and3A_888 : memref<1536xi32, #tpu.memory_space<vmem>>[vector<16xi32>], vector<16xi32>, vector<16xi1>
        %mul3A_895 = arith.constant 4 : i32
        %mul3A_896 = vector.broadcast %mul3A_895 : i32 to vector<16xi32>
        %mul3A_897 = arith.muli %add3A_892, %mul3A_896 : vector<16xi32>
        %add3A_898 = vector.broadcast %mul3A_44 : i32 to vector<16xi32>
        %add3A_899 = arith.addi %add3A_898, %mul3A_897 : vector<16xi32>
        tpu.vector_store_idx %arg23[%add3A_899], %gather3A_872 masked %and3A_888 : memref<6144xf32, #tpu.memory_space<vmem>>[vector<16xi32>], vector<16xf32>, vector<16xi1>
        %add3A_900 = arith.constant 1 : i32
        %add3A_901 = vector.broadcast %add3A_900 : i32 to vector<16xi32>
        %add3A_902 = arith.addi %add3A_899, %add3A_901 : vector<16xi32>
        tpu.vector_store_idx %arg23[%add3A_902], %gather3A_873 masked %and3A_888 : memref<6144xf32, #tpu.memory_space<vmem>>[vector<16xi32>], vector<16xf32>, vector<16xi1>
        %add3A_903 = arith.constant 2 : i32
        %add3A_904 = vector.broadcast %add3A_903 : i32 to vector<16xi32>
        %add3A_905 = arith.addi %add3A_899, %add3A_904 : vector<16xi32>
        tpu.vector_store_idx %arg23[%add3A_905], %gather3A_874 masked %and3A_888 : memref<6144xf32, #tpu.memory_space<vmem>>[vector<16xi32>], vector<16xf32>, vector<16xi1>
        %jit3A_906 = arith.constant 1 : i32
        %jit3A_907 = arith.constant 0 : i32
        %broadcast_in_dim3A_908 = vector.broadcast %jit3A_906 : i32 to vector<16xi32>
        %broadcast_in_dim3A_909 = vector.broadcast %jit3A_907 : i32 to vector<16xi32>
        %select_n3A_910 = arith.select %and3A_888, %broadcast_in_dim3A_908, %broadcast_in_dim3A_909 : vector<16xi1>, vector<16xi32>
        %add3A_911 = arith.addi %while3A_864, %select_n3A_910 : vector<16xi32>
        scf.yield %add3A_911 : vector<16xi32>
      }
      %while3A_599 = arith.constant 1 : i32
      %while3A_600 = scf.for %while3A_863 = %while3A_596 to %while3A_592 step %while3A_599 iter_args(%while3A_864 = %while3A_598) -> (vector<16xi32>)  : i32 {
        %add3A_865 = vector.broadcast %while3A_863 : i32 to vector<16xi32>
        %add3A_866 = arith.addi %select_n3A_577, %add3A_865 : vector<16xi32>
        %lt3A_867 = arith.cmpi slt, %add3A_866, %select_n3A_580 : vector<16xi32>
        %jit3A_868 = arith.constant 0 : i32
        %broadcast_in_dim3A_869 = vector.broadcast %jit3A_868 : i32 to vector<16xi32>
        %select_n3A_870 = arith.select %lt3A_867, %add3A_866, %broadcast_in_dim3A_869 : vector<16xi1>, vector<16xi32>
        %gather3A_871 = tpu.vector_load_idx %arg20[%select_n3A_870] : memref<13824xi32, #tpu.memory_space<vmem>>[vector<16xi32>], vector<16xi32>,
        %gather3A_872 = tpu.vector_load_idx %arg17[%gather3A_871] : memref<13824xf32, #tpu.memory_space<vmem>>[vector<16xi32>], vector<16xf32>,
        %gather3A_873 = tpu.vector_load_idx %arg18[%gather3A_871] : memref<13824xf32, #tpu.memory_space<vmem>>[vector<16xi32>], vector<16xf32>,
        %gather3A_874 = tpu.vector_load_idx %arg19[%gather3A_871] : memref<13824xf32, #tpu.memory_space<vmem>>[vector<16xi32>], vector<16xf32>,
        %sub3A_875 = arith.subf %gather3A_872, %get3A_45 : vector<16xf32>
        %sub3A_876 = arith.subf %gather3A_873, %get3A_47 : vector<16xf32>
        %sub3A_877 = arith.subf %gather3A_874, %get3A_49 : vector<16xf32>
        %mul3A_878 = arith.mulf %sub3A_875, %sub3A_875 : vector<16xf32>
        %mul3A_879 = arith.mulf %sub3A_876, %sub3A_876 : vector<16xf32>
        %add3A_880 = arith.addf %mul3A_878, %mul3A_879 : vector<16xf32>
        %mul3A_881 = arith.mulf %sub3A_877, %sub3A_877 : vector<16xf32>
        %add3A_882 = arith.addf %add3A_880, %mul3A_881 : vector<16xf32>
        %le3A = vector.broadcast %scan3A_12 : f32 to vector<16xf32>
        %le3A_883 = arith.cmpf ole, %add3A_882, %le3A : vector<16xf32>
        %and3A_884 = arith.andi %lt3A_867, %le3A_883 : vector<16xi1>
        %lt3A_885 = arith.constant 48 : i32
        %lt3A_886 = vector.broadcast %lt3A_885 : i32 to vector<16xi32>
        %lt3A_887 = arith.cmpi slt, %while3A_864, %lt3A_886 : vector<16xi32>
        %and3A_888 = arith.andi %and3A_884, %lt3A_887 : vector<16xi1>
        %mul3A_889 = arith.constant 48 : i32
        %mul3A_890 = vector.broadcast %mul3A_889 : i32 to vector<16xi32>
        %mul3A_891 = arith.muli %iota3A, %mul3A_890 : vector<16xi32>
        %add3A_892 = arith.addi %mul3A_891, %while3A_864 : vector<16xi32>
        %add3A_893 = vector.broadcast %mul3A_42 : i32 to vector<16xi32>
        %add3A_894 = arith.addi %add3A_893, %add3A_892 : vector<16xi32>
        tpu.vector_store_idx %arg22[%add3A_894], %gather3A_871 masked %and3A_888 : memref<1536xi32, #tpu.memory_space<vmem>>[vector<16xi32>], vector<16xi32>, vector<16xi1>
        %mul3A_895 = arith.constant 4 : i32
        %mul3A_896 = vector.broadcast %mul3A_895 : i32 to vector<16xi32>
        %mul3A_897 = arith.muli %add3A_892, %mul3A_896 : vector<16xi32>
        %add3A_898 = vector.broadcast %mul3A_44 : i32 to vector<16xi32>
        %add3A_899 = arith.addi %add3A_898, %mul3A_897 : vector<16xi32>
        tpu.vector_store_idx %arg23[%add3A_899], %gather3A_872 masked %and3A_888 : memref<6144xf32, #tpu.memory_space<vmem>>[vector<16xi32>], vector<16xf32>, vector<16xi1>
        %add3A_900 = arith.constant 1 : i32
        %add3A_901 = vector.broadcast %add3A_900 : i32 to vector<16xi32>
        %add3A_902 = arith.addi %add3A_899, %add3A_901 : vector<16xi32>
        tpu.vector_store_idx %arg23[%add3A_902], %gather3A_873 masked %and3A_888 : memref<6144xf32, #tpu.memory_space<vmem>>[vector<16xi32>], vector<16xf32>, vector<16xi1>
        %add3A_903 = arith.constant 2 : i32
        %add3A_904 = vector.broadcast %add3A_903 : i32 to vector<16xi32>
        %add3A_905 = arith.addi %add3A_899, %add3A_904 : vector<16xi32>
        tpu.vector_store_idx %arg23[%add3A_905], %gather3A_874 masked %and3A_888 : memref<6144xf32, #tpu.memory_space<vmem>>[vector<16xi32>], vector<16xf32>, vector<16xi1>
        %jit3A_906 = arith.constant 1 : i32
        %jit3A_907 = arith.constant 0 : i32
        %broadcast_in_dim3A_908 = vector.broadcast %jit3A_906 : i32 to vector<16xi32>
        %broadcast_in_dim3A_909 = vector.broadcast %jit3A_907 : i32 to vector<16xi32>
        %select_n3A_910 = arith.select %and3A_888, %broadcast_in_dim3A_908, %broadcast_in_dim3A_909 : vector<16xi1>, vector<16xi32>
        %add3A_911 = arith.addi %while3A_864, %select_n3A_910 : vector<16xi32>
        scf.yield %add3A_911 : vector<16xi32>
      }
      %add3A_601 = arith.constant 1 : i32
      %add3A_602 = vector.broadcast %add3A_601 : i32 to vector<16xi32>
      %add3A_603 = arith.addi %min3A_56, %add3A_602 : vector<16xi32>
      %add3A_604 = arith.constant 0 : i32
      %add3A_605 = vector.broadcast %add3A_604 : i32 to vector<16xi32>
      %add3A_606 = arith.addi %min3A_66, %add3A_605 : vector<16xi32>
      %ge3A_607 = arith.constant 0 : i32
      %ge3A_608 = vector.broadcast %ge3A_607 : i32 to vector<16xi32>
      %ge3A_609 = arith.cmpi sge, %add3A_603, %ge3A_608 : vector<16xi32>
      %lt3A_610 = arith.constant 14 : i32
      %lt3A_611 = vector.broadcast %lt3A_610 : i32 to vector<16xi32>
      %lt3A_612 = arith.cmpi slt, %add3A_603, %lt3A_611 : vector<16xi32>
      %and3A_613 = arith.andi %ge3A_609, %lt3A_612 : vector<16xi1>
      %ge3A_614 = arith.constant 0 : i32
      %ge3A_615 = vector.broadcast %ge3A_614 : i32 to vector<16xi32>
      %ge3A_616 = arith.cmpi sge, %add3A_606, %ge3A_615 : vector<16xi32>
      %and3A_617 = arith.andi %and3A_613, %ge3A_616 : vector<16xi1>
      %lt3A_618 = arith.constant 14 : i32
      %lt3A_619 = vector.broadcast %lt3A_618 : i32 to vector<16xi32>
      %lt3A_620 = arith.cmpi slt, %add3A_606, %lt3A_619 : vector<16xi32>
      %and3A_621 = arith.andi %and3A_617, %lt3A_620 : vector<16xi1>
      %jit3A_622 = arith.constant 0 : i32
      %jit3A_623 = arith.constant 13 : i32
      %max3A_624 = vector.broadcast %jit3A_622 : i32 to vector<16xi32>
      %max3A_625 = arith.maxsi %max3A_624, %add3A_603 : vector<16xi32>
      %min3A_626 = vector.broadcast %jit3A_623 : i32 to vector<16xi32>
      %min3A_627 = arith.minsi %min3A_626, %max3A_625 : vector<16xi32>
      %jit3A_628 = arith.constant 0 : i32
      %jit3A_629 = arith.constant 13 : i32
      %max3A_630 = vector.broadcast %jit3A_628 : i32 to vector<16xi32>
      %max3A_631 = arith.maxsi %max3A_630, %add3A_606 : vector<16xi32>
      %min3A_632 = vector.broadcast %jit3A_629 : i32 to vector<16xi32>
      %min3A_633 = arith.minsi %min3A_632, %max3A_631 : vector<16xi32>
      %mul3A_634 = arith.constant 14 : i32
      %mul3A_635 = vector.broadcast %mul3A_634 : i32 to vector<16xi32>
      %mul3A_636 = arith.muli %min3A_627, %mul3A_635 : vector<16xi32>
      %add3A_637 = arith.addi %mul3A_636, %min3A_633 : vector<16xi32>
      %mul3A_638 = arith.constant 14 : i32
      %mul3A_639 = vector.broadcast %mul3A_638 : i32 to vector<16xi32>
      %mul3A_640 = arith.muli %add3A_637, %mul3A_639 : vector<16xi32>
      %add3A_641 = arith.addi %mul3A_640, %max3A_81 : vector<16xi32>
      %add3A_642 = arith.addi %mul3A_640, %min3A_87 : vector<16xi32>
      %gather3A_643 = tpu.vector_load_idx %arg21[%add3A_641] : memref<2752xi32, #tpu.memory_space<vmem>>[vector<16xi32>], vector<16xi32>,
      %add3A_644 = arith.constant 1 : i32
      %add3A_645 = vector.broadcast %add3A_644 : i32 to vector<16xi32>
      %add3A_646 = arith.addi %add3A_642, %add3A_645 : vector<16xi32>
      %gather3A_647 = tpu.vector_load_idx %arg21[%add3A_646] : memref<2752xi32, #tpu.memory_space<vmem>>[vector<16xi32>], vector<16xi32>,
      %jit3A_648 = arith.constant 0 : i32
      %broadcast_in_dim3A_649 = vector.broadcast %jit3A_648 : i32 to vector<16xi32>
      %select_n3A_650 = arith.select %and3A_621, %gather3A_643, %broadcast_in_dim3A_649 : vector<16xi1>, vector<16xi32>
      %jit3A_651 = arith.constant 0 : i32
      %broadcast_in_dim3A_652 = vector.broadcast %jit3A_651 : i32 to vector<16xi32>
      %select_n3A_653 = arith.select %and3A_621, %gather3A_647, %broadcast_in_dim3A_652 : vector<16xi1>, vector<16xi32>
      %sub3A_654 = arith.subi %select_n3A_653, %select_n3A_650 : vector<16xi32>
      %reduce_max3A_655 = arith.constant true
      %reduce_max3A_656 = vector.broadcast %reduce_max3A_655 : i1 to vector<16xi1>
      %reduce_max3A_657 = arith.constant -2147483648 : i32
      %reduce_max3A_658 = vector.broadcast %reduce_max3A_657 : i32 to vector<16xi32>
      %reduce_max3A_659 = arith.xori %sub3A_654, %reduce_max3A_658 : vector<16xi32>
      %reduce_max3A_660 = tpu.scan <max>, %reduce_max3A_659 masked %reduce_max3A_656 : vector<16xi32>, vector<16xi1> -> vector<16xi32>
      %reduce_max3A_661 = arith.xori %reduce_max3A_660, %reduce_max3A_658 : vector<16xi32>
      %reduce_max3A_662 = vector.extract %reduce_max3A_661[15] : i32 from vector<16xi32>
      %while3A_663 = arith.constant 0 : i32
      %while3A_664 = arith.subi %reduce_max3A_662, %while3A_663 : i32
      %while3A_665 = arith.addi %while3A_663, %while3A_664 : i32
      %while3A_666 = arith.constant 1 : i32
      %while3A_667 = arith.divsi %while3A_664, %while3A_666 : i32
      %while3A_668 = arith.muli %while3A_667, %while3A_666 : i32
      %while3A_669 = arith.addi %while3A_663, %while3A_668 : i32
      %while3A_670 = arith.constant 1 : i32
      %while3A_671 = scf.for %while3A_863 = %while3A_663 to %while3A_669 step %while3A_670 iter_args(%while3A_864 = %while3A_600) -> (vector<16xi32>)  : i32 {
        %add3A_865 = vector.broadcast %while3A_863 : i32 to vector<16xi32>
        %add3A_866 = arith.addi %select_n3A_650, %add3A_865 : vector<16xi32>
        %lt3A_867 = arith.cmpi slt, %add3A_866, %select_n3A_653 : vector<16xi32>
        %jit3A_868 = arith.constant 0 : i32
        %broadcast_in_dim3A_869 = vector.broadcast %jit3A_868 : i32 to vector<16xi32>
        %select_n3A_870 = arith.select %lt3A_867, %add3A_866, %broadcast_in_dim3A_869 : vector<16xi1>, vector<16xi32>
        %gather3A_871 = tpu.vector_load_idx %arg20[%select_n3A_870] : memref<13824xi32, #tpu.memory_space<vmem>>[vector<16xi32>], vector<16xi32>,
        %gather3A_872 = tpu.vector_load_idx %arg17[%gather3A_871] : memref<13824xf32, #tpu.memory_space<vmem>>[vector<16xi32>], vector<16xf32>,
        %gather3A_873 = tpu.vector_load_idx %arg18[%gather3A_871] : memref<13824xf32, #tpu.memory_space<vmem>>[vector<16xi32>], vector<16xf32>,
        %gather3A_874 = tpu.vector_load_idx %arg19[%gather3A_871] : memref<13824xf32, #tpu.memory_space<vmem>>[vector<16xi32>], vector<16xf32>,
        %sub3A_875 = arith.subf %gather3A_872, %get3A_45 : vector<16xf32>
        %sub3A_876 = arith.subf %gather3A_873, %get3A_47 : vector<16xf32>
        %sub3A_877 = arith.subf %gather3A_874, %get3A_49 : vector<16xf32>
        %mul3A_878 = arith.mulf %sub3A_875, %sub3A_875 : vector<16xf32>
        %mul3A_879 = arith.mulf %sub3A_876, %sub3A_876 : vector<16xf32>
        %add3A_880 = arith.addf %mul3A_878, %mul3A_879 : vector<16xf32>
        %mul3A_881 = arith.mulf %sub3A_877, %sub3A_877 : vector<16xf32>
        %add3A_882 = arith.addf %add3A_880, %mul3A_881 : vector<16xf32>
        %le3A = vector.broadcast %scan3A_12 : f32 to vector<16xf32>
        %le3A_883 = arith.cmpf ole, %add3A_882, %le3A : vector<16xf32>
        %and3A_884 = arith.andi %lt3A_867, %le3A_883 : vector<16xi1>
        %lt3A_885 = arith.constant 48 : i32
        %lt3A_886 = vector.broadcast %lt3A_885 : i32 to vector<16xi32>
        %lt3A_887 = arith.cmpi slt, %while3A_864, %lt3A_886 : vector<16xi32>
        %and3A_888 = arith.andi %and3A_884, %lt3A_887 : vector<16xi1>
        %mul3A_889 = arith.constant 48 : i32
        %mul3A_890 = vector.broadcast %mul3A_889 : i32 to vector<16xi32>
        %mul3A_891 = arith.muli %iota3A, %mul3A_890 : vector<16xi32>
        %add3A_892 = arith.addi %mul3A_891, %while3A_864 : vector<16xi32>
        %add3A_893 = vector.broadcast %mul3A_42 : i32 to vector<16xi32>
        %add3A_894 = arith.addi %add3A_893, %add3A_892 : vector<16xi32>
        tpu.vector_store_idx %arg22[%add3A_894], %gather3A_871 masked %and3A_888 : memref<1536xi32, #tpu.memory_space<vmem>>[vector<16xi32>], vector<16xi32>, vector<16xi1>
        %mul3A_895 = arith.constant 4 : i32
        %mul3A_896 = vector.broadcast %mul3A_895 : i32 to vector<16xi32>
        %mul3A_897 = arith.muli %add3A_892, %mul3A_896 : vector<16xi32>
        %add3A_898 = vector.broadcast %mul3A_44 : i32 to vector<16xi32>
        %add3A_899 = arith.addi %add3A_898, %mul3A_897 : vector<16xi32>
        tpu.vector_store_idx %arg23[%add3A_899], %gather3A_872 masked %and3A_888 : memref<6144xf32, #tpu.memory_space<vmem>>[vector<16xi32>], vector<16xf32>, vector<16xi1>
        %add3A_900 = arith.constant 1 : i32
        %add3A_901 = vector.broadcast %add3A_900 : i32 to vector<16xi32>
        %add3A_902 = arith.addi %add3A_899, %add3A_901 : vector<16xi32>
        tpu.vector_store_idx %arg23[%add3A_902], %gather3A_873 masked %and3A_888 : memref<6144xf32, #tpu.memory_space<vmem>>[vector<16xi32>], vector<16xf32>, vector<16xi1>
        %add3A_903 = arith.constant 2 : i32
        %add3A_904 = vector.broadcast %add3A_903 : i32 to vector<16xi32>
        %add3A_905 = arith.addi %add3A_899, %add3A_904 : vector<16xi32>
        tpu.vector_store_idx %arg23[%add3A_905], %gather3A_874 masked %and3A_888 : memref<6144xf32, #tpu.memory_space<vmem>>[vector<16xi32>], vector<16xf32>, vector<16xi1>
        %jit3A_906 = arith.constant 1 : i32
        %jit3A_907 = arith.constant 0 : i32
        %broadcast_in_dim3A_908 = vector.broadcast %jit3A_906 : i32 to vector<16xi32>
        %broadcast_in_dim3A_909 = vector.broadcast %jit3A_907 : i32 to vector<16xi32>
        %select_n3A_910 = arith.select %and3A_888, %broadcast_in_dim3A_908, %broadcast_in_dim3A_909 : vector<16xi1>, vector<16xi32>
        %add3A_911 = arith.addi %while3A_864, %select_n3A_910 : vector<16xi32>
        scf.yield %add3A_911 : vector<16xi32>
      }
      %while3A_672 = arith.constant 1 : i32
      %while3A_673 = scf.for %while3A_863 = %while3A_669 to %while3A_665 step %while3A_672 iter_args(%while3A_864 = %while3A_671) -> (vector<16xi32>)  : i32 {
        %add3A_865 = vector.broadcast %while3A_863 : i32 to vector<16xi32>
        %add3A_866 = arith.addi %select_n3A_650, %add3A_865 : vector<16xi32>
        %lt3A_867 = arith.cmpi slt, %add3A_866, %select_n3A_653 : vector<16xi32>
        %jit3A_868 = arith.constant 0 : i32
        %broadcast_in_dim3A_869 = vector.broadcast %jit3A_868 : i32 to vector<16xi32>
        %select_n3A_870 = arith.select %lt3A_867, %add3A_866, %broadcast_in_dim3A_869 : vector<16xi1>, vector<16xi32>
        %gather3A_871 = tpu.vector_load_idx %arg20[%select_n3A_870] : memref<13824xi32, #tpu.memory_space<vmem>>[vector<16xi32>], vector<16xi32>,
        %gather3A_872 = tpu.vector_load_idx %arg17[%gather3A_871] : memref<13824xf32, #tpu.memory_space<vmem>>[vector<16xi32>], vector<16xf32>,
        %gather3A_873 = tpu.vector_load_idx %arg18[%gather3A_871] : memref<13824xf32, #tpu.memory_space<vmem>>[vector<16xi32>], vector<16xf32>,
        %gather3A_874 = tpu.vector_load_idx %arg19[%gather3A_871] : memref<13824xf32, #tpu.memory_space<vmem>>[vector<16xi32>], vector<16xf32>,
        %sub3A_875 = arith.subf %gather3A_872, %get3A_45 : vector<16xf32>
        %sub3A_876 = arith.subf %gather3A_873, %get3A_47 : vector<16xf32>
        %sub3A_877 = arith.subf %gather3A_874, %get3A_49 : vector<16xf32>
        %mul3A_878 = arith.mulf %sub3A_875, %sub3A_875 : vector<16xf32>
        %mul3A_879 = arith.mulf %sub3A_876, %sub3A_876 : vector<16xf32>
        %add3A_880 = arith.addf %mul3A_878, %mul3A_879 : vector<16xf32>
        %mul3A_881 = arith.mulf %sub3A_877, %sub3A_877 : vector<16xf32>
        %add3A_882 = arith.addf %add3A_880, %mul3A_881 : vector<16xf32>
        %le3A = vector.broadcast %scan3A_12 : f32 to vector<16xf32>
        %le3A_883 = arith.cmpf ole, %add3A_882, %le3A : vector<16xf32>
        %and3A_884 = arith.andi %lt3A_867, %le3A_883 : vector<16xi1>
        %lt3A_885 = arith.constant 48 : i32
        %lt3A_886 = vector.broadcast %lt3A_885 : i32 to vector<16xi32>
        %lt3A_887 = arith.cmpi slt, %while3A_864, %lt3A_886 : vector<16xi32>
        %and3A_888 = arith.andi %and3A_884, %lt3A_887 : vector<16xi1>
        %mul3A_889 = arith.constant 48 : i32
        %mul3A_890 = vector.broadcast %mul3A_889 : i32 to vector<16xi32>
        %mul3A_891 = arith.muli %iota3A, %mul3A_890 : vector<16xi32>
        %add3A_892 = arith.addi %mul3A_891, %while3A_864 : vector<16xi32>
        %add3A_893 = vector.broadcast %mul3A_42 : i32 to vector<16xi32>
        %add3A_894 = arith.addi %add3A_893, %add3A_892 : vector<16xi32>
        tpu.vector_store_idx %arg22[%add3A_894], %gather3A_871 masked %and3A_888 : memref<1536xi32, #tpu.memory_space<vmem>>[vector<16xi32>], vector<16xi32>, vector<16xi1>
        %mul3A_895 = arith.constant 4 : i32
        %mul3A_896 = vector.broadcast %mul3A_895 : i32 to vector<16xi32>
        %mul3A_897 = arith.muli %add3A_892, %mul3A_896 : vector<16xi32>
        %add3A_898 = vector.broadcast %mul3A_44 : i32 to vector<16xi32>
        %add3A_899 = arith.addi %add3A_898, %mul3A_897 : vector<16xi32>
        tpu.vector_store_idx %arg23[%add3A_899], %gather3A_872 masked %and3A_888 : memref<6144xf32, #tpu.memory_space<vmem>>[vector<16xi32>], vector<16xf32>, vector<16xi1>
        %add3A_900 = arith.constant 1 : i32
        %add3A_901 = vector.broadcast %add3A_900 : i32 to vector<16xi32>
        %add3A_902 = arith.addi %add3A_899, %add3A_901 : vector<16xi32>
        tpu.vector_store_idx %arg23[%add3A_902], %gather3A_873 masked %and3A_888 : memref<6144xf32, #tpu.memory_space<vmem>>[vector<16xi32>], vector<16xf32>, vector<16xi1>
        %add3A_903 = arith.constant 2 : i32
        %add3A_904 = vector.broadcast %add3A_903 : i32 to vector<16xi32>
        %add3A_905 = arith.addi %add3A_899, %add3A_904 : vector<16xi32>
        tpu.vector_store_idx %arg23[%add3A_905], %gather3A_874 masked %and3A_888 : memref<6144xf32, #tpu.memory_space<vmem>>[vector<16xi32>], vector<16xf32>, vector<16xi1>
        %jit3A_906 = arith.constant 1 : i32
        %jit3A_907 = arith.constant 0 : i32
        %broadcast_in_dim3A_908 = vector.broadcast %jit3A_906 : i32 to vector<16xi32>
        %broadcast_in_dim3A_909 = vector.broadcast %jit3A_907 : i32 to vector<16xi32>
        %select_n3A_910 = arith.select %and3A_888, %broadcast_in_dim3A_908, %broadcast_in_dim3A_909 : vector<16xi1>, vector<16xi32>
        %add3A_911 = arith.addi %while3A_864, %select_n3A_910 : vector<16xi32>
        scf.yield %add3A_911 : vector<16xi32>
      }
      %add3A_674 = arith.constant 1 : i32
      %add3A_675 = vector.broadcast %add3A_674 : i32 to vector<16xi32>
      %add3A_676 = arith.addi %min3A_56, %add3A_675 : vector<16xi32>
      %add3A_677 = arith.constant 1 : i32
      %add3A_678 = vector.broadcast %add3A_677 : i32 to vector<16xi32>
      %add3A_679 = arith.addi %min3A_66, %add3A_678 : vector<16xi32>
      %ge3A_680 = arith.constant 0 : i32
      %ge3A_681 = vector.broadcast %ge3A_680 : i32 to vector<16xi32>
      %ge3A_682 = arith.cmpi sge, %add3A_676, %ge3A_681 : vector<16xi32>
      %lt3A_683 = arith.constant 14 : i32
      %lt3A_684 = vector.broadcast %lt3A_683 : i32 to vector<16xi32>
      %lt3A_685 = arith.cmpi slt, %add3A_676, %lt3A_684 : vector<16xi32>
      %and3A_686 = arith.andi %ge3A_682, %lt3A_685 : vector<16xi1>
      %ge3A_687 = arith.constant 0 : i32
      %ge3A_688 = vector.broadcast %ge3A_687 : i32 to vector<16xi32>
      %ge3A_689 = arith.cmpi sge, %add3A_679, %ge3A_688 : vector<16xi32>
      %and3A_690 = arith.andi %and3A_686, %ge3A_689 : vector<16xi1>
      %lt3A_691 = arith.constant 14 : i32
      %lt3A_692 = vector.broadcast %lt3A_691 : i32 to vector<16xi32>
      %lt3A_693 = arith.cmpi slt, %add3A_679, %lt3A_692 : vector<16xi32>
      %and3A_694 = arith.andi %and3A_690, %lt3A_693 : vector<16xi1>
      %jit3A_695 = arith.constant 0 : i32
      %jit3A_696 = arith.constant 13 : i32
      %max3A_697 = vector.broadcast %jit3A_695 : i32 to vector<16xi32>
      %max3A_698 = arith.maxsi %max3A_697, %add3A_676 : vector<16xi32>
      %min3A_699 = vector.broadcast %jit3A_696 : i32 to vector<16xi32>
      %min3A_700 = arith.minsi %min3A_699, %max3A_698 : vector<16xi32>
      %jit3A_701 = arith.constant 0 : i32
      %jit3A_702 = arith.constant 13 : i32
      %max3A_703 = vector.broadcast %jit3A_701 : i32 to vector<16xi32>
      %max3A_704 = arith.maxsi %max3A_703, %add3A_679 : vector<16xi32>
      %min3A_705 = vector.broadcast %jit3A_702 : i32 to vector<16xi32>
      %min3A_706 = arith.minsi %min3A_705, %max3A_704 : vector<16xi32>
      %mul3A_707 = arith.constant 14 : i32
      %mul3A_708 = vector.broadcast %mul3A_707 : i32 to vector<16xi32>
      %mul3A_709 = arith.muli %min3A_700, %mul3A_708 : vector<16xi32>
      %add3A_710 = arith.addi %mul3A_709, %min3A_706 : vector<16xi32>
      %mul3A_711 = arith.constant 14 : i32
      %mul3A_712 = vector.broadcast %mul3A_711 : i32 to vector<16xi32>
      %mul3A_713 = arith.muli %add3A_710, %mul3A_712 : vector<16xi32>
      %add3A_714 = arith.addi %mul3A_713, %max3A_81 : vector<16xi32>
      %add3A_715 = arith.addi %mul3A_713, %min3A_87 : vector<16xi32>
      %gather3A_716 = tpu.vector_load_idx %arg21[%add3A_714] : memref<2752xi32, #tpu.memory_space<vmem>>[vector<16xi32>], vector<16xi32>,
      %add3A_717 = arith.constant 1 : i32
      %add3A_718 = vector.broadcast %add3A_717 : i32 to vector<16xi32>
      %add3A_719 = arith.addi %add3A_715, %add3A_718 : vector<16xi32>
      %gather3A_720 = tpu.vector_load_idx %arg21[%add3A_719] : memref<2752xi32, #tpu.memory_space<vmem>>[vector<16xi32>], vector<16xi32>,
      %jit3A_721 = arith.constant 0 : i32
      %broadcast_in_dim3A_722 = vector.broadcast %jit3A_721 : i32 to vector<16xi32>
      %select_n3A_723 = arith.select %and3A_694, %gather3A_716, %broadcast_in_dim3A_722 : vector<16xi1>, vector<16xi32>
      %jit3A_724 = arith.constant 0 : i32
      %broadcast_in_dim3A_725 = vector.broadcast %jit3A_724 : i32 to vector<16xi32>
      %select_n3A_726 = arith.select %and3A_694, %gather3A_720, %broadcast_in_dim3A_725 : vector<16xi1>, vector<16xi32>
      %sub3A_727 = arith.subi %select_n3A_726, %select_n3A_723 : vector<16xi32>
      %reduce_max3A_728 = arith.constant true
      %reduce_max3A_729 = vector.broadcast %reduce_max3A_728 : i1 to vector<16xi1>
      %reduce_max3A_730 = arith.constant -2147483648 : i32
      %reduce_max3A_731 = vector.broadcast %reduce_max3A_730 : i32 to vector<16xi32>
      %reduce_max3A_732 = arith.xori %sub3A_727, %reduce_max3A_731 : vector<16xi32>
      %reduce_max3A_733 = tpu.scan <max>, %reduce_max3A_732 masked %reduce_max3A_729 : vector<16xi32>, vector<16xi1> -> vector<16xi32>
      %reduce_max3A_734 = arith.xori %reduce_max3A_733, %reduce_max3A_731 : vector<16xi32>
      %reduce_max3A_735 = vector.extract %reduce_max3A_734[15] : i32 from vector<16xi32>
      %while3A_736 = arith.constant 0 : i32
      %while3A_737 = arith.subi %reduce_max3A_735, %while3A_736 : i32
      %while3A_738 = arith.addi %while3A_736, %while3A_737 : i32
      %while3A_739 = arith.constant 1 : i32
      %while3A_740 = arith.divsi %while3A_737, %while3A_739 : i32
      %while3A_741 = arith.muli %while3A_740, %while3A_739 : i32
      %while3A_742 = arith.addi %while3A_736, %while3A_741 : i32
      %while3A_743 = arith.constant 1 : i32
      %while3A_744 = scf.for %while3A_863 = %while3A_736 to %while3A_742 step %while3A_743 iter_args(%while3A_864 = %while3A_673) -> (vector<16xi32>)  : i32 {
        %add3A_865 = vector.broadcast %while3A_863 : i32 to vector<16xi32>
        %add3A_866 = arith.addi %select_n3A_723, %add3A_865 : vector<16xi32>
        %lt3A_867 = arith.cmpi slt, %add3A_866, %select_n3A_726 : vector<16xi32>
        %jit3A_868 = arith.constant 0 : i32
        %broadcast_in_dim3A_869 = vector.broadcast %jit3A_868 : i32 to vector<16xi32>
        %select_n3A_870 = arith.select %lt3A_867, %add3A_866, %broadcast_in_dim3A_869 : vector<16xi1>, vector<16xi32>
        %gather3A_871 = tpu.vector_load_idx %arg20[%select_n3A_870] : memref<13824xi32, #tpu.memory_space<vmem>>[vector<16xi32>], vector<16xi32>,
        %gather3A_872 = tpu.vector_load_idx %arg17[%gather3A_871] : memref<13824xf32, #tpu.memory_space<vmem>>[vector<16xi32>], vector<16xf32>,
        %gather3A_873 = tpu.vector_load_idx %arg18[%gather3A_871] : memref<13824xf32, #tpu.memory_space<vmem>>[vector<16xi32>], vector<16xf32>,
        %gather3A_874 = tpu.vector_load_idx %arg19[%gather3A_871] : memref<13824xf32, #tpu.memory_space<vmem>>[vector<16xi32>], vector<16xf32>,
        %sub3A_875 = arith.subf %gather3A_872, %get3A_45 : vector<16xf32>
        %sub3A_876 = arith.subf %gather3A_873, %get3A_47 : vector<16xf32>
        %sub3A_877 = arith.subf %gather3A_874, %get3A_49 : vector<16xf32>
        %mul3A_878 = arith.mulf %sub3A_875, %sub3A_875 : vector<16xf32>
        %mul3A_879 = arith.mulf %sub3A_876, %sub3A_876 : vector<16xf32>
        %add3A_880 = arith.addf %mul3A_878, %mul3A_879 : vector<16xf32>
        %mul3A_881 = arith.mulf %sub3A_877, %sub3A_877 : vector<16xf32>
        %add3A_882 = arith.addf %add3A_880, %mul3A_881 : vector<16xf32>
        %le3A = vector.broadcast %scan3A_12 : f32 to vector<16xf32>
        %le3A_883 = arith.cmpf ole, %add3A_882, %le3A : vector<16xf32>
        %and3A_884 = arith.andi %lt3A_867, %le3A_883 : vector<16xi1>
        %lt3A_885 = arith.constant 48 : i32
        %lt3A_886 = vector.broadcast %lt3A_885 : i32 to vector<16xi32>
        %lt3A_887 = arith.cmpi slt, %while3A_864, %lt3A_886 : vector<16xi32>
        %and3A_888 = arith.andi %and3A_884, %lt3A_887 : vector<16xi1>
        %mul3A_889 = arith.constant 48 : i32
        %mul3A_890 = vector.broadcast %mul3A_889 : i32 to vector<16xi32>
        %mul3A_891 = arith.muli %iota3A, %mul3A_890 : vector<16xi32>
        %add3A_892 = arith.addi %mul3A_891, %while3A_864 : vector<16xi32>
        %add3A_893 = vector.broadcast %mul3A_42 : i32 to vector<16xi32>
        %add3A_894 = arith.addi %add3A_893, %add3A_892 : vector<16xi32>
        tpu.vector_store_idx %arg22[%add3A_894], %gather3A_871 masked %and3A_888 : memref<1536xi32, #tpu.memory_space<vmem>>[vector<16xi32>], vector<16xi32>, vector<16xi1>
        %mul3A_895 = arith.constant 4 : i32
        %mul3A_896 = vector.broadcast %mul3A_895 : i32 to vector<16xi32>
        %mul3A_897 = arith.muli %add3A_892, %mul3A_896 : vector<16xi32>
        %add3A_898 = vector.broadcast %mul3A_44 : i32 to vector<16xi32>
        %add3A_899 = arith.addi %add3A_898, %mul3A_897 : vector<16xi32>
        tpu.vector_store_idx %arg23[%add3A_899], %gather3A_872 masked %and3A_888 : memref<6144xf32, #tpu.memory_space<vmem>>[vector<16xi32>], vector<16xf32>, vector<16xi1>
        %add3A_900 = arith.constant 1 : i32
        %add3A_901 = vector.broadcast %add3A_900 : i32 to vector<16xi32>
        %add3A_902 = arith.addi %add3A_899, %add3A_901 : vector<16xi32>
        tpu.vector_store_idx %arg23[%add3A_902], %gather3A_873 masked %and3A_888 : memref<6144xf32, #tpu.memory_space<vmem>>[vector<16xi32>], vector<16xf32>, vector<16xi1>
        %add3A_903 = arith.constant 2 : i32
        %add3A_904 = vector.broadcast %add3A_903 : i32 to vector<16xi32>
        %add3A_905 = arith.addi %add3A_899, %add3A_904 : vector<16xi32>
        tpu.vector_store_idx %arg23[%add3A_905], %gather3A_874 masked %and3A_888 : memref<6144xf32, #tpu.memory_space<vmem>>[vector<16xi32>], vector<16xf32>, vector<16xi1>
        %jit3A_906 = arith.constant 1 : i32
        %jit3A_907 = arith.constant 0 : i32
        %broadcast_in_dim3A_908 = vector.broadcast %jit3A_906 : i32 to vector<16xi32>
        %broadcast_in_dim3A_909 = vector.broadcast %jit3A_907 : i32 to vector<16xi32>
        %select_n3A_910 = arith.select %and3A_888, %broadcast_in_dim3A_908, %broadcast_in_dim3A_909 : vector<16xi1>, vector<16xi32>
        %add3A_911 = arith.addi %while3A_864, %select_n3A_910 : vector<16xi32>
        scf.yield %add3A_911 : vector<16xi32>
      }
      %while3A_745 = arith.constant 1 : i32
      %while3A_746 = scf.for %while3A_863 = %while3A_742 to %while3A_738 step %while3A_745 iter_args(%while3A_864 = %while3A_744) -> (vector<16xi32>)  : i32 {
        %add3A_865 = vector.broadcast %while3A_863 : i32 to vector<16xi32>
        %add3A_866 = arith.addi %select_n3A_723, %add3A_865 : vector<16xi32>
        %lt3A_867 = arith.cmpi slt, %add3A_866, %select_n3A_726 : vector<16xi32>
        %jit3A_868 = arith.constant 0 : i32
        %broadcast_in_dim3A_869 = vector.broadcast %jit3A_868 : i32 to vector<16xi32>
        %select_n3A_870 = arith.select %lt3A_867, %add3A_866, %broadcast_in_dim3A_869 : vector<16xi1>, vector<16xi32>
        %gather3A_871 = tpu.vector_load_idx %arg20[%select_n3A_870] : memref<13824xi32, #tpu.memory_space<vmem>>[vector<16xi32>], vector<16xi32>,
        %gather3A_872 = tpu.vector_load_idx %arg17[%gather3A_871] : memref<13824xf32, #tpu.memory_space<vmem>>[vector<16xi32>], vector<16xf32>,
        %gather3A_873 = tpu.vector_load_idx %arg18[%gather3A_871] : memref<13824xf32, #tpu.memory_space<vmem>>[vector<16xi32>], vector<16xf32>,
        %gather3A_874 = tpu.vector_load_idx %arg19[%gather3A_871] : memref<13824xf32, #tpu.memory_space<vmem>>[vector<16xi32>], vector<16xf32>,
        %sub3A_875 = arith.subf %gather3A_872, %get3A_45 : vector<16xf32>
        %sub3A_876 = arith.subf %gather3A_873, %get3A_47 : vector<16xf32>
        %sub3A_877 = arith.subf %gather3A_874, %get3A_49 : vector<16xf32>
        %mul3A_878 = arith.mulf %sub3A_875, %sub3A_875 : vector<16xf32>
        %mul3A_879 = arith.mulf %sub3A_876, %sub3A_876 : vector<16xf32>
        %add3A_880 = arith.addf %mul3A_878, %mul3A_879 : vector<16xf32>
        %mul3A_881 = arith.mulf %sub3A_877, %sub3A_877 : vector<16xf32>
        %add3A_882 = arith.addf %add3A_880, %mul3A_881 : vector<16xf32>
        %le3A = vector.broadcast %scan3A_12 : f32 to vector<16xf32>
        %le3A_883 = arith.cmpf ole, %add3A_882, %le3A : vector<16xf32>
        %and3A_884 = arith.andi %lt3A_867, %le3A_883 : vector<16xi1>
        %lt3A_885 = arith.constant 48 : i32
        %lt3A_886 = vector.broadcast %lt3A_885 : i32 to vector<16xi32>
        %lt3A_887 = arith.cmpi slt, %while3A_864, %lt3A_886 : vector<16xi32>
        %and3A_888 = arith.andi %and3A_884, %lt3A_887 : vector<16xi1>
        %mul3A_889 = arith.constant 48 : i32
        %mul3A_890 = vector.broadcast %mul3A_889 : i32 to vector<16xi32>
        %mul3A_891 = arith.muli %iota3A, %mul3A_890 : vector<16xi32>
        %add3A_892 = arith.addi %mul3A_891, %while3A_864 : vector<16xi32>
        %add3A_893 = vector.broadcast %mul3A_42 : i32 to vector<16xi32>
        %add3A_894 = arith.addi %add3A_893, %add3A_892 : vector<16xi32>
        tpu.vector_store_idx %arg22[%add3A_894], %gather3A_871 masked %and3A_888 : memref<1536xi32, #tpu.memory_space<vmem>>[vector<16xi32>], vector<16xi32>, vector<16xi1>
        %mul3A_895 = arith.constant 4 : i32
        %mul3A_896 = vector.broadcast %mul3A_895 : i32 to vector<16xi32>
        %mul3A_897 = arith.muli %add3A_892, %mul3A_896 : vector<16xi32>
        %add3A_898 = vector.broadcast %mul3A_44 : i32 to vector<16xi32>
        %add3A_899 = arith.addi %add3A_898, %mul3A_897 : vector<16xi32>
        tpu.vector_store_idx %arg23[%add3A_899], %gather3A_872 masked %and3A_888 : memref<6144xf32, #tpu.memory_space<vmem>>[vector<16xi32>], vector<16xf32>, vector<16xi1>
        %add3A_900 = arith.constant 1 : i32
        %add3A_901 = vector.broadcast %add3A_900 : i32 to vector<16xi32>
        %add3A_902 = arith.addi %add3A_899, %add3A_901 : vector<16xi32>
        tpu.vector_store_idx %arg23[%add3A_902], %gather3A_873 masked %and3A_888 : memref<6144xf32, #tpu.memory_space<vmem>>[vector<16xi32>], vector<16xf32>, vector<16xi1>
        %add3A_903 = arith.constant 2 : i32
        %add3A_904 = vector.broadcast %add3A_903 : i32 to vector<16xi32>
        %add3A_905 = arith.addi %add3A_899, %add3A_904 : vector<16xi32>
        tpu.vector_store_idx %arg23[%add3A_905], %gather3A_874 masked %and3A_888 : memref<6144xf32, #tpu.memory_space<vmem>>[vector<16xi32>], vector<16xf32>, vector<16xi1>
        %jit3A_906 = arith.constant 1 : i32
        %jit3A_907 = arith.constant 0 : i32
        %broadcast_in_dim3A_908 = vector.broadcast %jit3A_906 : i32 to vector<16xi32>
        %broadcast_in_dim3A_909 = vector.broadcast %jit3A_907 : i32 to vector<16xi32>
        %select_n3A_910 = arith.select %and3A_888, %broadcast_in_dim3A_908, %broadcast_in_dim3A_909 : vector<16xi1>, vector<16xi32>
        %add3A_911 = arith.addi %while3A_864, %select_n3A_910 : vector<16xi32>
        scf.yield %add3A_911 : vector<16xi32>
      }
      %swap3A = arith.index_cast %mul3A_39 : i32 to index
      %swap3A_747 = tpu.vector_load %arg25[%swap3A] {strides = array<i32>} : memref<512xi32, #tpu.memory_space<vmem>>, vector<16xi32>,
      tpu.vector_store %arg25[%swap3A], %while3A_746 {strides = array<i32>} : memref<512xi32, #tpu.memory_space<vmem>>, vector<16xi32>,
      %gt3A = arith.constant 0 : i32
      %gt3A_748 = arith.cmpi sgt, %scan3A_37, %gt3A : i32
      %convert_element_type3A_749 = arith.extui %gt3A_748 : i1 to i32
      %cond3A_750 = arith.constant 0 : i32
      %cond3A_751 = arith.cmpi ne, %convert_element_type3A_749, %cond3A_750 : i32
      scf.if %cond3A_751 {
        %sub3A_863 = arith.constant 16 : i32
        %sub3A_864 = arith.subi %mul3A_39, %sub3A_863 : i32
        %add3A_865 = arith.addi %mul3A_2, %sub3A_864 : i32
        %mul3A_866 = arith.constant 48 : i32
        %mul3A_867 = arith.muli %add3A_865, %mul3A_866 : i32
        %dma_wait3A_868 = arith.constant 0 : i32
        %dma_wait3A_869 = tpu.memref_slice %arg11[%mul3A_867, %dma_wait3A_868] : memref<786432x64xbf16, #tpu.memory_space<hbm>> -> memref<768x64xbf16, #tpu.memory_space<hbm>>
        %dma_wait3A_870 = arith.constant 0 : i32
        %dma_wait3A_871 = tpu.memref_slice %arg11[%mul3A_867, %dma_wait3A_870] : memref<786432x64xbf16, #tpu.memory_space<hbm>> -> memref<768x64xbf16, #tpu.memory_space<hbm>>
        tpu.wait_dma2 semaphore(%arg28 : memref<!tpu.dma_semaphore, #tpu.memory_space<semaphore_mem>>) src(%arg24 : memref<768x64xbf16, #tpu.memory_space<vmem>>) dst(%dma_wait3A_871 : memref<768x64xbf16, #tpu.memory_space<hbm>>)
        %sub3A_872 = arith.constant 1 : i32
        %sub3A_873 = arith.subi %sub3A_872, %and3A_40 : i32
        %mul3A_874 = arith.constant 3072 : i32
        %mul3A_875 = arith.muli %sub3A_873, %mul3A_874 : i32
        %add3A_876 = arith.addi %mul3A_2, %sub3A_864 : i32
        %mul3A_877 = arith.constant 48 : i32
        %mul3A_878 = arith.muli %add3A_876, %mul3A_877 : i32
        %mul3A_879 = arith.constant 4 : i32
        %mul3A_880 = arith.muli %mul3A_878, %mul3A_879 : i32
        %dma_wait3A_881 = tpu.memref_slice %arg23[%mul3A_875] : memref<6144xf32, #tpu.memory_space<vmem>> -> memref<3072xf32, #tpu.memory_space<vmem>>
        %dma_wait3A_882 = tpu.memref_slice %arg12[%mul3A_880] : memref<3145728xf32, #tpu.memory_space<hbm>> -> memref<3072xf32, #tpu.memory_space<hbm>>
        %dma_wait3A_883 = tpu.memref_slice %arg12[%mul3A_880] : memref<3145728xf32, #tpu.memory_space<hbm>> -> memref<3072xf32, #tpu.memory_space<hbm>>
        %dma_wait3A_884 = tpu.memref_slice %arg23[%mul3A_875] : memref<6144xf32, #tpu.memory_space<vmem>> -> memref<3072xf32, #tpu.memory_space<vmem>>
        tpu.wait_dma2 semaphore(%arg29 : memref<!tpu.dma_semaphore, #tpu.memory_space<semaphore_mem>>) src(%dma_wait3A_884 : memref<3072xf32, #tpu.memory_space<vmem>>) dst(%dma_wait3A_883 : memref<3072xf32, #tpu.memory_space<hbm>>)
      } else {
      }
      %add3A_752 = arith.constant 0 : i32
      %add3A_753 = arith.addi %mul3A_42, %add3A_752 : i32
      %dma_start3A = arith.constant 0 : i32
      %dma_start3A_754 = arith.constant 0 : i32
      %dma_start3A_755 = tpu.memref_slice %arg24[%dma_start3A, %dma_start3A_754] : memref<768x64xbf16, #tpu.memory_space<vmem>> -> memref<128x64xbf16, #tpu.memory_space<vmem>>
      %dma_start3A_756 = tpu.memref_slice %arg22[%add3A_753] : memref<1536xi32, #tpu.memory_space<vmem>> -> memref<128xi32, #tpu.memory_space<vmem>>
      %dma_start3A_757 = arith.constant 0 : i32
      %dma_start3A_758 = arith.constant 0 : i32
      %dma_start3A_759 = tpu.memref_slice %arg26[%dma_start3A_757, %dma_start3A_758] : memref<13832x64xbf16, #tpu.memory_space<vmem_shared>> -> memref<13832x64xbf16, #tpu.memory_space<vmem_shared>>
      tpu.enqueue_indirect_dma source(%dma_start3A_759 : memref<13832x64xbf16, #tpu.memory_space<vmem_shared>>) target(%dma_start3A_755 : memref<128x64xbf16, #tpu.memory_space<vmem>>) offsets(%dma_start3A_756 : memref<128xi32, #tpu.memory_space<vmem>>) semaphore(%arg27 : memref<!tpu.dma_semaphore, #tpu.memory_space<semaphore_mem>>)
      %add3A_760 = arith.constant 128 : i32
      %add3A_761 = arith.addi %mul3A_42, %add3A_760 : i32
      %dma_start3A_762 = arith.constant 128 : i32
      %dma_start3A_763 = arith.constant 0 : i32
      %dma_start3A_764 = tpu.memref_slice %arg24[%dma_start3A_762, %dma_start3A_763] : memref<768x64xbf16, #tpu.memory_space<vmem>> -> memref<128x64xbf16, #tpu.memory_space<vmem>>
      %dma_start3A_765 = tpu.memref_slice %arg22[%add3A_761] : memref<1536xi32, #tpu.memory_space<vmem>> -> memref<128xi32, #tpu.memory_space<vmem>>
      %dma_start3A_766 = arith.constant 0 : i32
      %dma_start3A_767 = arith.constant 0 : i32
      %dma_start3A_768 = tpu.memref_slice %arg26[%dma_start3A_766, %dma_start3A_767] : memref<13832x64xbf16, #tpu.memory_space<vmem_shared>> -> memref<13832x64xbf16, #tpu.memory_space<vmem_shared>>
      tpu.enqueue_indirect_dma source(%dma_start3A_768 : memref<13832x64xbf16, #tpu.memory_space<vmem_shared>>) target(%dma_start3A_764 : memref<128x64xbf16, #tpu.memory_space<vmem>>) offsets(%dma_start3A_765 : memref<128xi32, #tpu.memory_space<vmem>>) semaphore(%arg27 : memref<!tpu.dma_semaphore, #tpu.memory_space<semaphore_mem>>)
      %add3A_769 = arith.constant 256 : i32
      %add3A_770 = arith.addi %mul3A_42, %add3A_769 : i32
      %dma_start3A_771 = arith.constant 256 : i32
      %dma_start3A_772 = arith.constant 0 : i32
      %dma_start3A_773 = tpu.memref_slice %arg24[%dma_start3A_771, %dma_start3A_772] : memref<768x64xbf16, #tpu.memory_space<vmem>> -> memref<128x64xbf16, #tpu.memory_space<vmem>>
      %dma_start3A_774 = tpu.memref_slice %arg22[%add3A_770] : memref<1536xi32, #tpu.memory_space<vmem>> -> memref<128xi32, #tpu.memory_space<vmem>>
      %dma_start3A_775 = arith.constant 0 : i32
      %dma_start3A_776 = arith.constant 0 : i32
      %dma_start3A_777 = tpu.memref_slice %arg26[%dma_start3A_775, %dma_start3A_776] : memref<13832x64xbf16, #tpu.memory_space<vmem_shared>> -> memref<13832x64xbf16, #tpu.memory_space<vmem_shared>>
      tpu.enqueue_indirect_dma source(%dma_start3A_777 : memref<13832x64xbf16, #tpu.memory_space<vmem_shared>>) target(%dma_start3A_773 : memref<128x64xbf16, #tpu.memory_space<vmem>>) offsets(%dma_start3A_774 : memref<128xi32, #tpu.memory_space<vmem>>) semaphore(%arg27 : memref<!tpu.dma_semaphore, #tpu.memory_space<semaphore_mem>>)
      %add3A_778 = arith.constant 384 : i32
      %add3A_779 = arith.addi %mul3A_42, %add3A_778 : i32
      %dma_start3A_780 = arith.constant 384 : i32
      %dma_start3A_781 = arith.constant 0 : i32
      %dma_start3A_782 = tpu.memref_slice %arg24[%dma_start3A_780, %dma_start3A_781] : memref<768x64xbf16, #tpu.memory_space<vmem>> -> memref<128x64xbf16, #tpu.memory_space<vmem>>
      %dma_start3A_783 = tpu.memref_slice %arg22[%add3A_779] : memref<1536xi32, #tpu.memory_space<vmem>> -> memref<128xi32, #tpu.memory_space<vmem>>
      %dma_start3A_784 = arith.constant 0 : i32
      %dma_start3A_785 = arith.constant 0 : i32
      %dma_start3A_786 = tpu.memref_slice %arg26[%dma_start3A_784, %dma_start3A_785] : memref<13832x64xbf16, #tpu.memory_space<vmem_shared>> -> memref<13832x64xbf16, #tpu.memory_space<vmem_shared>>
      tpu.enqueue_indirect_dma source(%dma_start3A_786 : memref<13832x64xbf16, #tpu.memory_space<vmem_shared>>) target(%dma_start3A_782 : memref<128x64xbf16, #tpu.memory_space<vmem>>) offsets(%dma_start3A_783 : memref<128xi32, #tpu.memory_space<vmem>>) semaphore(%arg27 : memref<!tpu.dma_semaphore, #tpu.memory_space<semaphore_mem>>)
      %add3A_787 = arith.constant 512 : i32
      %add3A_788 = arith.addi %mul3A_42, %add3A_787 : i32
      %dma_start3A_789 = arith.constant 512 : i32
      %dma_start3A_790 = arith.constant 0 : i32
      %dma_start3A_791 = tpu.memref_slice %arg24[%dma_start3A_789, %dma_start3A_790] : memref<768x64xbf16, #tpu.memory_space<vmem>> -> memref<128x64xbf16, #tpu.memory_space<vmem>>
      %dma_start3A_792 = tpu.memref_slice %arg22[%add3A_788] : memref<1536xi32, #tpu.memory_space<vmem>> -> memref<128xi32, #tpu.memory_space<vmem>>
      %dma_start3A_793 = arith.constant 0 : i32
      %dma_start3A_794 = arith.constant 0 : i32
      %dma_start3A_795 = tpu.memref_slice %arg26[%dma_start3A_793, %dma_start3A_794] : memref<13832x64xbf16, #tpu.memory_space<vmem_shared>> -> memref<13832x64xbf16, #tpu.memory_space<vmem_shared>>
      tpu.enqueue_indirect_dma source(%dma_start3A_795 : memref<13832x64xbf16, #tpu.memory_space<vmem_shared>>) target(%dma_start3A_791 : memref<128x64xbf16, #tpu.memory_space<vmem>>) offsets(%dma_start3A_792 : memref<128xi32, #tpu.memory_space<vmem>>) semaphore(%arg27 : memref<!tpu.dma_semaphore, #tpu.memory_space<semaphore_mem>>)
      %add3A_796 = arith.constant 640 : i32
      %add3A_797 = arith.addi %mul3A_42, %add3A_796 : i32
      %dma_start3A_798 = arith.constant 640 : i32
      %dma_start3A_799 = arith.constant 0 : i32
      %dma_start3A_800 = tpu.memref_slice %arg24[%dma_start3A_798, %dma_start3A_799] : memref<768x64xbf16, #tpu.memory_space<vmem>> -> memref<128x64xbf16, #tpu.memory_space<vmem>>
      %dma_start3A_801 = tpu.memref_slice %arg22[%add3A_797] : memref<1536xi32, #tpu.memory_space<vmem>> -> memref<128xi32, #tpu.memory_space<vmem>>
      %dma_start3A_802 = arith.constant 0 : i32
      %dma_start3A_803 = arith.constant 0 : i32
      %dma_start3A_804 = tpu.memref_slice %arg26[%dma_start3A_802, %dma_start3A_803] : memref<13832x64xbf16, #tpu.memory_space<vmem_shared>> -> memref<13832x64xbf16, #tpu.memory_space<vmem_shared>>
      tpu.enqueue_indirect_dma source(%dma_start3A_804 : memref<13832x64xbf16, #tpu.memory_space<vmem_shared>>) target(%dma_start3A_800 : memref<128x64xbf16, #tpu.memory_space<vmem>>) offsets(%dma_start3A_801 : memref<128xi32, #tpu.memory_space<vmem>>) semaphore(%arg27 : memref<!tpu.dma_semaphore, #tpu.memory_space<semaphore_mem>>)
      %dma_wait3A_805 = arith.constant 0 : i32
      %dma_wait3A_806 = arith.constant 0 : i32
      %dma_wait3A_807 = tpu.memref_slice %arg24[%dma_wait3A_805, %dma_wait3A_806] : memref<768x64xbf16, #tpu.memory_space<vmem>> -> memref<128x64xbf16, #tpu.memory_space<vmem>>
      %dma_wait3A_808 = tpu.memref_slice %arg22[%add3A_753] : memref<1536xi32, #tpu.memory_space<vmem>> -> memref<128xi32, #tpu.memory_space<vmem>>
      %dma_wait3A_809 = arith.constant 0 : i32
      %dma_wait3A_810 = arith.constant 0 : i32
      %dma_wait3A_811 = tpu.memref_slice %arg26[%dma_wait3A_809, %dma_wait3A_810] : memref<13832x64xbf16, #tpu.memory_space<vmem_shared>> -> memref<13832x64xbf16, #tpu.memory_space<vmem_shared>>
      tpu.wait_indirect_dma semaphore(%arg27 : memref<!tpu.dma_semaphore, #tpu.memory_space<semaphore_mem>>) src(%dma_wait3A_811 : memref<13832x64xbf16, #tpu.memory_space<vmem_shared>>) dst(%dma_wait3A_807 : memref<128x64xbf16, #tpu.memory_space<vmem>>)
      %dma_wait3A_812 = arith.constant 128 : i32
      %dma_wait3A_813 = arith.constant 0 : i32
      %dma_wait3A_814 = tpu.memref_slice %arg24[%dma_wait3A_812, %dma_wait3A_813] : memref<768x64xbf16, #tpu.memory_space<vmem>> -> memref<128x64xbf16, #tpu.memory_space<vmem>>
      %dma_wait3A_815 = tpu.memref_slice %arg22[%add3A_761] : memref<1536xi32, #tpu.memory_space<vmem>> -> memref<128xi32, #tpu.memory_space<vmem>>
      %dma_wait3A_816 = arith.constant 0 : i32
      %dma_wait3A_817 = arith.constant 0 : i32
      %dma_wait3A_818 = tpu.memref_slice %arg26[%dma_wait3A_816, %dma_wait3A_817] : memref<13832x64xbf16, #tpu.memory_space<vmem_shared>> -> memref<13832x64xbf16, #tpu.memory_space<vmem_shared>>
      tpu.wait_indirect_dma semaphore(%arg27 : memref<!tpu.dma_semaphore, #tpu.memory_space<semaphore_mem>>) src(%dma_wait3A_818 : memref<13832x64xbf16, #tpu.memory_space<vmem_shared>>) dst(%dma_wait3A_814 : memref<128x64xbf16, #tpu.memory_space<vmem>>)
      %dma_wait3A_819 = arith.constant 256 : i32
      %dma_wait3A_820 = arith.constant 0 : i32
      %dma_wait3A_821 = tpu.memref_slice %arg24[%dma_wait3A_819, %dma_wait3A_820] : memref<768x64xbf16, #tpu.memory_space<vmem>> -> memref<128x64xbf16, #tpu.memory_space<vmem>>
      %dma_wait3A_822 = tpu.memref_slice %arg22[%add3A_770] : memref<1536xi32, #tpu.memory_space<vmem>> -> memref<128xi32, #tpu.memory_space<vmem>>
      %dma_wait3A_823 = arith.constant 0 : i32
      %dma_wait3A_824 = arith.constant 0 : i32
      %dma_wait3A_825 = tpu.memref_slice %arg26[%dma_wait3A_823, %dma_wait3A_824] : memref<13832x64xbf16, #tpu.memory_space<vmem_shared>> -> memref<13832x64xbf16, #tpu.memory_space<vmem_shared>>
      tpu.wait_indirect_dma semaphore(%arg27 : memref<!tpu.dma_semaphore, #tpu.memory_space<semaphore_mem>>) src(%dma_wait3A_825 : memref<13832x64xbf16, #tpu.memory_space<vmem_shared>>) dst(%dma_wait3A_821 : memref<128x64xbf16, #tpu.memory_space<vmem>>)
      %dma_wait3A_826 = arith.constant 384 : i32
      %dma_wait3A_827 = arith.constant 0 : i32
      %dma_wait3A_828 = tpu.memref_slice %arg24[%dma_wait3A_826, %dma_wait3A_827] : memref<768x64xbf16, #tpu.memory_space<vmem>> -> memref<128x64xbf16, #tpu.memory_space<vmem>>
      %dma_wait3A_829 = tpu.memref_slice %arg22[%add3A_779] : memref<1536xi32, #tpu.memory_space<vmem>> -> memref<128xi32, #tpu.memory_space<vmem>>
      %dma_wait3A_830 = arith.constant 0 : i32
      %dma_wait3A_831 = arith.constant 0 : i32
      %dma_wait3A_832 = tpu.memref_slice %arg26[%dma_wait3A_830, %dma_wait3A_831] : memref<13832x64xbf16, #tpu.memory_space<vmem_shared>> -> memref<13832x64xbf16, #tpu.memory_space<vmem_shared>>
      tpu.wait_indirect_dma semaphore(%arg27 : memref<!tpu.dma_semaphore, #tpu.memory_space<semaphore_mem>>) src(%dma_wait3A_832 : memref<13832x64xbf16, #tpu.memory_space<vmem_shared>>) dst(%dma_wait3A_828 : memref<128x64xbf16, #tpu.memory_space<vmem>>)
      %dma_wait3A_833 = arith.constant 512 : i32
      %dma_wait3A_834 = arith.constant 0 : i32
      %dma_wait3A_835 = tpu.memref_slice %arg24[%dma_wait3A_833, %dma_wait3A_834] : memref<768x64xbf16, #tpu.memory_space<vmem>> -> memref<128x64xbf16, #tpu.memory_space<vmem>>
      %dma_wait3A_836 = tpu.memref_slice %arg22[%add3A_788] : memref<1536xi32, #tpu.memory_space<vmem>> -> memref<128xi32, #tpu.memory_space<vmem>>
      %dma_wait3A_837 = arith.constant 0 : i32
      %dma_wait3A_838 = arith.constant 0 : i32
      %dma_wait3A_839 = tpu.memref_slice %arg26[%dma_wait3A_837, %dma_wait3A_838] : memref<13832x64xbf16, #tpu.memory_space<vmem_shared>> -> memref<13832x64xbf16, #tpu.memory_space<vmem_shared>>
      tpu.wait_indirect_dma semaphore(%arg27 : memref<!tpu.dma_semaphore, #tpu.memory_space<semaphore_mem>>) src(%dma_wait3A_839 : memref<13832x64xbf16, #tpu.memory_space<vmem_shared>>) dst(%dma_wait3A_835 : memref<128x64xbf16, #tpu.memory_space<vmem>>)
      %dma_wait3A_840 = arith.constant 640 : i32
      %dma_wait3A_841 = arith.constant 0 : i32
      %dma_wait3A_842 = tpu.memref_slice %arg24[%dma_wait3A_840, %dma_wait3A_841] : memref<768x64xbf16, #tpu.memory_space<vmem>> -> memref<128x64xbf16, #tpu.memory_space<vmem>>
      %dma_wait3A_843 = tpu.memref_slice %arg22[%add3A_797] : memref<1536xi32, #tpu.memory_space<vmem>> -> memref<128xi32, #tpu.memory_space<vmem>>
      %dma_wait3A_844 = arith.constant 0 : i32
      %dma_wait3A_845 = arith.constant 0 : i32
      %dma_wait3A_846 = tpu.memref_slice %arg26[%dma_wait3A_844, %dma_wait3A_845] : memref<13832x64xbf16, #tpu.memory_space<vmem_shared>> -> memref<13832x64xbf16, #tpu.memory_space<vmem_shared>>
      tpu.wait_indirect_dma semaphore(%arg27 : memref<!tpu.dma_semaphore, #tpu.memory_space<semaphore_mem>>) src(%dma_wait3A_846 : memref<13832x64xbf16, #tpu.memory_space<vmem_shared>>) dst(%dma_wait3A_842 : memref<128x64xbf16, #tpu.memory_space<vmem>>)
      %add3A_847 = arith.addi %mul3A_2, %mul3A_39 : i32
      %mul3A_848 = arith.constant 48 : i32
      %mul3A_849 = arith.muli %add3A_847, %mul3A_848 : i32
      %dma_start3A_850 = arith.constant 0 : i32
      %dma_start3A_851 = tpu.memref_slice %arg11[%mul3A_849, %dma_start3A_850] : memref<786432x64xbf16, #tpu.memory_space<hbm>> -> memref<768x64xbf16, #tpu.memory_space<hbm>>
      %dma_start3A_852 = arith.constant 0 : i32
      %dma_start3A_853 = tpu.memref_slice %arg11[%mul3A_849, %dma_start3A_852] : memref<786432x64xbf16, #tpu.memory_space<hbm>> -> memref<768x64xbf16, #tpu.memory_space<hbm>>
      tpu.enqueue_dma source(%arg24 : memref<768x64xbf16, #tpu.memory_space<vmem>>) target(%dma_start3A_853 : memref<768x64xbf16, #tpu.memory_space<hbm>>) target_semaphore(%arg28 : memref<!tpu.dma_semaphore, #tpu.memory_space<semaphore_mem>>)
      %add3A_854 = arith.addi %mul3A_2, %mul3A_39 : i32
      %mul3A_855 = arith.constant 48 : i32
      %mul3A_856 = arith.muli %add3A_854, %mul3A_855 : i32
      %mul3A_857 = arith.constant 4 : i32
      %mul3A_858 = arith.muli %mul3A_856, %mul3A_857 : i32
      %dma_start3A_859 = tpu.memref_slice %arg23[%mul3A_44] : memref<6144xf32, #tpu.memory_space<vmem>> -> memref<3072xf32, #tpu.memory_space<vmem>>
      %dma_start3A_860 = tpu.memref_slice %arg12[%mul3A_858] : memref<3145728xf32, #tpu.memory_space<hbm>> -> memref<3072xf32, #tpu.memory_space<hbm>>
      %dma_start3A_861 = tpu.memref_slice %arg12[%mul3A_858] : memref<3145728xf32, #tpu.memory_space<hbm>> -> memref<3072xf32, #tpu.memory_space<hbm>>
      %dma_start3A_862 = tpu.memref_slice %arg23[%mul3A_44] : memref<6144xf32, #tpu.memory_space<vmem>> -> memref<3072xf32, #tpu.memory_space<vmem>>
      tpu.enqueue_dma source(%dma_start3A_862 : memref<3072xf32, #tpu.memory_space<vmem>>) target(%dma_start3A_861 : memref<3072xf32, #tpu.memory_space<hbm>>) target_semaphore(%arg29 : memref<!tpu.dma_semaphore, #tpu.memory_space<semaphore_mem>>)
    }
    %scan3A_17 = arith.constant 32 : i32
    %add3A_18 = arith.constant 496 : i32
    %add3A_19 = arith.addi %mul3A_2, %add3A_18 : i32
    %mul3A_20 = arith.constant 48 : i32
    %mul3A_21 = arith.muli %add3A_19, %mul3A_20 : i32
    %dma_wait3A = arith.constant 0 : i32
    %dma_wait3A_22 = tpu.memref_slice %arg11[%mul3A_21, %dma_wait3A] : memref<786432x64xbf16, #tpu.memory_space<hbm>> -> memref<768x64xbf16, #tpu.memory_space<hbm>>
    %dma_wait3A_23 = arith.constant 0 : i32
    %dma_wait3A_24 = tpu.memref_slice %arg11[%mul3A_21, %dma_wait3A_23] : memref<786432x64xbf16, #tpu.memory_space<hbm>> -> memref<768x64xbf16, #tpu.memory_space<hbm>>
    tpu.wait_dma2 semaphore(%arg28 : memref<!tpu.dma_semaphore, #tpu.memory_space<semaphore_mem>>) src(%arg24 : memref<768x64xbf16, #tpu.memory_space<vmem>>) dst(%dma_wait3A_24 : memref<768x64xbf16, #tpu.memory_space<hbm>>)
    %add3A_25 = arith.constant 496 : i32
    %add3A_26 = arith.addi %mul3A_2, %add3A_25 : i32
    %mul3A_27 = arith.constant 48 : i32
    %mul3A_28 = arith.muli %add3A_26, %mul3A_27 : i32
    %mul3A_29 = arith.constant 4 : i32
    %mul3A_30 = arith.muli %mul3A_28, %mul3A_29 : i32
    %dma_wait3A_31 = arith.constant 3072 : i32
    %dma_wait3A_32 = tpu.memref_slice %arg23[%dma_wait3A_31] : memref<6144xf32, #tpu.memory_space<vmem>> -> memref<3072xf32, #tpu.memory_space<vmem>>
    %dma_wait3A_33 = tpu.memref_slice %arg12[%mul3A_30] : memref<3145728xf32, #tpu.memory_space<hbm>> -> memref<3072xf32, #tpu.memory_space<hbm>>
    %dma_wait3A_34 = tpu.memref_slice %arg12[%mul3A_30] : memref<3145728xf32, #tpu.memory_space<hbm>> -> memref<3072xf32, #tpu.memory_space<hbm>>
    %dma_wait3A_35 = arith.constant 3072 : i32
    %dma_wait3A_36 = tpu.memref_slice %arg23[%dma_wait3A_35] : memref<6144xf32, #tpu.memory_space<vmem>> -> memref<3072xf32, #tpu.memory_space<vmem>>
    tpu.wait_dma2 semaphore(%arg29 : memref<!tpu.dma_semaphore, #tpu.memory_space<semaphore_mem>>) src(%dma_wait3A_36 : memref<3072xf32, #tpu.memory_space<vmem>>) dst(%dma_wait3A_34 : memref<3072xf32, #tpu.memory_space<hbm>>)
    "tpu.region"() ({
      %run_scoped3A = tpu.sem_alloc : memref<!tpu.dma_semaphore, #tpu.memory_space<semaphore_mem>>
      %dma_start3A = tpu.memref_slice %arg13[%mul3A_2] : memref<16384xi32, #tpu.memory_space<hbm>> -> memref<512xi32, #tpu.memory_space<hbm>>
      %dma_start3A_37 = tpu.memref_slice %arg13[%mul3A_2] : memref<16384xi32, #tpu.memory_space<hbm>> -> memref<512xi32, #tpu.memory_space<hbm>>
      tpu.enqueue_dma source(%arg25 : memref<512xi32, #tpu.memory_space<vmem>>) target(%dma_start3A_37 : memref<512xi32, #tpu.memory_space<hbm>>) target_semaphore(%run_scoped3A : memref<!tpu.dma_semaphore, #tpu.memory_space<semaphore_mem>>)
      %dma_wait3A_38 = tpu.memref_slice %arg13[%mul3A_2] : memref<16384xi32, #tpu.memory_space<hbm>> -> memref<512xi32, #tpu.memory_space<hbm>>
      %dma_wait3A_39 = tpu.memref_slice %arg13[%mul3A_2] : memref<16384xi32, #tpu.memory_space<hbm>> -> memref<512xi32, #tpu.memory_space<hbm>>
      tpu.wait_dma2 semaphore(%run_scoped3A : memref<!tpu.dma_semaphore, #tpu.memory_space<semaphore_mem>>) src(%arg25 : memref<512xi32, #tpu.memory_space<vmem>>) dst(%dma_wait3A_39 : memref<512xi32, #tpu.memory_space<hbm>>)
      tpu.yield
    }) : () -> ()
    return
  }
}

module attributes {stable_mosaic.version = 14 : i64} {
  func.func @_tc_mlp_body(%arg0: i32, %arg1: memref<12288x4xf32, #tpu.memory_space<vmem>>, %arg2: memref<256x4xf32, #tpu.memory_space<vmem>>, %arg3: memref<12288x64xbf16, #tpu.memory_space<vmem>>, %arg4: memref<256x1xi32, #tpu.memory_space<vmem>>, %arg5: memref<4x64xf32, #tpu.memory_space<vmem>>, %arg6: memref<4x64xf32, #tpu.memory_space<vmem>>, %arg7: memref<1x64xf32, #tpu.memory_space<vmem>>, %arg8: memref<64x64xf32, #tpu.memory_space<vmem>>, %arg9: memref<1x64xf32, #tpu.memory_space<vmem>>, %arg10: memref<64x64xf32, #tpu.memory_space<vmem>>, %arg11: memref<1x64xf32, #tpu.memory_space<vmem>>, %arg12: memref<64x8xf32, #tpu.memory_space<vmem>>, %arg13: memref<1x8xf32, #tpu.memory_space<vmem>>, %arg14: memref<256x8xf32, #tpu.memory_space<vmem>>) attributes {dimension_semantics = [#tpu.dimension_semantics<arbitrary>], iteration_bounds = array<i64: 64>, scalar_prefetch = 0 : i64, scratch_operands = 0 : i64, tpu.core_type = #tpu.core_type<tc>, window_params = [{transform_indices = @transform_0, window_bounds = array<i64: 12288, 4>}, {transform_indices = @transform_1, window_bounds = array<i64: 256, 4>}, {transform_indices = @transform_2, window_bounds = array<i64: 12288, 64>}, {transform_indices = @transform_3, window_bounds = array<i64: 256, 1>}, {pipeline_mode = #tpu.pipeline_mode<synchronous>, transform_indices = @transform_4, window_bounds = array<i64: 4, 64>}, {pipeline_mode = #tpu.pipeline_mode<synchronous>, transform_indices = @transform_5, window_bounds = array<i64: 4, 64>}, {pipeline_mode = #tpu.pipeline_mode<synchronous>, transform_indices = @transform_6, window_bounds = array<i64: 1, 64>}, {pipeline_mode = #tpu.pipeline_mode<synchronous>, transform_indices = @transform_7, window_bounds = array<i64: 64, 64>}, {pipeline_mode = #tpu.pipeline_mode<synchronous>, transform_indices = @transform_8, window_bounds = array<i64: 1, 64>}, {pipeline_mode = #tpu.pipeline_mode<synchronous>, transform_indices = @transform_9, window_bounds = array<i64: 64, 64>}, {pipeline_mode = #tpu.pipeline_mode<synchronous>, transform_indices = @transform_10, window_bounds = array<i64: 1, 64>}, {pipeline_mode = #tpu.pipeline_mode<synchronous>, transform_indices = @transform_11, window_bounds = array<i64: 64, 8>}, {pipeline_mode = #tpu.pipeline_mode<synchronous>, transform_indices = @transform_12, window_bounds = array<i64: 1, 8>}, {transform_indices = @transform_13, window_bounds = array<i64: 256, 8>}]} {
    %get3A = arith.constant 0 : index
    %get3A_0 = arith.constant 0 : index
    %get3A_1 = vector.load %arg1[%get3A, %get3A_0] : memref<12288x4xf32, #tpu.memory_space<vmem>>, vector<12288x4xf32>
    %get3A_2 = arith.constant 0 : index
    %get3A_3 = arith.constant 0 : index
    %get3A_4 = vector.load %arg2[%get3A_2, %get3A_3] : memref<256x4xf32, #tpu.memory_space<vmem>>, vector<256x4xf32>
    %get3A_5 = arith.constant 0 : index
    %get3A_6 = arith.constant 0 : index
    %get3A_7 = vector.load %arg3[%get3A_5, %get3A_6] : memref<12288x64xbf16, #tpu.memory_space<vmem>>, vector<12288x64xbf16>
    %convert_element_type3A = arith.extf %get3A_7 : vector<12288x64xbf16> to vector<12288x64xf32>
    %get3A_8 = arith.constant 0 : index
    %get3A_9 = arith.constant 0 : index
    %get3A_10 = vector.load %arg4[%get3A_8, %get3A_9] : memref<256x1xi32, #tpu.memory_space<vmem>>, vector<256x1xi32>
    %get3A_11 = arith.constant 0 : index
    %get3A_12 = arith.constant 0 : index
    %get3A_13 = vector.load %arg5[%get3A_11, %get3A_12] : memref<4x64xf32, #tpu.memory_space<vmem>>, vector<4x64xf32>
    %dot_general3A = arith.constant dense<0.000000e+00> : vector<12288x64xf32>
    %dot_general3A_14 = tpu.matmul %get3A_1, %get3A_13, %dot_general3A {dimension_numbers = #tpu.dot_dimension_numbers<[1], [0], [0], [1], [0, 0, 1, 1], [], []>, transpose_lhs_hint = false} : vector<12288x4xf32>, vector<4x64xf32>, vector<12288x64xf32> -> vector<12288x64xf32>
    %get3A_15 = arith.constant 0 : index
    %get3A_16 = arith.constant 0 : index
    %get3A_17 = vector.load %arg6[%get3A_15, %get3A_16] : memref<4x64xf32, #tpu.memory_space<vmem>>, vector<4x64xf32>
    %dot_general3A_18 = arith.constant dense<0.000000e+00> : vector<256x64xf32>
    %dot_general3A_19 = tpu.matmul %get3A_4, %get3A_17, %dot_general3A_18 {dimension_numbers = #tpu.dot_dimension_numbers<[1], [0], [0], [1], [0, 0, 1, 1], [], []>, transpose_lhs_hint = false} : vector<256x4xf32>, vector<4x64xf32>, vector<256x64xf32> -> vector<256x64xf32>
    %broadcast_in_dim3A = vector.shape_cast %dot_general3A_19 : vector<256x64xf32> to vector<256x1x64xf32>
    %broadcast_in_dim3A_20 = vector.shape_cast %broadcast_in_dim3A : vector<256x1x64xf32> to vector<256x1x64xf32>
    %broadcast_in_dim3A_21 = vector.broadcast %broadcast_in_dim3A_20 : vector<256x1x64xf32> to vector<256x48x64xf32>
    %reshape3A = vector.shape_cast %broadcast_in_dim3A_21 : vector<256x48x64xf32> to vector<12288x64xf32>
    %add3A = arith.addf %dot_general3A_14, %reshape3A : vector<12288x64xf32>
    %get3A_22 = arith.constant 0 : index
    %get3A_23 = arith.constant 0 : index
    %get3A_24 = vector.load %arg7[%get3A_22, %get3A_23] : memref<1x64xf32, #tpu.memory_space<vmem>>, vector<1x64xf32>
    %add3A_25 = vector.broadcast %get3A_24 : vector<1x64xf32> to vector<12288x64xf32>
    %add3A_26 = arith.addf %add3A, %add3A_25 : vector<12288x64xf32>
    %integer_pow3A = arith.mulf %add3A_26, %add3A_26 : vector<12288x64xf32>
    %integer_pow3A_27 = arith.mulf %add3A_26, %integer_pow3A : vector<12288x64xf32>
    %mul3A = arith.constant 4.471500e-02 : f32
    %mul3A_28 = vector.broadcast %mul3A : f32 to vector<12288x64xf32>
    %mul3A_29 = arith.mulf %mul3A_28, %integer_pow3A_27 : vector<12288x64xf32>
    %add3A_30 = arith.addf %add3A_26, %mul3A_29 : vector<12288x64xf32>
    %mul3A_31 = arith.constant 0.797884583 : f32
    %mul3A_32 = vector.broadcast %mul3A_31 : f32 to vector<12288x64xf32>
    %mul3A_33 = arith.mulf %mul3A_32, %add3A_30 : vector<12288x64xf32>
    %tanh3A = math.tanh %mul3A_33 : vector<12288x64xf32>
    %add3A_34 = arith.constant 1.000000e+00 : f32
    %add3A_35 = vector.broadcast %add3A_34 : f32 to vector<12288x64xf32>
    %add3A_36 = arith.addf %add3A_35, %tanh3A : vector<12288x64xf32>
    %mul3A_37 = arith.constant 5.000000e-01 : f32
    %mul3A_38 = vector.broadcast %mul3A_37 : f32 to vector<12288x64xf32>
    %mul3A_39 = arith.mulf %mul3A_38, %add3A_36 : vector<12288x64xf32>
    %mul3A_40 = arith.mulf %add3A_26, %mul3A_39 : vector<12288x64xf32>
    %get3A_41 = arith.constant 0 : index
    %get3A_42 = arith.constant 0 : index
    %get3A_43 = vector.load %arg8[%get3A_41, %get3A_42] : memref<64x64xf32, #tpu.memory_space<vmem>>, vector<64x64xf32>
    %dot_general3A_44 = arith.constant dense<0.000000e+00> : vector<12288x64xf32>
    %dot_general3A_45 = tpu.matmul %mul3A_40, %get3A_43, %dot_general3A_44 {dimension_numbers = #tpu.dot_dimension_numbers<[1], [0], [0], [1], [0, 0, 1, 1], [], []>, transpose_lhs_hint = false} : vector<12288x64xf32>, vector<64x64xf32>, vector<12288x64xf32> -> vector<12288x64xf32>
    %get3A_46 = arith.constant 0 : index
    %get3A_47 = arith.constant 0 : index
    %get3A_48 = vector.load %arg9[%get3A_46, %get3A_47] : memref<1x64xf32, #tpu.memory_space<vmem>>, vector<1x64xf32>
    %add3A_49 = vector.broadcast %get3A_48 : vector<1x64xf32> to vector<12288x64xf32>
    %add3A_50 = arith.addf %dot_general3A_45, %add3A_49 : vector<12288x64xf32>
    %integer_pow3A_51 = arith.mulf %add3A_50, %add3A_50 : vector<12288x64xf32>
    %integer_pow3A_52 = arith.mulf %add3A_50, %integer_pow3A_51 : vector<12288x64xf32>
    %mul3A_53 = arith.constant 4.471500e-02 : f32
    %mul3A_54 = vector.broadcast %mul3A_53 : f32 to vector<12288x64xf32>
    %mul3A_55 = arith.mulf %mul3A_54, %integer_pow3A_52 : vector<12288x64xf32>
    %add3A_56 = arith.addf %add3A_50, %mul3A_55 : vector<12288x64xf32>
    %mul3A_57 = arith.constant 0.797884583 : f32
    %mul3A_58 = vector.broadcast %mul3A_57 : f32 to vector<12288x64xf32>
    %mul3A_59 = arith.mulf %mul3A_58, %add3A_56 : vector<12288x64xf32>
    %tanh3A_60 = math.tanh %mul3A_59 : vector<12288x64xf32>
    %add3A_61 = arith.constant 1.000000e+00 : f32
    %add3A_62 = vector.broadcast %add3A_61 : f32 to vector<12288x64xf32>
    %add3A_63 = arith.addf %add3A_62, %tanh3A_60 : vector<12288x64xf32>
    %mul3A_64 = arith.constant 5.000000e-01 : f32
    %mul3A_65 = vector.broadcast %mul3A_64 : f32 to vector<12288x64xf32>
    %mul3A_66 = arith.mulf %mul3A_65, %add3A_63 : vector<12288x64xf32>
    %mul3A_67 = arith.mulf %add3A_50, %mul3A_66 : vector<12288x64xf32>
    %get3A_68 = arith.constant 0 : index
    %get3A_69 = arith.constant 0 : index
    %get3A_70 = vector.load %arg10[%get3A_68, %get3A_69] : memref<64x64xf32, #tpu.memory_space<vmem>>, vector<64x64xf32>
    %dot_general3A_71 = arith.constant dense<0.000000e+00> : vector<12288x64xf32>
    %dot_general3A_72 = tpu.matmul %mul3A_67, %get3A_70, %dot_general3A_71 {dimension_numbers = #tpu.dot_dimension_numbers<[1], [0], [0], [1], [0, 0, 1, 1], [], []>, transpose_lhs_hint = false} : vector<12288x64xf32>, vector<64x64xf32>, vector<12288x64xf32> -> vector<12288x64xf32>
    %get3A_73 = arith.constant 0 : index
    %get3A_74 = arith.constant 0 : index
    %get3A_75 = vector.load %arg11[%get3A_73, %get3A_74] : memref<1x64xf32, #tpu.memory_space<vmem>>, vector<1x64xf32>
    %add3A_76 = vector.broadcast %get3A_75 : vector<1x64xf32> to vector<12288x64xf32>
    %add3A_77 = arith.addf %dot_general3A_72, %add3A_76 : vector<12288x64xf32>
    %mul3A_78 = arith.mulf %add3A_77, %convert_element_type3A : vector<12288x64xf32>
    %reshape3A_79 = vector.shape_cast %mul3A_78 : vector<12288x64xf32> to vector<256x48x64xf32>
    %reduce_sum3A = arith.constant dense<0.000000e+00> : vector<256x64xf32>
    %reduce_sum3A_80 = vector.multi_reduction <add>, %reshape3A_79, %reduce_sum3A [1] : vector<256x48x64xf32> to vector<256x64xf32>
    %max3A = arith.constant 1 : i32
    %max3A_81 = vector.broadcast %max3A : i32 to vector<256x1xi32>
    %max3A_82 = arith.maxsi %get3A_10, %max3A_81 : vector<256x1xi32>
    %convert_element_type3A_83 = arith.sitofp %max3A_82 : vector<256x1xi32> to vector<256x1xf32>
    %div3A = arith.constant 1.000000e+00 : f32
    %div3A_84 = vector.broadcast %div3A : f32 to vector<256x1xf32>
    %div3A_85 = arith.divf %div3A_84, %convert_element_type3A_83 : vector<256x1xf32>
    %mul3A_86 = vector.broadcast %div3A_85 : vector<256x1xf32> to vector<256x64xf32>
    %mul3A_87 = arith.mulf %reduce_sum3A_80, %mul3A_86 : vector<256x64xf32>
    %get3A_88 = arith.constant 0 : index
    %get3A_89 = arith.constant 0 : index
    %get3A_90 = vector.load %arg12[%get3A_88, %get3A_89] : memref<64x8xf32, #tpu.memory_space<vmem>>, vector<64x8xf32>
    %dot_general3A_91 = arith.constant dense<0.000000e+00> : vector<256x8xf32>
    %dot_general3A_92 = tpu.matmul %mul3A_87, %get3A_90, %dot_general3A_91 {dimension_numbers = #tpu.dot_dimension_numbers<[1], [0], [0], [1], [0, 0, 1, 1], [], []>, transpose_lhs_hint = false} : vector<256x64xf32>, vector<64x8xf32>, vector<256x8xf32> -> vector<256x8xf32>
    %get3A_93 = arith.constant 0 : index
    %get3A_94 = arith.constant 0 : index
    %get3A_95 = vector.load %arg13[%get3A_93, %get3A_94] : memref<1x8xf32, #tpu.memory_space<vmem>>, vector<1x8xf32>
    %add3A_96 = vector.broadcast %get3A_95 : vector<1x8xf32> to vector<256x8xf32>
    %add3A_97 = arith.addf %dot_general3A_92, %add3A_96 : vector<256x8xf32>
    %swap3A = arith.constant 0 : index
    %swap3A_98 = arith.constant 0 : index
    %swap3A_99 = vector.load %arg14[%swap3A, %swap3A_98] : memref<256x8xf32, #tpu.memory_space<vmem>>, vector<256x8xf32>
    tpu.vector_store %arg14[%swap3A, %swap3A_98], %add3A_97 {strides = array<i32>} : memref<256x8xf32, #tpu.memory_space<vmem>>, vector<256x8xf32>,
    return
  }
  func.func @transform_0(%arg0: i32) -> (i32, i32) {
    %c0_i32 = arith.constant 0 : i32
    %c0_i32_0 = arith.constant 0 : i32
    return %arg0, %c0_i32 : i32, i32
  }
  func.func @transform_1(%arg0: i32) -> (i32, i32) {
    %c0_i32 = arith.constant 0 : i32
    %c0_i32_0 = arith.constant 0 : i32
    return %arg0, %c0_i32 : i32, i32
  }
  func.func @transform_2(%arg0: i32) -> (i32, i32) {
    %c0_i32 = arith.constant 0 : i32
    %c0_i32_0 = arith.constant 0 : i32
    return %arg0, %c0_i32 : i32, i32
  }
  func.func @transform_3(%arg0: i32) -> (i32, i32) {
    %c0_i32 = arith.constant 0 : i32
    %c0_i32_0 = arith.constant 0 : i32
    return %arg0, %c0_i32 : i32, i32
  }
  func.func @transform_4(%arg0: i32) -> (i32, i32) {
    %c0_i32 = arith.constant 0 : i32
    %c0_i32_0 = arith.constant 0 : i32
    %c0_i32_1 = arith.constant 0 : i32
    return %c0_i32, %c0_i32_0 : i32, i32
  }
  func.func @transform_5(%arg0: i32) -> (i32, i32) {
    %c0_i32 = arith.constant 0 : i32
    %c0_i32_0 = arith.constant 0 : i32
    %c0_i32_1 = arith.constant 0 : i32
    return %c0_i32, %c0_i32_0 : i32, i32
  }
  func.func @transform_6(%arg0: i32) -> (i32, i32) {
    %c0_i32 = arith.constant 0 : i32
    %c0_i32_0 = arith.constant 0 : i32
    %c0_i32_1 = arith.constant 0 : i32
    return %c0_i32, %c0_i32_0 : i32, i32
  }
  func.func @transform_7(%arg0: i32) -> (i32, i32) {
    %c0_i32 = arith.constant 0 : i32
    %c0_i32_0 = arith.constant 0 : i32
    %c0_i32_1 = arith.constant 0 : i32
    return %c0_i32, %c0_i32_0 : i32, i32
  }
  func.func @transform_8(%arg0: i32) -> (i32, i32) {
    %c0_i32 = arith.constant 0 : i32
    %c0_i32_0 = arith.constant 0 : i32
    %c0_i32_1 = arith.constant 0 : i32
    return %c0_i32, %c0_i32_0 : i32, i32
  }
  func.func @transform_9(%arg0: i32) -> (i32, i32) {
    %c0_i32 = arith.constant 0 : i32
    %c0_i32_0 = arith.constant 0 : i32
    %c0_i32_1 = arith.constant 0 : i32
    return %c0_i32, %c0_i32_0 : i32, i32
  }
  func.func @transform_10(%arg0: i32) -> (i32, i32) {
    %c0_i32 = arith.constant 0 : i32
    %c0_i32_0 = arith.constant 0 : i32
    %c0_i32_1 = arith.constant 0 : i32
    return %c0_i32, %c0_i32_0 : i32, i32
  }
  func.func @transform_11(%arg0: i32) -> (i32, i32) {
    %c0_i32 = arith.constant 0 : i32
    %c0_i32_0 = arith.constant 0 : i32
    %c0_i32_1 = arith.constant 0 : i32
    return %c0_i32, %c0_i32_0 : i32, i32
  }
  func.func @transform_12(%arg0: i32) -> (i32, i32) {
    %c0_i32 = arith.constant 0 : i32
    %c0_i32_0 = arith.constant 0 : i32
    %c0_i32_1 = arith.constant 0 : i32
    return %c0_i32, %c0_i32_0 : i32, i32
  }
  func.func @transform_13(%arg0: i32) -> (i32, i32) {
    %c0_i32 = arith.constant 0 : i32
    %c0_i32_0 = arith.constant 0 : i32
    return %arg0, %c0_i32 : i32, i32
  }
}

</mosaic_0001>

<sc_bundles>
// kernel: gather_offload_async_start
scs
__scs_entry_jumppad:
0x0: {  	(pc) =	sbr.rel $0x88, $3  }
0x1: {  	(tag) =	ssettag $0x0;
	lr =	simm.s32 $0x1  }
0x2: {  	[smem:$0x3F96] =	sst lr;
	_ =	strace $0xD0000000  }
0x3: {  	_ = 	snop  }
0x4: {  	_ = 	snop  }
0x5: {  	_ = 	snop  }
0x6: {  	_ = 	snop  }
0x7: {  	_ = 	snop  }
__scs_overlays_trampoline_lowered:
0x8: {  	[smem:$0x3FA5] =	sst s0  }
0x9: {  	[smem:$0x3FA6] =	sst s1  }
0xa: {  	[smem:$0x3FA7] =	sst s2  }
0xb: {  	[smem:$0x3FA8] =	sst s3  }
0xc: {  	[smem:$0x3FA9] =	sst s4  }
0xd: {  	[smem:$0x3FAA] =	sst s5  }
0xe: {  	[smem:$0x3FAB] =	sst s6  }
0xf: {  	[smem:$0x3FAC] =	sst s7  }
0x10: {  	[smem:$0x3FAD] =	sst s8  }
0x11: {  	[smem:$0x3FAE] =	sst s9;
	s0 =	simm.s32 @!p0 $0x0  }
0x12: {  	s1 =	sld [smem:$0x3F94];
	s0 =	simm.s32 @p0 $0x1  }
0x13: {  	[smem:$0x3FAF] =	sst s0;
	s0 =	simm.s32 @!p1 $0x0  }
0x14: {  	s2 =	sld [smem:$0x3F93];
	s0 =	simm.s32 @p1 $0x1  }
0x15: {  	[smem:$0x3FB0] =	sst s0;
	s0 =	simm.s32 @!p2 $0x0  }
0x16: {  	s3 =	sld [smem:$0x3FDB];
	s0 =	simm.s32 @p2 $0x1  }
0x17: {  	s4 =	simm.s32 $0x1BF5;
	[smem:$0x3FB2] =	sst s0  }
0x18: {  	s0 =	sld [smem:$0x3F95];
	_ =	swait.ge [sflag:s4], $0x0  }
0x19: {  	s7 =	sld [smem:$0x3F96]  }
0x1a: {  	s8 =	sadd.s32 $0xFFFFE003, lr  }
0x1b: {  	s9 =	sadd.s32 $0xFFFFFEF7, lr;
	s5 =	simm.s32 $0xFFFFFFFF;
	p2 =	slt.u32 s8, $0xFFFFF086  }
0x1c: {  	p1 =	slt.u32 s9, $0xF7A;
	s5 =	simm.s32 @!p2 $0x0  }
0x1d: {  	s5 =	simm.s32 @p1 $0x1;
	p0 =	seq.s32 s7, s2  }
0x1e: {  	s7 =	smul.u32 @!p0 $0xF7A, s2;
	p2 =	seq.s32 @!p0 s5, $0x0  }
0x1f: {  	s9 =	smul.u32 $0xF7A, s1;
	s8 =	simm.s32 @!p0 $0x1BF5;
	p2 =	por !p2, p0  }
0x20: {  	[sflag:s8] =	ssyncset.s32 @!p0 $0xFFFFF086;
	s6 =	sadd.s32 @!p0 s3, s7;
	s7 =	simm.s32 @!p0 $0x108  }
0x21: {  	s3 =	sadd.s32 s3, s9;
	s6 =	sadd.s32 @!p0 $0x88, s6;
	s7 =	simm.s32 @p2 $0x1082  }
0x22: {  	[simem:s7], [sflag:s8] =	dma.local @!p0 [hbm:s6], $0xF7A  }
0x23: {  	s9 =	sor.u32 $0xD0000000, s2;
	s6 =	simm.s32 $0x108;
	_ =	swait.ge @!p0 [sflag:s8], $0x0  }
0x24: {  	s3 =	sadd.s32 $0x88, s3;
	s6 =	simm.s32 @!p1 $0x1082;
	[sflag:s4] =	ssyncset.s32 $0xFFFFF086  }
0x25: {  	[simem:s6], [sflag:s4] =	dma.local [hbm:s3], $0xF7A  }
0x26: {  	[smem:$0x3F96] =	sst s1;
	(tag) =	ssettag s2;
	_ =	strace s9  }
0x27: {  	s1 =	sld [smem:$0x3FA6]  }
0x28: {  	s2 =	sld [smem:$0x3FA7]  }
0x29: {  	s4 =	sld [smem:$0x3FA9]  }
0x2a: {  	p0 =	seq.s32 s5, $0x0;
	s5 =	sld [smem:$0x3FAA]  }
0x2b: {  	s6 =	sld [smem:$0x3FAB]  }
0x2c: {  	s7 =	sld [smem:$0x3FAC]  }
0x2d: {  	s3 =	simm.s32 $0x108;
	s8 =	sld [smem:$0x3FAD]  }
0x2e: {  	s3 =	simm.s32 @!p0 $0x1082;
	s9 =	sld [smem:$0x3FAE]  }
0x2f: {  	lr =	sadd.s32 s0, s3;
	s0 =	sld [smem:$0x3FA5]  }
0x30: {  	s3 =	sld [smem:$0x3FA8]  }
0x31: {  	[smem:$0x3FB1] =	sst s10  }
0x32: {  	s10 =	sld [smem:$0x3FAF];
	_ =	sdelay $0x3  }
0x33: {  	p0 =	seq.s32 s10, $0x1;
	s10 =	sld [smem:$0x3FB1];
	_ =	sdelay $0x3  }
0x34: {  	[smem:$0x3FB1] =	sst s10  }
0x35: {  	s10 =	sld [smem:$0x3FB0];
	_ =	sdelay $0x3  }
0x36: {  	p1 =	seq.s32 s10, $0x1;
	s10 =	sld [smem:$0x3FB1];
	_ =	sdelay $0x3  }
0x37: {  	[smem:$0x3FB1] =	sst s10  }
0x38: {  	s10 =	sld [smem:$0x3FB2]  }
0x39: {  	_ = 	snop;
	(pc) =	sbr.ind lr, $3  }
0x3a: {  	_ = 	snop  }
0x3b: {  	_ = 	snop  }
0x3c: {  	p2 =	seq.s32 s10, $0x1;
	s10 =	sld [smem:$0x3FB1]  }
0x3d: {  	_ =	shalt  }
0x3e: {  	_ =	shalt  }
0x3f: {  	_ =	shalt  }
0x40: {  	_ =	shalt  }
0x41: {  	_ =	shalt  }
0x42: {  	_ =	shalt  }
0x43: {  	_ =	shalt  }
0x44: {  	_ =	shalt  }
0x45: {  	_ =	shalt  }
0x46: {  	_ =	shalt  }
0x47: {  	_ =	shalt  }
0x48: {  	_ =	shalt  }
0x49: {  	_ =	shalt  }
0x4a: {  	_ =	shalt  }
0x4b: {  	_ =	shalt  }
0x4c: {  	_ =	shalt  }
0x4d: {  	_ =	shalt  }
0x4e: {  	_ =	shalt  }
0x4f: {  	_ =	shalt  }
0x50: {  	_ =	shalt  }
0x51: {  	_ =	shalt  }
0x52: {  	_ =	shalt  }
0x53: {  	_ =	shalt  }
0x54: {  	_ =	shalt  }
0x55: {  	_ =	shalt  }
0x56: {  	_ =	shalt  }
0x57: {  	_ =	shalt  }
0x58: {  	_ =	shalt  }
0x59: {  	_ =	shalt  }
0x5a: {  	_ =	shalt  }
0x5b: {  	_ =	shalt  }
0x5c: {  	_ =	shalt  }
0x5d: {  	_ =	shalt  }
0x5e: {  	_ =	shalt  }
0x5f: {  	_ =	shalt  }
0x60: {  	_ =	shalt  }
0x61: {  	_ =	shalt  }
0x62: {  	_ =	shalt  }
0x63: {  	_ =	shalt  }
0x64: {  	_ =	shalt  }
0x65: {  	_ =	shalt  }
0x66: {  	_ =	shalt  }
0x67: {  	_ =	shalt  }
0x68: {  	_ =	shalt  }
0x69: {  	_ =	shalt  }
0x6a: {  	_ =	shalt  }
0x6b: {  	_ =	shalt  }
0x6c: {  	_ =	shalt  }
0x6d: {  	_ =	shalt  }
0x6e: {  	_ =	shalt  }
0x6f: {  	_ =	shalt  }
0x70: {  	_ =	shalt  }
0x71: {  	_ =	shalt  }
0x72: {  	_ =	shalt  }
0x73: {  	_ =	shalt  }
0x74: {  	_ =	shalt  }
0x75: {  	_ =	shalt  }
0x76: {  	_ =	shalt  }
0x77: {  	_ =	shalt  }
0x78: {  	_ =	shalt  }
0x79: {  	_ =	shalt  }
0x7a: {  	_ =	shalt  }
0x7b: {  	_ =	shalt  }
0x7c: {  	_ =	shalt  }
0x7d: {  	_ =	shalt  }
0x7e: {  	_ =	shalt  }
0x7f: {  	_ =	shalt  }
0x80: {  	_ =	shalt  }
0x81: {  	_ =	shalt  }
0x82: {  	_ =	shalt  }
0x83: {  	_ =	shalt  }
0x84: {  	_ =	shalt  }
0x85: {  	_ =	shalt  }
0x86: {  	_ =	shalt  }
0x87: {  	_ =	shalt  }
.Lfunc_end0:
.L_simem_size_0:
called_computation_lowered:
.L_overlay_start_0:
0x88: {  	s2 =	sld [smem:$0x3FD9]  }
0x89: {  	s3 =	sld [smem:$0x3FFE];
	_ =	sdelay $0x1  }
0x8a: {  	s1 =	srdreg.scid  }
0x8b: {  	s0 =	sand.u32 $0x1, s1  }
0x8c: {  	s16 =	sshll.u32 s0, $0xA;
	s2 =	sadd.s32 s3, s2  }
0x8d: {  	s2 =	sadd.s32 s2, s16  }
0x8e: {  	[smem:$0x3FBD] =	sst s2  }
0x8f: {  	_ = 	snop  }
0x90: {  	(tm) =	ssettm $0x1  }
0x91: {  	s17 =	sld [smem:$0x3FFB];
	_ =	sdelay $0x3  }
0x92: {  	_ =	strace s17  }
0x93: {  	s2 =	sld [smem:$0x3FFC];
	_ =	sdelay $0x3  }
0x94: {  	_ =	strace s2  }
0x95: {  	s2 =	sld [smem:$0x3FFD];
	_ =	sdelay $0x3  }
0x96: {  	_ =	strace s2  }
0x97: {  	_ =	strace $0x8FFFFFFF  }
0x98: {  	s18 =	sld [smem:$0x3FDB];
	_ =	sdelay $0x1  }
0x99: {  	s19 =	simm.s32 $_scs_section_size  }
0x9a: {  	s4 =	simm.s32 $_size__tile_overlayer_lowered;
	s5 =	simm.s32 $_tile_overlayer_lowered  }
0x9b: {  	s22 =	simm.s32 $0x1BFF;
	s21 =	sshll.u32 s5, $0x1;
	s2 =	sadd.s32 s19, s18  }
0x9c: {  	s6 =	simm.s32 $0x0;
	s20 =	sshll.u32 s4, $0x1;
	s4 =	sadd.s32 s21, s2  }
0x9d: {  	[timem:s6], [sflag:s22] =	dma.local [hbm:s4], s20  }
0x9e: {  	_ =	swait.ge [sflag:s22], s20  }
0x9f: {  	s3 =	ssub.s32 $0x0, s20;
	[sflag:s22] =	ssyncset.done $0x0  }
0xa0: {  	[sflag:s22] =	ssyncadd.s32 s3;
	_ =	sdelay $0x1  }
0xa1: {  	s23 =	simm.s32 $0x1B8B  }
0xa2: {  	_ =	swait.ge [sflag:s23], $0x1  }
0xa3: {  	[sflag:s23] =	ssyncset.done $0x0  }
0xa4: {  	s25 =	simm.s32 $0x1B8E;
	s24 =	sld [smem:$0x3FFE];
	[sflag:s23] =	ssyncadd.s32 $0xFFFFFFFF  }
0xa5: {  	s26 =	simm.s32 $execute0_lowered;
	[smem:$0x3FD2] =	sst s25  }
0xa6: {  	s4 =	sshll.u32 s26, $0x1;
	_ =	strace $0x80000046;
	[dreg:$0x1] =	wrdreg $0xFFFFFFFF  }
0xa7: {  	s28 =	simm.s32 $_size_execute0_lowered;
	s2 =	sadd.s32 s2, s4;
	[dreg:$0x0] =	wrdreg $0x0  }
0xa8: {  	s4 =	sshll.u32 s28, $0x1;
	[dreg:$0x2] =	wrdreg s2  }
0xa9: {  	[dreg:$0x3] =	wrdreg s4  }
0xaa: {  	[dreg:$0x4] =	wrdreg $0xC0  }
0xab: {  	_ =	task [dreg:s6], $0x5FFFF  }
0xac: {  	[dreg:$0x1] =	wrdreg $0xFFFFFFFF  }
0xad: {  	[dreg:$0x0] =	wrdreg $0x60  }
0xae: {  	[dreg:$0x2] =	wrdreg s24  }
0xaf: {  	[dreg:$0x3] =	wrdreg $0x9  }
0xb0: {  	_ =	task.clear_ibuf [dreg:s6], $0x4FFFF;
	_ =	strace $0x90000046  }
0xb1: {  	s29 =	simm.s32 $0x9;
	_ =	strace $0x80000048  }
0xb2: {  	_ =	swait.ge [sflag:s29], $0x1  }
0xb3: {  	[sflag:s29] =	ssyncadd.s32 $0xFFFFFFFF  }
0xb4: {  	_ =	strace $0x90000048  }
0xb5: {  	_ =	sfence  }
0xb6: {  	s30 =	sld [smem:$0x0];
	_ =	sdelay $0x2  }
0xb7: {  	s31 =	sshll.u32 s1, $0xD;
	s1 =	sshrl.u32 s1, $0x2  }
0xb8: {  	s3 =	sand.u32 $0x4000, s31;
	s1 =	sadd.s32 s1, s30  }
0xb9: {  	s0 =	sor.u32 s3, s0;
	s1 =	sshll.u32 s1, $0x11  }
0xba: {  	s0 =	sor.u32 s1, s0  }
0xbb: {  	s0 =	sadd.s32 $0x8F2B, s0  }
0xbc: {  	[sflag:s0] =	ssyncadd.remote.s32 $0x1  }
0xbd: {  	_ =	sfence.sel $0xFFFF  }
0xbe: {  	[dreg:$0x0] =	wrdreg $0xFFFFFFFF;
	(pc) =	sbr.abs _section_cstart, $3  }
0xbf: {  	[dreg:$0x1] =	wrdreg $0xFFFFFFFF  }
0xc0: {  	_ =	task.clear_ibuf [dreg:s6], $0x2FFFF;
	_ =	strace $0x9FFFFFFF  }
0xc1: {  	(tm) =	ssettm $0x7FFFFFFF  }
tec
execute0_lowered:
.L_overlay_start_1:
0x0: {  	(tag) =	ssettag $0x1  }
0x1: {  	s8 =	rddreg [dreg:$0x0];
	s1 =	stileid.u32  }
0x2: {  	s2 =	srdreg.scid;
	s0 =	rddreg [dreg:$0x1]  }
0x3: {  	_ =	strace $0x80000047;
	s5 =	simm.s32 $0x1;
	s9 =	simm.s32 $0x1  }
0x4: {  	s10 =	simm.s32 $0x3;
	s2 =	sand.u32 $0x1, s2;
	s3 =	sshll.u32 s1, $0x1  }
0x5: {  	s13 =	simm.s32 $0x0;
	s12 =	simm.s32 $0x0;
	s6 =	sor.u32 s3, s2  }
0x6: {  	[sflag:s5] =	ssyncpa.u1 $0x0;
	s2 =	sadd.s32 $0x2200, s8;
	s4 =	smul.u32 $0x180, s6  }
0x7: {  	s3 =	sadd.s32 $0x3200, s8;
	p0 =	slt.u32 s6, $0x5;
	s6 =	simm.s32 $0x3000  }
.Ltmp0:
0x8: {  	s6 =	simm.s32 @!p0 $0x0;
	s7 =	ssub.s32 $0x3600, s4;
	(pc) =	sbr.rel .LBB2_1-.Ltmp0, $4  }
0x9: {  	s9 =	simm.s32 @!p0 $0x0;
	p0 =	sne.s32 s7, s6;
	s7 =	simm.s32 $0x1  }
0xa: {  	s8 =	sadd.s32 $0x4C00, s8;
	s6 =	simm.s32 $0x2;
	s7 =	simm.s32 @!p0 $0x0  }
0xb: {  	s11 =	smov.u32 s4;
	[sflag:s6] =	ssyncpa.u1 $0x0;
	s7 =	sadd.s32 s9, s7  }
0xc: {  	vm0 =	vmmov $0xffff;
	[sflag:s10] =	ssyncpa.u1 $0x0;
	s10 =	simm.s32 $0x0;
	s9 =	sadd.s32 $0x1, s7  }
.LBB2_4:
0xd: {  	v2 =	vnsel vm1, $0x0, v2  }
0xe: {  	vm1 =	vgt.s32 v0, $0x0;
	v2 =	vmin.u32 v2, $0x35FF  }
0xf: {  	v0 =	vnsel vm1, $0x0, v0  }
0x10: {  	v0 =	vmin.u32 v0, $0x35FF  }
0x11: {  	[tilespmem:s18], [sflag:$0x1] =	stream.indirect_vreg.gather [hbm4b:s2+s10], $0x1, v1, vm0, $0x4038;
	[tilespmem:$0x600] =	vst v63  }
0x12: {  	(ifvalue) =	ssetifvalue $0x7FFFFFFF  }
0x13: {  	[tilespmem:s15], [sflag:$0x1] =	stream.indirect_vreg.gather [hbm4b:s2+s10], $0x1, v2, vm0, $0x4038;
	[tilespmem:$0x600] =	vst v63  }
0x14: {  	s29 =	sadd.s32 $0x10, s15;
	(ifvalue) =	ssetifvalue $0x7FFFFFFF  }
0x15: {  	[tilespmem:s29], [sflag:$0x1] =	stream.indirect_vreg.gather [hbm4b:s2+s10], $0x1, v0, vm0, $0x4038;
	[tilespmem:$0x600] =	vst v63  }
0x16: {  	_ =	swait.ge [sflag:s5], $0x180  }
0x17: {  	s30 =	sshrl.u32 s13, $0x3;
	[sflag:s5] =	ssyncset.done $0x0  }
0x18: {  	s31 =	sand.u32 $0x7, s13;
	s15 =	sadd.s32 s8, s30;
	[sflag:s5] =	ssyncadd.s32 $0xFFFFFE80  }
0x19: {  	[hbm4b:s15+s31] =	stream.linear.scatter [tilespmem:s14], [sflag:$0x3], $0x180, $0x38;
	[tilespmem:$0x600] =	vst v63  }
.LBB2_5:
0x1a: {  	s15 =	sadd.s32 $0x3000, s11  }
0x1b: {  	p1 =	sgt.s32 s15, $0x35FF  }
0x1c: {  	s15 =	smov.u32 @p1 s4;
	p1 =	sne.s32 s12, s9  }
.Ltmp1:
0x1d: {  	p0 =	slt.u32 s12, $0x2;
	(pc) =	sbr.rel @!p1 .LBB2_6-.Ltmp1, $4  }
0x1e: {  	s14 =	simm.s32 @!p0 $0x3  }
0x1f: {  	_ =	swait.ge @!p0 [sflag:s14], $0x180  }
0x20: {  	s16 =	sadd.s32 $0x1, s12;
	s13 =	smov.u32 s11;
	[sflag:s14] =	ssyncset.done @!p0 $0x0  }
0x21: {  	s12 =	smov.u32 s16;
	s11 =	smov.u32 s15;
	[sflag:s14] =	ssyncadd.s32 @!p0 $0xFFFFFE80  }
.LBB2_1:
0x22: {  	p0 =	sge.u32 s12, s7  }
0x23: {  	s14 =	sxor.u32 @!p0 $0x1, s12  }
0x24: {  	s14 =	smul.u32 @!p0 $0x600, s14  }
0x25: {  	s31 =	sadd.s32 $0xFFFFFFFF, s12;
	s15 =	sshrl.u32 @!p0 s11, $0x3  }
0x26: {  	s16 =	sand.u32 @!p0 $0x7, s11;
	s15 =	sadd.s32 @!p0 s3, s15;
	s14 =	sshra.s32 @!p0 s14, $0x2  }
0x27: {  	[tilespmem:s14], [sflag:$0x2] =	stream.linear.gather @!p0 [hbm4b:s15+s16], $0x180, $0x38;
	[tilespmem:$0x600] =	vst v63  }
0x28: {  	p0 =	sge.u32 s31, s7  }
.Ltmp2:
0x29: {  	_ = 	snop;
	(pc) =	sbr.rel @p0 .LBB2_5-.Ltmp2, $1  }
0x2a: {  	_ =	sdelay $0x3  }
0x2b: {  	s14 =	sand.u32 $0x1, s12  }
0x2c: {  	_ =	swait.ge [sflag:s6], $0x180;
	p0 =	seq.s32 s14, $0x1;
	s14 =	simm.s32 $0x180  }
0x2d: {  	[sflag:s6] =	ssyncset.done $0x0;
	s14 =	simm.s32 @!p0 $0x0  }
0x2e: {  	[sflag:s6] =	ssyncadd.s32 $0xFFFFFE80;
	(ifvalue) =	ssetifvalue $0x7FFFFFFF;
	v0 =	vld.msk [tilespmem:s14+$0x0 ss:$0x1], $0xffff;
	_ =	sdelay $0x4  }
0x2f: {  	s15 =	sadd.s32 $0x10, s14;
	vm1 =	vgt.s32 v0, $0x0  }
0x30: {  	v2 =	vld.msk [tilespmem:s15+$0x0 ss:$0x1], $0xffff;
	v1 =	vnsel vm1, $0x0, v0  }
0x31: {  	v1 =	vmin.u32 v1, $0x35FF;
	_ =	sdelay $0x2  }
0x32: {  	s17 =	simm.s32 $0x20;
	s14 =	sadd.s32 $0x300, s14;
	s16 =	sadd.s32 $0x10, s15  }
0x33: {  	s15 =	sadd.s32 $0x10, s14;
	s18 =	smov.u32 s14;
	v0 =	vld.msk [tilespmem:s16+$0x0 ss:$0x1], $0xffff;
	vm1 =	vgt.s32 v2, $0x0;
	(ifvalue) =	ssetifvalue $0x7FFFFFFF  }
.LBB2_3:
0x34: {  	[tilespmem:s18], [sflag:$0x1] =	stream.indirect_vreg.gather [hbm4b:s2+s10], $0x1, v1, vm0, $0x4038;
	[tilespmem:$0x600] =	vst v63  }
0x35: {  	s17 =	sadd.s32 $0x10, s17  }
0x36: {  	v2 =	vnsel vm1, $0x0, v2;
	p0 =	slt.u32 s17, $0x170  }
.Ltmp3:
0x37: {  	s18 =	smov.u32 s15;
	v1 =	vmin.u32 v2, $0x35FF;
	(pc) =	sbr.rel @p0 .LBB2_3-.Ltmp3, $3  }
0x38: {  	_ =	sdelay $0x1  }
0x39: {  	s16 =	sadd.s32 $0x10, s16  }
0x3a: {  	vm1 =	vgt.s32 v0, $0x0;
	s15 =	sadd.s32 $0x10, s15;
	v2 =	vmov v0;
	(ifvalue) =	ssetifvalue $0x7FFFFFFF;
	v0 =	vld.msk [tilespmem:s16+$0x0 ss:$0x1], $0xffff  }
.Ltmp4:
0x3b: {  	_ = 	snop;
	(pc) =	sbr.rel .LBB2_4-.Ltmp4, $1  }
0x3c: {  	_ =	sdelay $0x3  }
.LBB2_6:
0x3d: {  	_ =	sfence.sel $0x180000  }
0x3e: {  	s2 =	simm.s32 $0x2;
	[bflag:$0x0] =	sbarrier.arrive $0xFFFF  }
0x3f: {  	s30 =	simm.s32 $0x3;
	[sflag:s2] =	ssyncpa.u1 $0x1  }
0x40: {  	s31 =	simm.s32 $0x1;
	[sflag:s30] =	ssyncpa.u1 $0x1  }
0x41: {  	[sflag:s31] =	ssyncpa.u1 $0x1  }
0x42: {  	p0 =	sne.s32 s1, $0x0;
	_ =	strace $0x90000047  }
0x43: {  	s0 =	sadd.s32 @!p0 $0x100000, s0;
	[bflag:$0x2] =	sbarrier.arrive $0xFFFF  }
0x44: {  	[sflag:s0] =	ssyncadd.tile.s32 @!p0 $0x1;
	_ =	shalt  }
.Lfunc_end2:
_tile_overlayer_lowered:
.L_overlay_start_2:
0x45: {  	(tag) =	ssettag $0x2  }
0x46: {  	s0 =	rddreg [dreg:$0x0];
	s2 =	stileid.u32  }
0x47: {  	s1 =	rddreg [dreg:$0x1];
	p0 =	sne.s32 s2, $0x0  }
0x48: {  	s3 =	rddreg [dreg:$0x2];
	[bflag:$0x3] =	sbarrier.arrive $0xFFFF;
	s2 =	simm.s32 @!p0 $0x1C01  }
0x49: {  	[timem:s3], [sflag:s2] =	dma.local @!p0 [hbm:s0], s1  }
0x4a: {  	s0 =	simm.s32 @!p0 $0x1  }
0x4b: {  	_ =	swait.ge @!p0 [sflag:s0], s1  }
0x4c: {  	s1 =	ssub.s32 @!p0 $0x0, s1;
	[sflag:s0] =	ssyncset.done @!p0 $0x0  }
0x4d: {  	[sflag:s0] =	ssyncadd.s32 @!p0 s1  }
0x4e: {  	[bflag:$0x3] =	sbarrier.arrive $0xFFFF  }
0x4f: {  	_ =	shalt  }

// kernel: kernel.4.cloned.1.call-start
scs
__scs_entry_jumppad:
0x0: {  	(pc) =	sbr.rel $0x88, $3  }
0x1: {  	(tag) =	ssettag $0x0;
	lr =	simm.s32 $0x1  }
0x2: {  	[smem:$0x3F96] =	sst lr;
	_ =	strace $0xD0000000  }
0x3: {  	_ = 	snop  }
0x4: {  	_ = 	snop  }
0x5: {  	_ = 	snop  }
0x6: {  	_ = 	snop  }
0x7: {  	_ = 	snop  }
__scs_overlays_trampoline_lowered:
0x8: {  	[smem:$0x3FA5] =	sst s0  }
0x9: {  	[smem:$0x3FA6] =	sst s1  }
0xa: {  	[smem:$0x3FA7] =	sst s2  }
0xb: {  	[smem:$0x3FA8] =	sst s3  }
0xc: {  	[smem:$0x3FA9] =	sst s4  }
0xd: {  	[smem:$0x3FAA] =	sst s5  }
0xe: {  	[smem:$0x3FAB] =	sst s6  }
0xf: {  	[smem:$0x3FAC] =	sst s7  }
0x10: {  	[smem:$0x3FAD] =	sst s8  }
0x11: {  	[smem:$0x3FAE] =	sst s9;
	s0 =	simm.s32 @!p0 $0x0  }
0x12: {  	s1 =	sld [smem:$0x3F94];
	s0 =	simm.s32 @p0 $0x1  }
0x13: {  	[smem:$0x3FAF] =	sst s0;
	s0 =	simm.s32 @!p1 $0x0  }
0x14: {  	s2 =	sld [smem:$0x3F93];
	s0 =	simm.s32 @p1 $0x1  }
0x15: {  	[smem:$0x3FB0] =	sst s0;
	s0 =	simm.s32 @!p2 $0x0  }
0x16: {  	s3 =	sld [smem:$0x3FDB];
	s0 =	simm.s32 @p2 $0x1  }
0x17: {  	s4 =	simm.s32 $0x1BF5;
	[smem:$0x3FB2] =	sst s0  }
0x18: {  	s0 =	sld [smem:$0x3F95];
	_ =	swait.ge [sflag:s4], $0x0  }
0x19: {  	s7 =	sld [smem:$0x3F96]  }
0x1a: {  	s8 =	sadd.s32 $0xFFFFE003, lr  }
0x1b: {  	s9 =	sadd.s32 $0xFFFFFEF7, lr;
	s5 =	simm.s32 $0xFFFFFFFF;
	p2 =	slt.u32 s8, $0xFFFFF086  }
0x1c: {  	p1 =	slt.u32 s9, $0xF7A;
	s5 =	simm.s32 @!p2 $0x0  }
0x1d: {  	s5 =	simm.s32 @p1 $0x1;
	p0 =	seq.s32 s7, s2  }
0x1e: {  	s7 =	smul.u32 @!p0 $0xF7A, s2;
	p2 =	seq.s32 @!p0 s5, $0x0  }
0x1f: {  	s9 =	smul.u32 $0xF7A, s1;
	s8 =	simm.s32 @!p0 $0x1BF5;
	p2 =	por !p2, p0  }
0x20: {  	[sflag:s8] =	ssyncset.s32 @!p0 $0xFFFFF086;
	s6 =	sadd.s32 @!p0 s3, s7;
	s7 =	simm.s32 @!p0 $0x108  }
0x21: {  	s3 =	sadd.s32 s3, s9;
	s6 =	sadd.s32 @!p0 $0x88, s6;
	s7 =	simm.s32 @p2 $0x1082  }
0x22: {  	[simem:s7], [sflag:s8] =	dma.local @!p0 [hbm:s6], $0xF7A  }
0x23: {  	s9 =	sor.u32 $0xD0000000, s2;
	s6 =	simm.s32 $0x108;
	_ =	swait.ge @!p0 [sflag:s8], $0x0  }
0x24: {  	s3 =	sadd.s32 $0x88, s3;
	s6 =	simm.s32 @!p1 $0x1082;
	[sflag:s4] =	ssyncset.s32 $0xFFFFF086  }
0x25: {  	[simem:s6], [sflag:s4] =	dma.local [hbm:s3], $0xF7A  }
0x26: {  	[smem:$0x3F96] =	sst s1;
	(tag) =	ssettag s2;
	_ =	strace s9  }
0x27: {  	s1 =	sld [smem:$0x3FA6]  }
0x28: {  	s2 =	sld [smem:$0x3FA7]  }
0x29: {  	s4 =	sld [smem:$0x3FA9]  }
0x2a: {  	p0 =	seq.s32 s5, $0x0;
	s5 =	sld [smem:$0x3FAA]  }
0x2b: {  	s6 =	sld [smem:$0x3FAB]  }
0x2c: {  	s7 =	sld [smem:$0x3FAC]  }
0x2d: {  	s3 =	simm.s32 $0x108;
	s8 =	sld [smem:$0x3FAD]  }
0x2e: {  	s3 =	simm.s32 @!p0 $0x1082;
	s9 =	sld [smem:$0x3FAE]  }
0x2f: {  	lr =	sadd.s32 s0, s3;
	s0 =	sld [smem:$0x3FA5]  }
0x30: {  	s3 =	sld [smem:$0x3FA8]  }
0x31: {  	[smem:$0x3FB1] =	sst s10  }
0x32: {  	s10 =	sld [smem:$0x3FAF];
	_ =	sdelay $0x3  }
0x33: {  	p0 =	seq.s32 s10, $0x1;
	s10 =	sld [smem:$0x3FB1];
	_ =	sdelay $0x3  }
0x34: {  	[smem:$0x3FB1] =	sst s10  }
0x35: {  	s10 =	sld [smem:$0x3FB0];
	_ =	sdelay $0x3  }
0x36: {  	p1 =	seq.s32 s10, $0x1;
	s10 =	sld [smem:$0x3FB1];
	_ =	sdelay $0x3  }
0x37: {  	[smem:$0x3FB1] =	sst s10  }
0x38: {  	s10 =	sld [smem:$0x3FB2]  }
0x39: {  	_ = 	snop;
	(pc) =	sbr.ind lr, $3  }
0x3a: {  	_ = 	snop  }
0x3b: {  	_ = 	snop  }
0x3c: {  	p2 =	seq.s32 s10, $0x1;
	s10 =	sld [smem:$0x3FB1]  }
0x3d: {  	_ =	shalt  }
0x3e: {  	_ =	shalt  }
0x3f: {  	_ =	shalt  }
0x40: {  	_ =	shalt  }
0x41: {  	_ =	shalt  }
0x42: {  	_ =	shalt  }
0x43: {  	_ =	shalt  }
0x44: {  	_ =	shalt  }
0x45: {  	_ =	shalt  }
0x46: {  	_ =	shalt  }
0x47: {  	_ =	shalt  }
0x48: {  	_ =	shalt  }
0x49: {  	_ =	shalt  }
0x4a: {  	_ =	shalt  }
0x4b: {  	_ =	shalt  }
0x4c: {  	_ =	shalt  }
0x4d: {  	_ =	shalt  }
0x4e: {  	_ =	shalt  }
0x4f: {  	_ =	shalt  }
0x50: {  	_ =	shalt  }
0x51: {  	_ =	shalt  }
0x52: {  	_ =	shalt  }
0x53: {  	_ =	shalt  }
0x54: {  	_ =	shalt  }
0x55: {  	_ =	shalt  }
0x56: {  	_ =	shalt  }
0x57: {  	_ =	shalt  }
0x58: {  	_ =	shalt  }
0x59: {  	_ =	shalt  }
0x5a: {  	_ =	shalt  }
0x5b: {  	_ =	shalt  }
0x5c: {  	_ =	shalt  }
0x5d: {  	_ =	shalt  }
0x5e: {  	_ =	shalt  }
0x5f: {  	_ =	shalt  }
0x60: {  	_ =	shalt  }
0x61: {  	_ =	shalt  }
0x62: {  	_ =	shalt  }
0x63: {  	_ =	shalt  }
0x64: {  	_ =	shalt  }
0x65: {  	_ =	shalt  }
0x66: {  	_ =	shalt  }
0x67: {  	_ =	shalt  }
0x68: {  	_ =	shalt  }
0x69: {  	_ =	shalt  }
0x6a: {  	_ =	shalt  }
0x6b: {  	_ =	shalt  }
0x6c: {  	_ =	shalt  }
0x6d: {  	_ =	shalt  }
0x6e: {  	_ =	shalt  }
0x6f: {  	_ =	shalt  }
0x70: {  	_ =	shalt  }
0x71: {  	_ =	shalt  }
0x72: {  	_ =	shalt  }
0x73: {  	_ =	shalt  }
0x74: {  	_ =	shalt  }
0x75: {  	_ =	shalt  }
0x76: {  	_ =	shalt  }
0x77: {  	_ =	shalt  }
0x78: {  	_ =	shalt  }
0x79: {  	_ =	shalt  }
0x7a: {  	_ =	shalt  }
0x7b: {  	_ =	shalt  }
0x7c: {  	_ =	shalt  }
0x7d: {  	_ =	shalt  }
0x7e: {  	_ =	shalt  }
0x7f: {  	_ =	shalt  }
0x80: {  	_ =	shalt  }
0x81: {  	_ =	shalt  }
0x82: {  	_ =	shalt  }
0x83: {  	_ =	shalt  }
0x84: {  	_ =	shalt  }
0x85: {  	_ =	shalt  }
0x86: {  	_ =	shalt  }
0x87: {  	_ =	shalt  }
.Lfunc_end0:
.L_simem_size_0:
called_computation.1_lowered:
.L_overlay_start_0:
0x88: {  	s2 =	sld [smem:$0x3FD9]  }
0x89: {  	s3 =	sld [smem:$0x3FFE];
	_ =	sdelay $0x1  }
0x8a: {  	s1 =	srdreg.scid  }
0x8b: {  	s0 =	sand.u32 $0x1, s1  }
0x8c: {  	s17 =	sshll.u32 s0, $0xA;
	s2 =	sadd.s32 s3, s2  }
0x8d: {  	s2 =	sadd.s32 s2, s17  }
0x8e: {  	[smem:$0x3FBD] =	sst s2  }
0x8f: {  	_ = 	snop  }
0x90: {  	s2 =	sld [smem:$0x3FD0];
	(tm) =	ssettm $0x1  }
0x91: {  	s18 =	sld [smem:$0x3FFB];
	_ =	sdelay $0x3  }
0x92: {  	_ =	strace s18  }
0x93: {  	s3 =	sld [smem:$0x3FFC];
	_ =	sdelay $0x3  }
0x94: {  	_ =	strace s3  }
0x95: {  	s3 =	sld [smem:$0x3FFD];
	_ =	sdelay $0x3  }
0x96: {  	_ =	strace s3  }
0x97: {  	_ =	strace $0x8FFFFFFF  }
0x98: {  	s19 =	sld [smem:$0x3FDB];
	_ =	sdelay $0x1  }
0x99: {  	s4 =	simm.s32 $_scs_section_size  }
0x9a: {  	s5 =	simm.s32 $_size__tile_overlayer_lowered;
	s6 =	simm.s32 $_tile_overlayer_lowered  }
0x9b: {  	s22 =	simm.s32 $0x1BFF;
	s21 =	sshll.u32 s6, $0x1;
	s3 =	sadd.s32 s4, s19  }
0x9c: {  	s7 =	simm.s32 $0x0;
	s20 =	sshll.u32 s5, $0x1;
	s5 =	sadd.s32 s21, s3  }
0x9d: {  	[timem:s7], [sflag:s22] =	dma.local [hbm:s5], s20  }
0x9e: {  	_ =	swait.ge [sflag:s22], s20  }
0x9f: {  	s4 =	ssub.s32 $0x0, s20;
	[sflag:s22] =	ssyncset.done $0x0  }
0xa0: {  	[sflag:s22] =	ssyncadd.s32 s4;
	_ =	sdelay $0x1  }
0xa1: {  	s23 =	simm.s32 $0x1B8B  }
0xa2: {  	_ =	swait.ge [sflag:s23], $0x1  }
0xa3: {  	[sflag:s23] =	ssyncset.done $0x0  }
0xa4: {  	s25 =	simm.s32 $0x1B8E;
	s24 =	sld [smem:$0x3FFE];
	[sflag:s23] =	ssyncadd.s32 $0xFFFFFFFF  }
0xa5: {  	s26 =	simm.s32 $execute0_lowered;
	[smem:$0x3FD2] =	sst s25  }
0xa6: {  	s5 =	sshll.u32 s26, $0x1;
	_ =	strace $0x80000049;
	[dreg:$0x1] =	wrdreg $0xFFFFFFFF  }
0xa7: {  	s28 =	simm.s32 $_size_execute0_lowered;
	s3 =	sadd.s32 s3, s5;
	[dreg:$0x0] =	wrdreg $0x0  }
0xa8: {  	s5 =	sshll.u32 s28, $0x1;
	[dreg:$0x2] =	wrdreg s3  }
0xa9: {  	[dreg:$0x3] =	wrdreg s5  }
0xaa: {  	[dreg:$0x4] =	wrdreg $0xC0  }
0xab: {  	_ =	task [dreg:s7], $0x5FFFF  }
0xac: {  	[dreg:$0x1] =	wrdreg $0xFFFFFFFF  }
0xad: {  	[dreg:$0x0] =	wrdreg $0x60  }
0xae: {  	[dreg:$0x2] =	wrdreg s24  }
0xaf: {  	[dreg:$0x3] =	wrdreg s2  }
0xb0: {  	[dreg:$0x4] =	wrdreg $0x168C00  }
0xb1: {  	[dreg:$0x5] =	wrdreg $0x9  }
0xb2: {  	_ =	task.clear_ibuf [dreg:s7], $0x6FFFF;
	_ =	strace $0x90000049  }
0xb3: {  	s29 =	simm.s32 $0x9;
	_ =	strace $0x8000004B  }
0xb4: {  	_ =	swait.ge [sflag:s29], $0x1  }
0xb5: {  	[sflag:s29] =	ssyncadd.s32 $0xFFFFFFFF  }
0xb6: {  	_ =	strace $0x9000004B  }
0xb7: {  	_ =	sfence  }
0xb8: {  	s30 =	sld [smem:$0x0];
	_ =	sdelay $0x2  }
0xb9: {  	s31 =	sshll.u32 s1, $0xD;
	s1 =	sshrl.u32 s1, $0x2  }
0xba: {  	s3 =	sand.u32 $0x4000, s31;
	s1 =	sadd.s32 s1, s30  }
0xbb: {  	s0 =	sor.u32 s3, s0;
	s1 =	sshll.u32 s1, $0x11  }
0xbc: {  	s0 =	sor.u32 s1, s0  }
0xbd: {  	s0 =	sadd.s32 $0x8F2B, s0  }
0xbe: {  	[sflag:s0] =	ssyncadd.remote.s32 $0x1  }
0xbf: {  	_ =	sfence.sel $0xFFFF  }
0xc0: {  	[dreg:$0x0] =	wrdreg $0xFFFFFFFF;
	(pc) =	sbr.abs _section_cstart, $3  }
0xc1: {  	[dreg:$0x1] =	wrdreg $0xFFFFFFFF  }
0xc2: {  	_ =	task.clear_ibuf [dreg:s7], $0x2FFFF;
	_ =	strace $0x9FFFFFFF  }
0xc3: {  	(tm) =	ssettm $0x7FFFFFFF  }
tec
execute0_lowered:
.L_overlay_start_1:
0x0: {  	(tag) =	ssettag $0x1  }
0x1: {  	s0 =	rddreg [dreg:$0x0]  }
0x2: {  	s3 =	rddreg [dreg:$0x1]  }
0x3: {  	s1 =	rddreg [dreg:$0x2]  }
0x4: {  	s2 =	simm.s32 $0x0;
	s19 =	srdreg.scid;
	s20 =	stileid.u32  }
0x5: {  	s28 =	simm.s32 $0xEEC0;
	s29 =	simm.s32 $0x80;
	s30 =	simm.s32 $0x106C0  }
0x6: {  	s31 =	simm.s32 $0x116C0;
	[smem:$0x7FF] =	sst s2;
	s4 =	sadd.s32 $0x1A00, s0  }
0x7: {  	s18 =	sadd.s32 $0x1200, s0;
	_ =	strace $0x8000004A;
	[dreg:$0x4] =	wrdreg s4  }
0x8: {  	s5 =	sadd.s32 $0xA00, s0;
	s6 =	sadd.s32 $0x2A00, s0;
	[dreg:$0x5] =	wrdreg s18  }
0x9: {  	s21 =	sshll.u32 s20, $0xA;
	s8 =	sadd.s32 $0x2200, s0;
	[dreg:$0x6] =	wrdreg s5  }
0xa: {  	s22 =	sadd.s32 $0x5400, s0;
	s10 =	sadd.s32 $0x12E00, s0;
	[dreg:$0x7] =	wrdreg s6  }
0xb: {  	s11 =	sadd.s32 $0x312E00, s0;
	p0 =	sne.s32 s20, $0x0;
	[dreg:$0x8] =	wrdreg s8  }
0xc: {  	s20 =	simm.s32 $0x146C0;
	s4 =	sand.u32 $0x1, s19;
	[dreg:$0x9] =	wrdreg s22  }
0xd: {  	s18 =	simm.s32 $0x4;
	s22 =	simm.s32 $0x3C00;
	s7 =	sshll.u32 s4, $0x9  }
0xe: {  	s19 =	simm.s32 $0x136C0;
	s4 =	ssub.s32 $0x2, s4;
	s9 =	sor.u32 s7, s21  }
0xf: {  	s23 =	sshrl.u32 s4, $0x1;
	s21 =	simm.s32 $0x600;
	s7 =	simm.s32 $0x0  }
0x10: {  	s6 =	sshrl.u32 s9, $0x3;
	s4 =	ssub.s32 s4, s23;
	s23 =	simm.s32 $0x7200  }
0x11: {  	s0 =	sadd.s32 s6, s0;
	s3 =	sadd.s32 s3, s6;
	s26 =	smax.u32 s4, $0x1  }
0x12: {  	s4 =	simm.s32 $0x1;
	s6 =	simm.s32 $0x3;
	[dreg:$0xc] =	wrdreg s3  }
.Ltmp0:
0x13: {  	s24 =	sadd.s32 $0x4400, s0;
	[dreg:$0xe] =	wrdreg s26;
	(pc) =	sbr.rel .LBB2_1-.Ltmp0, $4  }
0x14: {  	s25 =	sadd.s32 $0x3C00, s0;
	s0 =	sadd.s32 $0x3200, s0;
	[dreg:$0xa] =	wrdreg s24  }
0x15: {  	v0 =	vimm.f32 $0.0e+00;
	s26 =	simm.s32 $0xE8C0;
	s3 =	simm.s32 $0x156C0;
	[dreg:$0xb] =	wrdreg s25  }
0x16: {  	v1 =	vimm.s32 $0x3600;
	v2 =	vimm.s32 $0x1;
	v4 =	vlaneseq.u32;
	[dreg:$0xd] =	wrdreg s0;
	s0 =	sshrl.u32 @!p0 s1, $0x3;
	s24 =	simm.s32 $0xA800  }
0x17: {  	v5 =	vimm.s32 $0x0;
	v3 =	vmul.u32 $0x30, v4;
	v4 =	vmul.u32 $0xC0, v4;
	s25 =	simm.s32 $0xDE00;
	[dreg:$0xf] =	wrdreg s0;
	s0 =	simm.s32 $0x126C0  }
.LBB2_59:
0x18: {  	s5 =	simm.s32 $0x2  }
0x19: {  	_ =	swait.ge [sflag:s5], $0x6000  }
0x1a: {  	[sflag:s5] =	ssyncset.done $0x0  }
0x1b: {  	[sflag:s5] =	ssyncadd.s32 $0xFFFFA000  }
0x1c: {  	_ =	swait.ge [sflag:s6], $0xC00  }
0x1d: {  	[sflag:s6] =	ssyncset.done $0x0  }
0x1e: {  	s8 =	simm.s32 $0x166C0;
	s16 =	rddreg [dreg:$0xd];
	[sflag:s6] =	ssyncadd.s32 $0xFFFFF400  }
0x1f: {  	[hbm4b:s16+s2] =	stream.linear.scatter [tilespmem:s8], [sflag:$0x4], $0x200, $0x38;
	[tilespmem:$0x1D4D0] =	vst v63  }
0x20: {  	_ =	swait.ge [sflag:s18], $0x200  }
0x21: {  	s7 =	sadd.s32 $0x1, s7;
	s17 =	rddreg [dreg:$0xe]  }
0x22: {  	p1 =	sne.s32 s7, s17  }
.Ltmp1:
0x23: {  	_ = 	snop;
	(pc) =	sbr.rel @!p1 .LBB2_60-.Ltmp1, $3  }
0x24: {  	_ =	sdelay $0x1  }
0x25: {  	[sflag:s18] =	ssyncset.done $0x0  }
0x26: {  	[sflag:s18] =	ssyncadd.s32 $0xFFFFFE00  }
.LBB2_1:
0x27: {  	s5 =	rddreg [dreg:$0x9]  }
0x28: {  	s8 =	simm.s32 @!p0 $0x1C04;
	s12 =	rddreg [dreg:$0xf]  }
0x29: {  	[spmem:s12], [sflag:s8] =	dma.local @!p0 [hbm:s5], $0xD820  }
0x2a: {  	s8 =	simm.s32 @!p0 $0x4  }
0x2b: {  	_ =	swait.ge @!p0 [sflag:s8], $0xD820  }
0x2c: {  	[sflag:s8] =	ssyncset.done @!p0 $0x0  }
0x2d: {  	[sflag:s8] =	ssyncadd.s32 @!p0 $0xFFFF27E0  }
0x2e: {  	[bflag:$0x0] =	sbarrier.arrive $0xFFFF  }
0x2f: {  	s15 =	rddreg [dreg:$0xa]  }
0x30: {  	[tilespmem:s2], [sflag:$0x4] =	stream.linear.gather [hbm4b:s15+s2], $0x200, $0x38;
	[tilespmem:$0x1D4D0] =	vst v63  }
0x31: {  	_ =	swait.ge [sflag:s18], $0x200  }
0x32: {  	[sflag:s18] =	ssyncset.done $0x0  }
0x33: {  	s17 =	simm.s32 $0x200;
	s16 =	rddreg [dreg:$0xb];
	[sflag:s18] =	ssyncadd.s32 $0xFFFFFE00  }
0x34: {  	[tilespmem:s17], [sflag:$0x4] =	stream.linear.gather [hbm4b:s16+s2], $0x200, $0x38;
	[tilespmem:$0x1D4D0] =	vst v63  }
0x35: {  	_ =	swait.ge [sflag:s18], $0x200  }
0x36: {  	[sflag:s18] =	ssyncset.done $0x0  }
0x37: {  	s12 =	simm.s32 $0x400;
	s8 =	rddreg [dreg:$0xc];
	[sflag:s18] =	ssyncadd.s32 $0xFFFFFE00  }
0x38: {  	[tilespmem:s12], [sflag:$0x4] =	stream.linear.gather [hbm4b:s8+s2], $0x200, $0x38;
	[tilespmem:$0x1D4D0] =	vst v63  }
0x39: {  	_ =	swait.ge [sflag:s18], $0x200  }
0x3a: {  	[sflag:s18] =	ssyncset.done $0x0  }
0x3b: {  	s13 =	rddreg [dreg:$0x4];
	[sflag:s18] =	ssyncadd.s32 $0xFFFFFE00  }
0x3c: {  	[tilespmem:s21], [sflag:$0x4] =	stream.linear.gather [hbm4b:s13+s2], $0x3600, $0x38;
	[tilespmem:$0x1D4D0] =	vst v63  }
0x3d: {  	_ =	swait.ge [sflag:s18], $0x3600  }
0x3e: {  	[sflag:s18] =	ssyncset.done $0x0  }
0x3f: {  	s14 =	rddreg [dreg:$0x5];
	[sflag:s18] =	ssyncadd.s32 $0xFFFFCA00  }
0x40: {  	[tilespmem:s22], [sflag:$0x4] =	stream.linear.gather [hbm4b:s14+s2], $0x3600, $0x38;
	[tilespmem:$0x1D4D0] =	vst v63  }
0x41: {  	_ =	swait.ge [sflag:s18], $0x3600  }
0x42: {  	[sflag:s18] =	ssyncset.done $0x0  }
0x43: {  	s15 =	rddreg [dreg:$0x6];
	[sflag:s18] =	ssyncadd.s32 $0xFFFFCA00  }
0x44: {  	[tilespmem:s23], [sflag:$0x4] =	stream.linear.gather [hbm4b:s15+s2], $0x3600, $0x38;
	[tilespmem:$0x1D4D0] =	vst v63  }
0x45: {  	_ =	swait.ge [sflag:s18], $0x3600  }
0x46: {  	[sflag:s18] =	ssyncset.done $0x0  }
0x47: {  	s16 =	rddreg [dreg:$0x7];
	[sflag:s18] =	ssyncadd.s32 $0xFFFFCA00  }
0x48: {  	[tilespmem:s24], [sflag:$0x4] =	stream.linear.gather [hbm4b:s16+s2], $0x3600, $0x38;
	[tilespmem:$0x1D4D0] =	vst v63  }
0x49: {  	_ =	swait.ge [sflag:s18], $0x3600  }
0x4a: {  	[sflag:s18] =	ssyncset.done $0x0  }
0x4b: {  	s17 =	rddreg [dreg:$0x8];
	[sflag:s18] =	ssyncadd.s32 $0xFFFFCA00  }
0x4c: {  	[tilespmem:s25], [sflag:$0x4] =	stream.linear.gather [hbm4b:s17+s2], $0xAC0, $0x38;
	[tilespmem:$0x1D4D0] =	vst v63  }
0x4d: {  	_ =	swait.ge [sflag:s18], $0xAC0  }
0x4e: {  	[sflag:s18] =	ssyncset.done $0x0  }
0x4f: {  	s8 =	simm.s32 $0x0;
	[sflag:s18] =	ssyncadd.s32 $0xFFFFF540  }
.LBB2_2:
0x50: {  	p1 =	sne.s32 s8, $0x5FC0  }
.Ltmp2:
0x51: {  	_ = 	snop;
	(pc) =	sbr.rel @p1 .LBB2_2-.Ltmp2, $3  }
0x52: {  	_ =	sdelay $0x1  }
0x53: {  	s12 =	sshra.s32 s8, $0x2  }
0x54: {  	s8 =	sadd.s32 $0x40, s8;
	[tilespmem:s12+$0xEEC0] =	vst v0  }
.Ltmp3:
0x55: {  	(pc) =	sbr.rel .LBB2_4-.Ltmp3, $2  }
0x56: {  	_ =	sdelay $0x2  }
0x57: {  	s8 =	simm.s32 $0x0  }
.LBB2_54:
0x58: {  	_ = 	snop  }
.LBB2_57:
0x59: {  	_ =	sdelay $0x4  }
0x5a: {  	[tilespmem:v19+s28+$0x0] =	vst.idx.msk @p1 vm1, v16  }
0x5b: {  	[tilespmem:v20+s28+$0x0] =	vst.idx.msk @p1 vm1, v17  }
0x5c: {  	v10 =	vld.idx.msk [tilespmem:v18+s24+$0x0], $0xffff;
	_ =	sdelay $0x7  }
0x5d: {  	v11 =	vld.idx.msk [tilespmem:v10+s21+$0x0], $0xffff  }
0x5e: {  	v12 =	vld.idx.msk [tilespmem:v10+s22+$0x0], $0xffff;
	_ =	sdelay $0x1  }
0x5f: {  	v16 =	vld.idx.msk [tilespmem:v10+s23+$0x0], $0xffff;
	_ =	sdelay $0x2  }
0x60: {  	v6 =	vsub.f32 v11, v6;
	v7 =	vsub.f32 v12, v7;
	_ =	sdelay $0x1  }
0x61: {  	v8 =	vsub.f32 v16, v8;
	v6 =	vmul.f32 v6, v6;
	v7 =	vmul.f32 v7, v7;
	_ =	sdelay $0x1  }
0x62: {  	v8 =	vmul.f32 v8, v8;
	v6 =	vadd.f32 v7, v6;
	_ =	sdelay $0x1  }
0x63: {  	v6 =	vadd.f32 v8, v6  }
0x64: {  	vm14 =	vlt.s32 v13, $0x30  }
0x65: {  	vm0 =	vmand vm14, vm0;
	vm15 =	vle.f32 v6, $4.900000060e-03  }
0x66: {  	vm0 =	vmand vm0, vm15  }
0x67: {  	v7 =	vand.u32 $0x4, v14;
	v6 =	vadd.s32 v9, v13  }
0x68: {  	v7 =	vor.u32 v7, v15  }
0x69: {  	v62 =	vor.u32 $0x1, v7  }
0x6a: {  	v63 =	vor.u32 $0x2, v7;
	_ =	sdelay $0x1  }
0x6b: {  	[tilespmem:v6+s26+$0x0] =	vst.idx.msk vm0, v10  }
0x6c: {  	[tilespmem:v7+s28+$0x0] =	vst.idx.msk vm0, v11  }
0x6d: {  	v6 =	vsel vm0, $0x1, v5;
	[tilespmem:v62+s28+$0x0] =	vst.idx.msk vm0, v12  }
0x6e: {  	v13 =	vadd.s32 v6, v13;
	[tilespmem:v63+s28+$0x0] =	vst.idx.msk vm0, v16  }
.LBB2_58:
0x6f: {  	p1 =	seq.s32 s8, $0x0  }
0x70: {  	[tilespmem:s13+$0x166C0] =	vst v13;
	s5 =	simm.s32 @!p1 $0x2  }
0x71: {  	_ =	swait.ge @!p1 [sflag:s5], $0x6000  }
0x72: {  	[sflag:s5] =	ssyncset.done @!p1 $0x0  }
0x73: {  	[sflag:s5] =	ssyncadd.s32 @!p1 $0xFFFFA000;
	s5 =	simm.s32 @!p1 $0x3  }
0x74: {  	_ =	swait.ge @!p1 [sflag:s5], $0xC00  }
0x75: {  	s15 =	sshrl.u32 s15, $0x2;
	[sflag:s5] =	ssyncset.done @!p1 $0x0  }
0x76: {  	s17 =	sadd.s32 $0xE8C0, s15;
	[sflag:s5] =	ssyncadd.s32 @!p1 $0xFFFFF400  }
0x77: {  	[tilespmem:s30], [sflag:$0x1] =	stream.indirect.gather [spmem:s1], $0x20, s17, s29, $0xb8;
	[tilespmem:$0x1D4D0] =	vst v63  }
0x78: {  	s15 =	sadd.s32 $0xE940, s14  }
0x79: {  	[tilespmem:s31], [sflag:$0x1] =	stream.indirect.gather [spmem:s1], $0x20, s15, s29, $0xb8;
	[tilespmem:$0x1D4D0] =	vst v63  }
0x7a: {  	s16 =	sadd.s32 $0xE9C0, s14  }
0x7b: {  	[tilespmem:s0], [sflag:$0x1] =	stream.indirect.gather [spmem:s1], $0x20, s16, s29, $0xb8;
	[tilespmem:$0x1D4D0] =	vst v63  }
0x7c: {  	s17 =	sadd.s32 $0xEA40, s14  }
0x7d: {  	[tilespmem:s19], [sflag:$0x1] =	stream.indirect.gather [spmem:s1], $0x20, s17, s29, $0xb8;
	[tilespmem:$0x1D4D0] =	vst v63  }
0x7e: {  	s15 =	sadd.s32 $0xEAC0, s14  }
0x7f: {  	[tilespmem:s20], [sflag:$0x1] =	stream.indirect.gather [spmem:s1], $0x20, s15, s29, $0xb8;
	[tilespmem:$0x1D4D0] =	vst v63  }
0x80: {  	s16 =	sadd.s32 $0xEB40, s14  }
0x81: {  	[tilespmem:s3], [sflag:$0x1] =	stream.indirect.gather [spmem:s1], $0x20, s16, s29, $0xb8;
	[tilespmem:$0x1D4D0] =	vst v63  }
0x82: {  	_ =	swait.ge [sflag:s4], $0x1000  }
0x83: {  	[sflag:s4] =	ssyncset.done $0x0  }
0x84: {  	[sflag:s4] =	ssyncadd.s32 $0xFFFFF000  }
0x85: {  	_ =	swait.ge [sflag:s4], $0x1000  }
0x86: {  	[sflag:s4] =	ssyncset.done $0x0  }
0x87: {  	[sflag:s4] =	ssyncadd.s32 $0xFFFFF000  }
0x88: {  	_ =	swait.ge [sflag:s4], $0x1000  }
0x89: {  	[sflag:s4] =	ssyncset.done $0x0  }
0x8a: {  	[sflag:s4] =	ssyncadd.s32 $0xFFFFF000  }
0x8b: {  	_ =	swait.ge [sflag:s4], $0x1000  }
0x8c: {  	[sflag:s4] =	ssyncset.done $0x0  }
0x8d: {  	[sflag:s4] =	ssyncadd.s32 $0xFFFFF000  }
0x8e: {  	_ =	swait.ge [sflag:s4], $0x1000  }
0x8f: {  	s12 =	smul.u32 $0x3000, s12;
	[sflag:s4] =	ssyncset.done $0x0  }
0x90: {  	s8 =	sadd.s32 $0x1, s8;
	s17 =	sor.u32 s9, s13;
	[sflag:s4] =	ssyncadd.s32 $0xFFFFF000  }
0x91: {  	p1 =	sne.s32 s8, $0x20;
	s13 =	smul.u32 $0xC0, s17;
	_ =	swait.ge [sflag:s4], $0x1000  }
.Ltmp4:
0x92: {  	s12 =	sshrl.u32 s12, $0x2;
	[sflag:s4] =	ssyncset.done $0x0;
	(pc) =	sbr.rel @!p1 .LBB2_59-.Ltmp4, $4  }
0x93: {  	s5 =	smul.u32 $0x18, s17;
	s13 =	sadd.s32 s10, s13;
	[sflag:s4] =	ssyncadd.s32 $0xFFFFF000  }
0x94: {  	[hbm4b:s13+s2] =	stream.linear.scatter [tilespmem:s30], [sflag:$0x2], $0x6000, $0x38;
	[tilespmem:$0x1D4D0] =	vst v63  }
0x95: {  	s12 =	sadd.s32 $0xEEC0, s12;
	s5 =	sadd.s32 s11, s5  }
0x96: {  	[hbm4b:s5+s2] =	stream.linear.scatter [tilespmem:s12], [sflag:$0x3], $0xC00, $0x38;
	[tilespmem:$0x1D4D0] =	vst v63  }
.LBB2_4:
0x97: {  	s13 =	sshll.u32 s8, $0x4;
	s12 =	sand.u32 $0x1, s8  }
0x98: {  	v6 =	vld [tilespmem:s13+$0x0];
	s14 =	smul.u32 $0x300, s12  }
0x99: {  	v7 =	vld [tilespmem:s13+$0x200]  }
0x9a: {  	v8 =	vld [tilespmem:s13+$0x400];
	[tilespmem:s14+$0xE8C0] =	vst v1  }
0x9b: {  	[tilespmem:s14+$0xE8D0] =	vst v1  }
0x9c: {  	[tilespmem:s14+$0xE8E0] =	vst v1  }
0x9d: {  	[tilespmem:s14+$0xE8F0] =	vst v1  }
0x9e: {  	[tilespmem:s14+$0xE900] =	vst v1  }
0x9f: {  	[tilespmem:s14+$0xE910] =	vst v1  }
0xa0: {  	[tilespmem:s14+$0xE920] =	vst v1  }
0xa1: {  	[tilespmem:s14+$0xE930] =	vst v1  }
0xa2: {  	[tilespmem:s14+$0xE940] =	vst v1  }
0xa3: {  	[tilespmem:s14+$0xE950] =	vst v1  }
0xa4: {  	[tilespmem:s14+$0xE960] =	vst v1  }
0xa5: {  	[tilespmem:s14+$0xE970] =	vst v1  }
0xa6: {  	[tilespmem:s14+$0xE980] =	vst v1  }
0xa7: {  	[tilespmem:s14+$0xE990] =	vst v1  }
0xa8: {  	[tilespmem:s14+$0xE9A0] =	vst v1  }
0xa9: {  	[tilespmem:s14+$0xE9B0] =	vst v1  }
0xaa: {  	[tilespmem:s14+$0xE9C0] =	vst v1  }
0xab: {  	[tilespmem:s14+$0xE9D0] =	vst v1  }
0xac: {  	[tilespmem:s14+$0xE9E0] =	vst v1  }
0xad: {  	[tilespmem:s14+$0xE9F0] =	vst v1  }
0xae: {  	[tilespmem:s14+$0xEA00] =	vst v1  }
0xaf: {  	[tilespmem:s14+$0xEA10] =	vst v1  }
0xb0: {  	[tilespmem:s14+$0xEA20] =	vst v1  }
0xb1: {  	[tilespmem:s14+$0xEA30] =	vst v1  }
0xb2: {  	[tilespmem:s14+$0xEA40] =	vst v1  }
0xb3: {  	[tilespmem:s14+$0xEA50] =	vst v1  }
0xb4: {  	[tilespmem:s14+$0xEA60] =	vst v1  }
0xb5: {  	[tilespmem:s14+$0xEA70] =	vst v1  }
0xb6: {  	[tilespmem:s14+$0xEA80] =	vst v1;
	v9 =	vmul.f32 $1.400000000e+01, v6  }
0xb7: {  	[tilespmem:s14+$0xEA90] =	vst v1  }
0xb8: {  	[tilespmem:s14+$0xEAA0] =	vst v1;
	v10 =	vmul.f32 $1.400000000e+01, v7;
	v9 =	vtrunc.f32 v9  }
0xb9: {  	[tilespmem:s14+$0xEAB0] =	vst v1;
	v15 =	vcvt.f32.s32 v9  }
0xba: {  	[tilespmem:s14+$0xEAC0] =	vst v1;
	v9 =	vtrunc.f32 v10  }
0xbb: {  	[tilespmem:s14+$0xEAD0] =	vst v1;
	v20 =	vcvt.f32.s32 v9;
	vm2 =	vgt.s32 v15, $0x0  }
0xbc: {  	[tilespmem:s14+$0xEAE0] =	vst v1;
	v9 =	vmul.f32 $1.400000000e+01, v8;
	v16 =	vnsel vm2, $0x0, v15  }
0xbd: {  	[tilespmem:s14+$0xEAF0] =	vst v1;
	vm0 =	vgt.s32 v20, $0x0;
	v19 =	vmin.u32 v16, $0xD  }
0xbe: {  	[tilespmem:s14+$0xEB00] =	vst v1;
	v9 =	vtrunc.f32 v9;
	v18 =	vnsel vm0, $0x0, v20;
	v10 =	vmax.u32 v19, $0x1  }
0xbf: {  	[tilespmem:s14+$0xEB10] =	vst v1;
	v9 =	vcvt.f32.s32 v9;
	v14 =	vmin.u32 v18, $0xD;
	v10 =	vmul.u32 $0xE, v10  }
0xc0: {  	[tilespmem:s14+$0xEB20] =	vst v1;
	v11 =	vmax.u32 v14, $0x1  }
0xc1: {  	[tilespmem:s14+$0xEB30] =	vst v1;
	vm1 =	vgt.s32 v9, $0x1;
	v17 =	vsub.s32 v11, v2;
	v21 =	vadd.s32 $0xFFFFFFF2, v10  }
0xc2: {  	[tilespmem:s14+$0xEB40] =	vst v1;
	v10 =	vnsel vm1, $0x1, v9;
	vm1 =	vgt.s32 v9, $0x0;
	v11 =	vadd.s32 v17, v21  }
0xc3: {  	[tilespmem:s14+$0xEB50] =	vst v1;
	v9 =	vnsel vm1, $0x0, v9;
	v10 =	vmin.u32 v10, $0xD;
	v13 =	vmul.u32 $0xE, v11  }
0xc4: {  	[tilespmem:s14+$0xEB60] =	vst v1;
	v11 =	vadd.s32 $0xFFFFFFFF, v10;
	v9 =	vmin.u32 v9, $0xC  }
0xc5: {  	[tilespmem:s14+$0xEB70] =	vst v1;
	v12 =	vadd.s32 $0x2, v9;
	v10 =	vadd.s32 v11, v13  }
0xc6: {  	[tilespmem:s14+$0xEB80] =	vst v1;
	v9 =	vadd.s32 v13, v12  }
0xc7: {  	[tilespmem:s14+$0xEB90] =	vst v1  }
0xc8: {  	[tilespmem:s14+$0xEBA0] =	vst v1  }
0xc9: {  	[tilespmem:s14+$0xEBB0] =	vst v1  }
0xca: {  	v10 =	vld.idx.msk [tilespmem:v10+s25+$0x0], $0xffff  }
0xcb: {  	v9 =	vld.idx.msk [tilespmem:v9+s25+$0x0], $0xffff;
	_ =	sdelay $0x3  }
0xcc: {  	vm1 =	vmand vm2, vm0  }
0xcd: {  	v22 =	vnsel vm1, $0x0, v10;
	v23 =	vnsel vm1, $0x0, v9  }
0xce: {  	v9 =	vsub.s32 v23, v22  }
0xcf: {  	v9 =	vxor.u32 $0x80000000, v9  }
0xd0: {  	(xrf0) =	vmax.scan.msk.u32 $0xffff, v9;
	_ =	sdelay $0x5  }
0xd1: {  	v9, _, _ =	vpop (xrf0)  }
0xd2: {  	(v2sf) =	vpush v9, $0xF;
	_ =	sdelay $0xe  }
0xd3: {  	s16 =	spop (v2sf)  }
0xd4: {  	s16 =	sxor.u32 $0x80000000, s16  }
0xd5: {  	p1 =	slt.s32 s16, $0x1  }
.Ltmp5:
0xd6: {  	_ = 	snop;
	(pc) =	sbr.rel @p1 .LBB2_10-.Ltmp5, $3  }
0xd7: {  	_ = 	snop  }
0xd8: {  	s15 =	smul.u32 $0xC00, s12;
	_ =	sdelay $0x1  }
0xd9: {  	v13 =	vimm.s32 $0x0;
	v10 =	vmov s15;
	v9 =	vadd.s32 s14, v3  }
0xda: {  	p2 =	sne.s32 s16, $0x1  }
.Ltmp6:
0xdb: {  	_ = 	snop;
	(pc) =	sbr.rel @!p2 .LBB2_6-.Ltmp6, $4  }
0xdc: {  	s17 =	simm.s32 $0x0;
	v24 =	vshll.u32 v13, $0x2  }
0xdd: {  	v25 =	vadd.s32 s17, v22;
	v24 =	vadd.s32 v4, v24  }
0xde: {  	vm1 =	vlt.s32 v25, v23;
	v26 =	vadd.s32 v10, v24  }
0xdf: {  	p1 =	por $0x0, $0x0;
	s17 =	simm.s32 $0x1;
	v28 =	vnsel vm1, $0x0, v25;
	v25 =	vand.u32 $0xFFFFFFF8, v26  }
0xe0: {  	_ =	sdelay $0x3  }
0xe1: {  	v28 =	vld.idx.msk [tilespmem:v28+s24+$0x0], $0xffff;
	_ =	sdelay $0x7  }
0xe2: {  	v31 =	vld.idx.msk [tilespmem:v28+s21+$0x0], $0xffff  }
0xe3: {  	v26 =	vld.idx.msk [tilespmem:v28+s22+$0x0], $0xffff;
	_ =	sdelay $0x1  }
0xe4: {  	v27 =	vld.idx.msk [tilespmem:v28+s23+$0x0], $0xffff;
	_ =	sdelay $0x2  }
0xe5: {  	v29 =	vsub.f32 v31, v6;
	v30 =	vsub.f32 v26, v7;
	_ =	sdelay $0x1  }
0xe6: {  	v32 =	vsub.f32 v27, v8;
	v29 =	vmul.f32 v29, v29;
	v30 =	vmul.f32 v30, v30;
	_ =	sdelay $0x1  }
0xe7: {  	v32 =	vmul.f32 v32, v32;
	v29 =	vadd.f32 v30, v29;
	_ =	sdelay $0x1  }
0xe8: {  	v29 =	vadd.f32 v32, v29  }
0xe9: {  	vm3 =	vlt.s32 v13, $0x30  }
0xea: {  	vm1 =	vmand vm3, vm1;
	vm3 =	vle.f32 v29, $4.900000060e-03  }
0xeb: {  	vm3 =	vmand vm1, vm3  }
0xec: {  	v30 =	vadd.s32 v9, v13;
	_ =	sdelay $0x1  }
0xed: {  	v24 =	vand.u32 $0x4, v24  }
0xee: {  	p2 =	sne.s32 s16, $0x2;
	v63 =	vor.u32 v24, v25;
	v24 =	vsel vm3, $0x1, v5  }
.Ltmp7:
0xef: {  	v25 =	vadd.s32 s17, v22;
	v29 =	vor.u32 $0x1, v63;
	v13 =	vadd.s32 v24, v13;
	(pc) =	sbr.rel @!p2 .LBB2_9-.Ltmp7, $4  }
0xf0: {  	vm1 =	vlt.s32 v25, v23;
	v24 =	vshll.u32 v13, $0x2;
	[tilespmem:v30+s26+$0x0] =	vst.idx.msk vm3, v28;
	v30 =	vor.u32 $0x2, v63  }
0xf1: {  	v24 =	vadd.s32 v4, v24;
	v28 =	vnsel vm1, $0x0, v25  }
0xf2: {  	v33 =	vadd.s32 v10, v24  }
0xf3: {  	p1 =	por $0x1, $0x1;
	s17 =	simm.s32 $0x2;
	v25 =	vand.u32 $0xFFFFFFF8, v33;
	[tilespmem:v63+s28+$0x0] =	vst.idx.msk vm3, v31  }
.LBB2_8:
0xf4: {  	[tilespmem:v29+s28+$0x0] =	vst.idx.msk vm3, v26;
	s5 =	smov.u32 s17;
	s17 =	sadd.s32 $0x1, s17  }
0xf5: {  	p2 =	sne.s32 s16, s17;
	[tilespmem:v30+s28+$0x0] =	vst.idx.msk vm3, v27  }
0xf6: {  	v31 =	vld.idx.msk [tilespmem:v28+s24+$0x0], $0xffff;
	_ =	sdelay $0x7  }
0xf7: {  	v32 =	vld.idx.msk [tilespmem:v31+s21+$0x0], $0xffff  }
0xf8: {  	v26 =	vld.idx.msk [tilespmem:v31+s22+$0x0], $0xffff  }
0xf9: {  	v27 =	vld.idx.msk [tilespmem:v31+s23+$0x0], $0xffff;
	_ =	sdelay $0x3  }
0xfa: {  	v28 =	vsub.f32 v32, v6  }
0xfb: {  	v29 =	vsub.f32 v26, v7  }
0xfc: {  	v30 =	vsub.f32 v27, v8;
	v28 =	vmul.f32 v28, v28  }
0xfd: {  	v29 =	vmul.f32 v29, v29  }
0xfe: {  	v30 =	vmul.f32 v30, v30  }
0xff: {  	v28 =	vadd.f32 v29, v28;
	_ =	sdelay $0x1  }
0x100: {  	vm3 =	vlt.s32 v13, $0x30;
	v28 =	vadd.f32 v30, v28  }
0x101: {  	vm1 =	vmand vm3, vm1  }
0x102: {  	vm3 =	vle.f32 v28, $4.900000060e-03  }
0x103: {  	v33 =	vadd.s32 v9, v13;
	v24 =	vand.u32 $0x4, v24;
	vm3 =	vmand vm1, vm3  }
0x104: {  	v34 =	vor.u32 v24, v25;
	v24 =	vsel vm3, $0x1, v5  }
0x105: {  	v29 =	vor.u32 $0x1, v34;
	v13 =	vadd.s32 v24, v13  }
.Ltmp8:
0x106: {  	v25 =	vadd.s32 s5, v22;
	v30 =	vor.u32 $0x2, v34;
	v24 =	vshll.u32 v13, $0x2;
	(pc) =	sbr.rel @p2 .LBB2_8-.Ltmp8, $4  }
0x107: {  	vm1 =	vlt.s32 v25, v23;
	v24 =	vadd.s32 v4, v24  }
0x108: {  	v28 =	vnsel vm1, $0x0, v25;
	v25 =	vadd.s32 v10, v24  }
0x109: {  	v25 =	vand.u32 $0xFFFFFFF8, v25;
	[tilespmem:v33+s26+$0x0] =	vst.idx.msk vm3, v31  }
0x10a: {  	[tilespmem:v34+s28+$0x0] =	vst.idx.msk vm3, v32  }
.LBB2_9:
0x10b: {  	_ =	sdelay $0x4  }
0x10c: {  	[tilespmem:v29+s28+$0x0] =	vst.idx.msk @p1 vm3, v26  }
0x10d: {  	[tilespmem:v30+s28+$0x0] =	vst.idx.msk @p1 vm3, v27  }
0x10e: {  	v22 =	vld.idx.msk [tilespmem:v28+s24+$0x0], $0xffff;
	_ =	sdelay $0x7  }
0x10f: {  	v23 =	vld.idx.msk [tilespmem:v22+s21+$0x0], $0xffff  }
0x110: {  	v26 =	vld.idx.msk [tilespmem:v22+s22+$0x0], $0xffff;
	_ =	sdelay $0x1  }
0x111: {  	v27 =	vld.idx.msk [tilespmem:v22+s23+$0x0], $0xffff;
	_ =	sdelay $0x2  }
0x112: {  	v59 =	vsub.f32 v23, v6;
	v60 =	vsub.f32 v26, v7;
	_ =	sdelay $0x1  }
0x113: {  	v61 =	vsub.f32 v27, v8;
	v28 =	vmul.f32 v59, v59;
	v29 =	vmul.f32 v60, v60;
	_ =	sdelay $0x1  }
0x114: {  	v30 =	vmul.f32 v61, v61;
	v28 =	vadd.f32 v29, v28;
	_ =	sdelay $0x1  }
0x115: {  	v28 =	vadd.f32 v30, v28  }
0x116: {  	vm3 =	vlt.s32 v13, $0x30  }
0x117: {  	vm1 =	vmand vm3, vm1;
	vm3 =	vle.f32 v28, $4.900000060e-03  }
0x118: {  	vm1 =	vmand vm1, vm3  }
0x119: {  	v62 =	vadd.s32 v9, v13;
	v24 =	vand.u32 $0x4, v24  }
0x11a: {  	v24 =	vor.u32 v24, v25  }
0x11b: {  	v25 =	vor.u32 $0x1, v24  }
0x11c: {  	v63 =	vor.u32 $0x2, v24;
	_ =	sdelay $0x1  }
0x11d: {  	[tilespmem:v62+s26+$0x0] =	vst.idx.msk vm1, v22  }
0x11e: {  	[tilespmem:v24+s28+$0x0] =	vst.idx.msk vm1, v23  }
0x11f: {  	v22 =	vsel vm1, $0x1, v5;
	[tilespmem:v25+s28+$0x0] =	vst.idx.msk vm1, v26  }
0x120: {  	v13 =	vadd.s32 v22, v13;
	[tilespmem:v63+s28+$0x0] =	vst.idx.msk vm1, v27  }
.LBB2_10:
0x121: {  	v22 =	vadd.s32 v14, v21  }
0x122: {  	v22 =	vmul.u32 $0xE, v22;
	_ =	sdelay $0x1  }
0x123: {  	v23 =	vadd.s32 v11, v22  }
0x124: {  	v22 =	vadd.s32 v22, v12;
	_ =	sdelay $0x3  }
0x125: {  	v23 =	vld.idx.msk [tilespmem:v23+s25+$0x0], $0xffff  }
0x126: {  	v24 =	vld.idx.msk [tilespmem:v22+s25+$0x0], $0xffff;
	_ =	sdelay $0x4  }
0x127: {  	v22 =	vnsel vm2, $0x0, v23;
	v23 =	vnsel vm2, $0x0, v24  }
0x128: {  	v24 =	vsub.s32 v23, v22  }
0x129: {  	v24 =	vxor.u32 $0x80000000, v24  }
0x12a: {  	(xrf0) =	vmax.scan.msk.u32 $0xffff, v24;
	_ =	sdelay $0x5  }
0x12b: {  	v24, _, _ =	vpop (xrf0)  }
0x12c: {  	(v2sf) =	vpush v24, $0xF;
	_ =	sdelay $0xe  }
0x12d: {  	s5 =	spop (v2sf)  }
0x12e: {  	s16 =	sxor.u32 $0x80000000, s5  }
0x12f: {  	p1 =	slt.s32 s16, $0x1  }
.Ltmp9:
0x130: {  	_ = 	snop;
	(pc) =	sbr.rel @p1 .LBB2_16-.Ltmp9, $1  }
0x131: {  	_ =	sdelay $0x3  }
0x132: {  	p2 =	sne.s32 s16, $0x1  }
.Ltmp10:
0x133: {  	_ = 	snop;
	(pc) =	sbr.rel @!p2 .LBB2_12-.Ltmp10, $4  }
0x134: {  	s5 =	simm.s32 $0x0;
	v24 =	vshll.u32 v13, $0x2  }
0x135: {  	v25 =	vadd.s32 s5, v22;
	v24 =	vadd.s32 v4, v24  }
0x136: {  	vm1 =	vlt.s32 v25, v23;
	v26 =	vadd.s32 v10, v24  }
0x137: {  	s17 =	simm.s32 $0x1;
	p1 =	por $0x0, $0x0;
	v28 =	vnsel vm1, $0x0, v25;
	v25 =	vand.u32 $0xFFFFFFF8, v26  }
0x138: {  	_ =	sdelay $0x3  }
0x139: {  	v28 =	vld.idx.msk [tilespmem:v28+s24+$0x0], $0xffff;
	_ =	sdelay $0x7  }
0x13a: {  	v31 =	vld.idx.msk [tilespmem:v28+s21+$0x0], $0xffff  }
0x13b: {  	v26 =	vld.idx.msk [tilespmem:v28+s22+$0x0], $0xffff;
	_ =	sdelay $0x1  }
0x13c: {  	v27 =	vld.idx.msk [tilespmem:v28+s23+$0x0], $0xffff;
	_ =	sdelay $0x2  }
0x13d: {  	v29 =	vsub.f32 v31, v6;
	v30 =	vsub.f32 v26, v7;
	_ =	sdelay $0x1  }
0x13e: {  	v32 =	vsub.f32 v27, v8;
	v29 =	vmul.f32 v29, v29;
	v30 =	vmul.f32 v30, v30;
	_ =	sdelay $0x1  }
0x13f: {  	v32 =	vmul.f32 v32, v32;
	v29 =	vadd.f32 v30, v29;
	_ =	sdelay $0x1  }
0x140: {  	v29 =	vadd.f32 v32, v29  }
0x141: {  	vm3 =	vlt.s32 v13, $0x30  }
0x142: {  	vm1 =	vmand vm3, vm1;
	vm3 =	vle.f32 v29, $4.900000060e-03  }
0x143: {  	vm3 =	vmand vm1, vm3  }
0x144: {  	v30 =	vadd.s32 v9, v13;
	_ =	sdelay $0x1  }
0x145: {  	v24 =	vand.u32 $0x4, v24  }
0x146: {  	p2 =	sne.s32 s16, $0x2;
	v63 =	vor.u32 v24, v25;
	v24 =	vsel vm3, $0x1, v5  }
.Ltmp11:
0x147: {  	v25 =	vadd.s32 s17, v22;
	v29 =	vor.u32 $0x1, v63;
	v13 =	vadd.s32 v24, v13;
	(pc) =	sbr.rel @!p2 .LBB2_15-.Ltmp11, $4  }
0x148: {  	vm1 =	vlt.s32 v25, v23;
	v24 =	vshll.u32 v13, $0x2;
	[tilespmem:v30+s26+$0x0] =	vst.idx.msk vm3, v28;
	v30 =	vor.u32 $0x2, v63  }
0x149: {  	v24 =	vadd.s32 v4, v24;
	v28 =	vnsel vm1, $0x0, v25  }
0x14a: {  	v33 =	vadd.s32 v10, v24  }
0x14b: {  	p1 =	por $0x1, $0x1;
	s17 =	simm.s32 $0x2;
	v25 =	vand.u32 $0xFFFFFFF8, v33;
	[tilespmem:v63+s28+$0x0] =	vst.idx.msk vm3, v31  }
.LBB2_14:
0x14c: {  	[tilespmem:v29+s28+$0x0] =	vst.idx.msk vm3, v26;
	s5 =	smov.u32 s17;
	s17 =	sadd.s32 $0x1, s17  }
0x14d: {  	p2 =	sne.s32 s16, s17;
	[tilespmem:v30+s28+$0x0] =	vst.idx.msk vm3, v27  }
0x14e: {  	v31 =	vld.idx.msk [tilespmem:v28+s24+$0x0], $0xffff;
	_ =	sdelay $0x7  }
0x14f: {  	v32 =	vld.idx.msk [tilespmem:v31+s21+$0x0], $0xffff  }
0x150: {  	v26 =	vld.idx.msk [tilespmem:v31+s22+$0x0], $0xffff  }
0x151: {  	v27 =	vld.idx.msk [tilespmem:v31+s23+$0x0], $0xffff;
	_ =	sdelay $0x3  }
0x152: {  	v28 =	vsub.f32 v32, v6  }
0x153: {  	v29 =	vsub.f32 v26, v7  }
0x154: {  	v30 =	vsub.f32 v27, v8;
	v28 =	vmul.f32 v28, v28  }
0x155: {  	v29 =	vmul.f32 v29, v29  }
0x156: {  	v30 =	vmul.f32 v30, v30  }
0x157: {  	v28 =	vadd.f32 v29, v28;
	_ =	sdelay $0x1  }
0x158: {  	vm3 =	vlt.s32 v13, $0x30;
	v28 =	vadd.f32 v30, v28  }
0x159: {  	vm1 =	vmand vm3, vm1  }
0x15a: {  	vm3 =	vle.f32 v28, $4.900000060e-03  }
0x15b: {  	v33 =	vadd.s32 v9, v13;
	v24 =	vand.u32 $0x4, v24;
	vm3 =	vmand vm1, vm3  }
0x15c: {  	v34 =	vor.u32 v24, v25;
	v24 =	vsel vm3, $0x1, v5  }
0x15d: {  	v29 =	vor.u32 $0x1, v34;
	v13 =	vadd.s32 v24, v13  }
.Ltmp12:
0x15e: {  	v25 =	vadd.s32 s5, v22;
	v30 =	vor.u32 $0x2, v34;
	v24 =	vshll.u32 v13, $0x2;
	(pc) =	sbr.rel @p2 .LBB2_14-.Ltmp12, $4  }
0x15f: {  	vm1 =	vlt.s32 v25, v23;
	v24 =	vadd.s32 v4, v24  }
0x160: {  	v28 =	vnsel vm1, $0x0, v25;
	v25 =	vadd.s32 v10, v24  }
0x161: {  	v25 =	vand.u32 $0xFFFFFFF8, v25;
	[tilespmem:v33+s26+$0x0] =	vst.idx.msk vm3, v31  }
0x162: {  	[tilespmem:v34+s28+$0x0] =	vst.idx.msk vm3, v32  }
.LBB2_15:
0x163: {  	_ =	sdelay $0x4  }
0x164: {  	[tilespmem:v29+s28+$0x0] =	vst.idx.msk @p1 vm3, v26  }
0x165: {  	[tilespmem:v30+s28+$0x0] =	vst.idx.msk @p1 vm3, v27  }
0x166: {  	v22 =	vld.idx.msk [tilespmem:v28+s24+$0x0], $0xffff;
	_ =	sdelay $0x7  }
0x167: {  	v23 =	vld.idx.msk [tilespmem:v22+s21+$0x0], $0xffff  }
0x168: {  	v26 =	vld.idx.msk [tilespmem:v22+s22+$0x0], $0xffff;
	_ =	sdelay $0x1  }
0x169: {  	v27 =	vld.idx.msk [tilespmem:v22+s23+$0x0], $0xffff;
	_ =	sdelay $0x2  }
0x16a: {  	v59 =	vsub.f32 v23, v6;
	v60 =	vsub.f32 v26, v7;
	_ =	sdelay $0x1  }
0x16b: {  	v61 =	vsub.f32 v27, v8;
	v28 =	vmul.f32 v59, v59;
	v29 =	vmul.f32 v60, v60;
	_ =	sdelay $0x1  }
0x16c: {  	v30 =	vmul.f32 v61, v61;
	v28 =	vadd.f32 v29, v28;
	_ =	sdelay $0x1  }
0x16d: {  	v28 =	vadd.f32 v30, v28  }
0x16e: {  	vm3 =	vlt.s32 v13, $0x30  }
0x16f: {  	vm1 =	vmand vm3, vm1;
	vm3 =	vle.f32 v28, $4.900000060e-03  }
0x170: {  	vm1 =	vmand vm1, vm3  }
0x171: {  	v62 =	vadd.s32 v9, v13;
	v24 =	vand.u32 $0x4, v24  }
0x172: {  	v24 =	vor.u32 v24, v25  }
0x173: {  	v25 =	vor.u32 $0x1, v24  }
0x174: {  	v63 =	vor.u32 $0x2, v24;
	_ =	sdelay $0x1  }
0x175: {  	[tilespmem:v62+s26+$0x0] =	vst.idx.msk vm1, v22  }
0x176: {  	[tilespmem:v24+s28+$0x0] =	vst.idx.msk vm1, v23  }
0x177: {  	v22 =	vsel vm1, $0x1, v5;
	[tilespmem:v25+s28+$0x0] =	vst.idx.msk vm1, v26  }
0x178: {  	v13 =	vadd.s32 v22, v13;
	[tilespmem:v63+s28+$0x0] =	vst.idx.msk vm1, v27  }
.LBB2_16:
0x179: {  	v18 =	vmin.u32 v18, $0xC  }
0x17a: {  	v18 =	vadd.s32 $0x1, v18  }
0x17b: {  	v21 =	vadd.s32 v18, v21  }
0x17c: {  	v21 =	vmul.u32 $0xE, v21;
	_ =	sdelay $0x1  }
0x17d: {  	v22 =	vadd.s32 v11, v21  }
0x17e: {  	v21 =	vadd.s32 v21, v12;
	_ =	sdelay $0x3  }
0x17f: {  	v22 =	vld.idx.msk [tilespmem:v22+s25+$0x0], $0xffff  }
0x180: {  	v21 =	vld.idx.msk [tilespmem:v21+s25+$0x0], $0xffff;
	_ =	sdelay $0x2  }
0x181: {  	vm1 =	vlt.s32 v20, $0xD  }
0x182: {  	vm2 =	vmand vm2, vm1  }
0x183: {  	v20 =	vnsel vm2, $0x0, v22;
	v21 =	vnsel vm2, $0x0, v21  }
0x184: {  	v22 =	vsub.s32 v21, v20  }
0x185: {  	v22 =	vxor.u32 $0x80000000, v22  }
0x186: {  	(xrf0) =	vmax.scan.msk.u32 $0xffff, v22;
	_ =	sdelay $0x5  }
0x187: {  	v22, _, _ =	vpop (xrf0)  }
0x188: {  	(v2sf) =	vpush v22, $0xF;
	_ =	sdelay $0xe  }
0x189: {  	s5 =	spop (v2sf)  }
0x18a: {  	s16 =	sxor.u32 $0x80000000, s5  }
0x18b: {  	p1 =	slt.s32 s16, $0x1  }
.Ltmp13:
0x18c: {  	_ = 	snop;
	(pc) =	sbr.rel @p1 .LBB2_22-.Ltmp13, $1  }
0x18d: {  	_ =	sdelay $0x3  }
0x18e: {  	p2 =	sne.s32 s16, $0x1  }
.Ltmp14:
0x18f: {  	_ = 	snop;
	(pc) =	sbr.rel @!p2 .LBB2_18-.Ltmp14, $4  }
0x190: {  	s5 =	simm.s32 $0x0;
	v22 =	vshll.u32 v13, $0x2  }
0x191: {  	v23 =	vadd.s32 s5, v20;
	v22 =	vadd.s32 v4, v22  }
0x192: {  	vm2 =	vlt.s32 v23, v21;
	v24 =	vadd.s32 v10, v22  }
0x193: {  	s17 =	simm.s32 $0x1;
	p1 =	por $0x0, $0x0;
	v26 =	vnsel vm2, $0x0, v23;
	v23 =	vand.u32 $0xFFFFFFF8, v24  }
0x194: {  	_ =	sdelay $0x3  }
0x195: {  	v26 =	vld.idx.msk [tilespmem:v26+s24+$0x0], $0xffff;
	_ =	sdelay $0x7  }
0x196: {  	v29 =	vld.idx.msk [tilespmem:v26+s21+$0x0], $0xffff  }
0x197: {  	v24 =	vld.idx.msk [tilespmem:v26+s22+$0x0], $0xffff;
	_ =	sdelay $0x1  }
0x198: {  	v25 =	vld.idx.msk [tilespmem:v26+s23+$0x0], $0xffff;
	_ =	sdelay $0x2  }
0x199: {  	v27 =	vsub.f32 v29, v6;
	v28 =	vsub.f32 v24, v7;
	_ =	sdelay $0x1  }
0x19a: {  	v30 =	vsub.f32 v25, v8;
	v27 =	vmul.f32 v27, v27;
	v28 =	vmul.f32 v28, v28;
	_ =	sdelay $0x1  }
0x19b: {  	v30 =	vmul.f32 v30, v30;
	v27 =	vadd.f32 v28, v27;
	_ =	sdelay $0x1  }
0x19c: {  	v27 =	vadd.f32 v30, v27  }
0x19d: {  	vm3 =	vlt.s32 v13, $0x30  }
0x19e: {  	vm2 =	vmand vm3, vm2;
	vm3 =	vle.f32 v27, $4.900000060e-03  }
0x19f: {  	vm3 =	vmand vm2, vm3  }
0x1a0: {  	v28 =	vadd.s32 v9, v13;
	_ =	sdelay $0x1  }
0x1a1: {  	v22 =	vand.u32 $0x4, v22  }
0x1a2: {  	p2 =	sne.s32 s16, $0x2;
	v30 =	vor.u32 v22, v23;
	v22 =	vsel vm3, $0x1, v5  }
.Ltmp15:
0x1a3: {  	v23 =	vadd.s32 s17, v20;
	v27 =	vor.u32 $0x1, v30;
	v13 =	vadd.s32 v22, v13;
	(pc) =	sbr.rel @!p2 .LBB2_21-.Ltmp15, $4  }
0x1a4: {  	vm2 =	vlt.s32 v23, v21;
	v22 =	vshll.u32 v13, $0x2;
	[tilespmem:v28+s26+$0x0] =	vst.idx.msk vm3, v26;
	v28 =	vor.u32 $0x2, v30  }
0x1a5: {  	v22 =	vadd.s32 v4, v22;
	v26 =	vnsel vm2, $0x0, v23  }
0x1a6: {  	v31 =	vadd.s32 v10, v22  }
0x1a7: {  	p1 =	por $0x1, $0x1;
	s17 =	simm.s32 $0x2;
	v23 =	vand.u32 $0xFFFFFFF8, v31;
	[tilespmem:v30+s28+$0x0] =	vst.idx.msk vm3, v29  }
.LBB2_20:
0x1a8: {  	[tilespmem:v27+s28+$0x0] =	vst.idx.msk vm3, v24;
	s5 =	smov.u32 s17;
	s17 =	sadd.s32 $0x1, s17  }
0x1a9: {  	p2 =	sne.s32 s16, s17;
	[tilespmem:v28+s28+$0x0] =	vst.idx.msk vm3, v25  }
0x1aa: {  	v29 =	vld.idx.msk [tilespmem:v26+s24+$0x0], $0xffff;
	_ =	sdelay $0x7  }
0x1ab: {  	v30 =	vld.idx.msk [tilespmem:v29+s21+$0x0], $0xffff  }
0x1ac: {  	v24 =	vld.idx.msk [tilespmem:v29+s22+$0x0], $0xffff  }
0x1ad: {  	v25 =	vld.idx.msk [tilespmem:v29+s23+$0x0], $0xffff;
	_ =	sdelay $0x3  }
0x1ae: {  	v26 =	vsub.f32 v30, v6  }
0x1af: {  	v27 =	vsub.f32 v24, v7  }
0x1b0: {  	v28 =	vsub.f32 v25, v8;
	v26 =	vmul.f32 v26, v26  }
0x1b1: {  	v27 =	vmul.f32 v27, v27  }
0x1b2: {  	v28 =	vmul.f32 v28, v28  }
0x1b3: {  	v26 =	vadd.f32 v27, v26;
	_ =	sdelay $0x1  }
0x1b4: {  	vm3 =	vlt.s32 v13, $0x30;
	v26 =	vadd.f32 v28, v26  }
0x1b5: {  	vm2 =	vmand vm3, vm2  }
0x1b6: {  	vm3 =	vle.f32 v26, $4.900000060e-03  }
0x1b7: {  	v31 =	vadd.s32 v9, v13;
	v22 =	vand.u32 $0x4, v22;
	vm3 =	vmand vm2, vm3  }
0x1b8: {  	v32 =	vor.u32 v22, v23;
	v22 =	vsel vm3, $0x1, v5  }
0x1b9: {  	v27 =	vor.u32 $0x1, v32;
	v13 =	vadd.s32 v22, v13  }
.Ltmp16:
0x1ba: {  	v23 =	vadd.s32 s5, v20;
	v28 =	vor.u32 $0x2, v32;
	v22 =	vshll.u32 v13, $0x2;
	(pc) =	sbr.rel @p2 .LBB2_20-.Ltmp16, $4  }
0x1bb: {  	vm2 =	vlt.s32 v23, v21;
	v22 =	vadd.s32 v4, v22  }
0x1bc: {  	v26 =	vnsel vm2, $0x0, v23;
	v23 =	vadd.s32 v10, v22  }
0x1bd: {  	v23 =	vand.u32 $0xFFFFFFF8, v23;
	[tilespmem:v31+s26+$0x0] =	vst.idx.msk vm3, v29  }
0x1be: {  	[tilespmem:v32+s28+$0x0] =	vst.idx.msk vm3, v30  }
.LBB2_21:
0x1bf: {  	_ =	sdelay $0x4  }
0x1c0: {  	[tilespmem:v27+s28+$0x0] =	vst.idx.msk @p1 vm3, v24  }
0x1c1: {  	[tilespmem:v28+s28+$0x0] =	vst.idx.msk @p1 vm3, v25  }
0x1c2: {  	v20 =	vld.idx.msk [tilespmem:v26+s24+$0x0], $0xffff;
	_ =	sdelay $0x7  }
0x1c3: {  	v21 =	vld.idx.msk [tilespmem:v20+s21+$0x0], $0xffff  }
0x1c4: {  	v24 =	vld.idx.msk [tilespmem:v20+s22+$0x0], $0xffff;
	_ =	sdelay $0x1  }
0x1c5: {  	v25 =	vld.idx.msk [tilespmem:v20+s23+$0x0], $0xffff;
	_ =	sdelay $0x2  }
0x1c6: {  	v59 =	vsub.f32 v21, v6;
	v60 =	vsub.f32 v24, v7;
	_ =	sdelay $0x1  }
0x1c7: {  	v61 =	vsub.f32 v25, v8;
	v26 =	vmul.f32 v59, v59;
	v27 =	vmul.f32 v60, v60;
	_ =	sdelay $0x1  }
0x1c8: {  	v28 =	vmul.f32 v61, v61;
	v26 =	vadd.f32 v27, v26;
	_ =	sdelay $0x1  }
0x1c9: {  	v26 =	vadd.f32 v28, v26  }
0x1ca: {  	vm3 =	vlt.s32 v13, $0x30  }
0x1cb: {  	vm2 =	vmand vm3, vm2;
	vm3 =	vle.f32 v26, $4.900000060e-03  }
0x1cc: {  	vm2 =	vmand vm2, vm3  }
0x1cd: {  	v62 =	vadd.s32 v9, v13;
	v22 =	vand.u32 $0x4, v22  }
0x1ce: {  	v22 =	vor.u32 v22, v23  }
0x1cf: {  	v23 =	vor.u32 $0x1, v22  }
0x1d0: {  	v63 =	vor.u32 $0x2, v22;
	_ =	sdelay $0x1  }
0x1d1: {  	[tilespmem:v62+s26+$0x0] =	vst.idx.msk vm2, v20  }
0x1d2: {  	[tilespmem:v22+s28+$0x0] =	vst.idx.msk vm2, v21  }
0x1d3: {  	v20 =	vsel vm2, $0x1, v5;
	[tilespmem:v23+s28+$0x0] =	vst.idx.msk vm2, v24  }
0x1d4: {  	v13 =	vadd.s32 v20, v13;
	[tilespmem:v63+s28+$0x0] =	vst.idx.msk vm2, v25  }
.LBB2_22:
0x1d5: {  	v19 =	vmul.u32 $0xE, v19;
	_ =	sdelay $0x1  }
0x1d6: {  	v20 =	vadd.s32 v19, v17  }
0x1d7: {  	v20 =	vmul.u32 $0xE, v20;
	_ =	sdelay $0x1  }
0x1d8: {  	v21 =	vadd.s32 v11, v20  }
0x1d9: {  	v20 =	vadd.s32 v20, v12;
	_ =	sdelay $0x3  }
0x1da: {  	v21 =	vld.idx.msk [tilespmem:v21+s25+$0x0], $0xffff  }
0x1db: {  	v22 =	vld.idx.msk [tilespmem:v20+s25+$0x0], $0xffff;
	_ =	sdelay $0x4  }
0x1dc: {  	v20 =	vnsel vm0, $0x0, v21;
	v21 =	vnsel vm0, $0x0, v22  }
0x1dd: {  	v22 =	vsub.s32 v21, v20  }
0x1de: {  	v22 =	vxor.u32 $0x80000000, v22  }
0x1df: {  	(xrf0) =	vmax.scan.msk.u32 $0xffff, v22;
	_ =	sdelay $0x5  }
0x1e0: {  	v22, _, _ =	vpop (xrf0)  }
0x1e1: {  	(v2sf) =	vpush v22, $0xF;
	_ =	sdelay $0xe  }
0x1e2: {  	s5 =	spop (v2sf)  }
0x1e3: {  	s16 =	sxor.u32 $0x80000000, s5  }
0x1e4: {  	p1 =	slt.s32 s16, $0x1  }
.Ltmp17:
0x1e5: {  	_ = 	snop;
	(pc) =	sbr.rel @p1 .LBB2_28-.Ltmp17, $1  }
0x1e6: {  	_ =	sdelay $0x3  }
0x1e7: {  	p2 =	sne.s32 s16, $0x1  }
.Ltmp18:
0x1e8: {  	_ = 	snop;
	(pc) =	sbr.rel @!p2 .LBB2_24-.Ltmp18, $4  }
0x1e9: {  	s5 =	simm.s32 $0x0;
	v22 =	vshll.u32 v13, $0x2  }
0x1ea: {  	v23 =	vadd.s32 s5, v20;
	v22 =	vadd.s32 v4, v22  }
0x1eb: {  	vm2 =	vlt.s32 v23, v21;
	v24 =	vadd.s32 v10, v22  }
0x1ec: {  	s17 =	simm.s32 $0x1;
	p1 =	por $0x0, $0x0;
	v26 =	vnsel vm2, $0x0, v23;
	v23 =	vand.u32 $0xFFFFFFF8, v24  }
0x1ed: {  	_ =	sdelay $0x3  }
0x1ee: {  	v26 =	vld.idx.msk [tilespmem:v26+s24+$0x0], $0xffff;
	_ =	sdelay $0x7  }
0x1ef: {  	v29 =	vld.idx.msk [tilespmem:v26+s21+$0x0], $0xffff  }
0x1f0: {  	v24 =	vld.idx.msk [tilespmem:v26+s22+$0x0], $0xffff;
	_ =	sdelay $0x1  }
0x1f1: {  	v25 =	vld.idx.msk [tilespmem:v26+s23+$0x0], $0xffff;
	_ =	sdelay $0x2  }
0x1f2: {  	v27 =	vsub.f32 v29, v6;
	v28 =	vsub.f32 v24, v7;
	_ =	sdelay $0x1  }
0x1f3: {  	v30 =	vsub.f32 v25, v8;
	v27 =	vmul.f32 v27, v27;
	v28 =	vmul.f32 v28, v28;
	_ =	sdelay $0x1  }
0x1f4: {  	v30 =	vmul.f32 v30, v30;
	v27 =	vadd.f32 v28, v27;
	_ =	sdelay $0x1  }
0x1f5: {  	v27 =	vadd.f32 v30, v27  }
0x1f6: {  	vm3 =	vlt.s32 v13, $0x30  }
0x1f7: {  	vm2 =	vmand vm3, vm2;
	vm3 =	vle.f32 v27, $4.900000060e-03  }
0x1f8: {  	vm3 =	vmand vm2, vm3  }
0x1f9: {  	v28 =	vadd.s32 v9, v13;
	_ =	sdelay $0x1  }
0x1fa: {  	v22 =	vand.u32 $0x4, v22  }
0x1fb: {  	p2 =	sne.s32 s16, $0x2;
	v30 =	vor.u32 v22, v23;
	v22 =	vsel vm3, $0x1, v5  }
.Ltmp19:
0x1fc: {  	v23 =	vadd.s32 s17, v20;
	v27 =	vor.u32 $0x1, v30;
	v13 =	vadd.s32 v22, v13;
	(pc) =	sbr.rel @!p2 .LBB2_27-.Ltmp19, $4  }
0x1fd: {  	vm2 =	vlt.s32 v23, v21;
	v22 =	vshll.u32 v13, $0x2;
	[tilespmem:v28+s26+$0x0] =	vst.idx.msk vm3, v26;
	v28 =	vor.u32 $0x2, v30  }
0x1fe: {  	v22 =	vadd.s32 v4, v22;
	v26 =	vnsel vm2, $0x0, v23  }
0x1ff: {  	v31 =	vadd.s32 v10, v22  }
0x200: {  	p1 =	por $0x1, $0x1;
	s17 =	simm.s32 $0x2;
	v23 =	vand.u32 $0xFFFFFFF8, v31;
	[tilespmem:v30+s28+$0x0] =	vst.idx.msk vm3, v29  }
.LBB2_26:
0x201: {  	[tilespmem:v27+s28+$0x0] =	vst.idx.msk vm3, v24;
	s5 =	smov.u32 s17;
	s17 =	sadd.s32 $0x1, s17  }
0x202: {  	p2 =	sne.s32 s16, s17;
	[tilespmem:v28+s28+$0x0] =	vst.idx.msk vm3, v25  }
0x203: {  	v29 =	vld.idx.msk [tilespmem:v26+s24+$0x0], $0xffff;
	_ =	sdelay $0x7  }
0x204: {  	v30 =	vld.idx.msk [tilespmem:v29+s21+$0x0], $0xffff  }
0x205: {  	v24 =	vld.idx.msk [tilespmem:v29+s22+$0x0], $0xffff  }
0x206: {  	v25 =	vld.idx.msk [tilespmem:v29+s23+$0x0], $0xffff;
	_ =	sdelay $0x3  }
0x207: {  	v26 =	vsub.f32 v30, v6  }
0x208: {  	v27 =	vsub.f32 v24, v7  }
0x209: {  	v28 =	vsub.f32 v25, v8;
	v26 =	vmul.f32 v26, v26  }
0x20a: {  	v27 =	vmul.f32 v27, v27  }
0x20b: {  	v28 =	vmul.f32 v28, v28  }
0x20c: {  	v26 =	vadd.f32 v27, v26;
	_ =	sdelay $0x1  }
0x20d: {  	vm3 =	vlt.s32 v13, $0x30;
	v26 =	vadd.f32 v28, v26  }
0x20e: {  	vm2 =	vmand vm3, vm2  }
0x20f: {  	vm3 =	vle.f32 v26, $4.900000060e-03  }
0x210: {  	v31 =	vadd.s32 v9, v13;
	v22 =	vand.u32 $0x4, v22;
	vm3 =	vmand vm2, vm3  }
0x211: {  	v32 =	vor.u32 v22, v23;
	v22 =	vsel vm3, $0x1, v5  }
0x212: {  	v27 =	vor.u32 $0x1, v32;
	v13 =	vadd.s32 v22, v13  }
.Ltmp20:
0x213: {  	v23 =	vadd.s32 s5, v20;
	v28 =	vor.u32 $0x2, v32;
	v22 =	vshll.u32 v13, $0x2;
	(pc) =	sbr.rel @p2 .LBB2_26-.Ltmp20, $4  }
0x214: {  	vm2 =	vlt.s32 v23, v21;
	v22 =	vadd.s32 v4, v22  }
0x215: {  	v26 =	vnsel vm2, $0x0, v23;
	v23 =	vadd.s32 v10, v22  }
0x216: {  	v23 =	vand.u32 $0xFFFFFFF8, v23;
	[tilespmem:v31+s26+$0x0] =	vst.idx.msk vm3, v29  }
0x217: {  	[tilespmem:v32+s28+$0x0] =	vst.idx.msk vm3, v30  }
.LBB2_27:
0x218: {  	_ =	sdelay $0x4  }
0x219: {  	[tilespmem:v27+s28+$0x0] =	vst.idx.msk @p1 vm3, v24  }
0x21a: {  	[tilespmem:v28+s28+$0x0] =	vst.idx.msk @p1 vm3, v25  }
0x21b: {  	v20 =	vld.idx.msk [tilespmem:v26+s24+$0x0], $0xffff;
	_ =	sdelay $0x7  }
0x21c: {  	v21 =	vld.idx.msk [tilespmem:v20+s21+$0x0], $0xffff  }
0x21d: {  	v24 =	vld.idx.msk [tilespmem:v20+s22+$0x0], $0xffff;
	_ =	sdelay $0x1  }
0x21e: {  	v25 =	vld.idx.msk [tilespmem:v20+s23+$0x0], $0xffff;
	_ =	sdelay $0x2  }
0x21f: {  	v59 =	vsub.f32 v21, v6;
	v60 =	vsub.f32 v24, v7;
	_ =	sdelay $0x1  }
0x220: {  	v61 =	vsub.f32 v25, v8;
	v26 =	vmul.f32 v59, v59;
	v27 =	vmul.f32 v60, v60;
	_ =	sdelay $0x1  }
0x221: {  	v28 =	vmul.f32 v61, v61;
	v26 =	vadd.f32 v27, v26;
	_ =	sdelay $0x1  }
0x222: {  	v26 =	vadd.f32 v28, v26  }
0x223: {  	vm3 =	vlt.s32 v13, $0x30  }
0x224: {  	vm2 =	vmand vm3, vm2;
	vm3 =	vle.f32 v26, $4.900000060e-03  }
0x225: {  	vm2 =	vmand vm2, vm3  }
0x226: {  	v62 =	vadd.s32 v9, v13;
	v22 =	vand.u32 $0x4, v22  }
0x227: {  	v22 =	vor.u32 v22, v23  }
0x228: {  	v23 =	vor.u32 $0x1, v22  }
0x229: {  	v63 =	vor.u32 $0x2, v22;
	_ =	sdelay $0x1  }
0x22a: {  	[tilespmem:v62+s26+$0x0] =	vst.idx.msk vm2, v20  }
0x22b: {  	[tilespmem:v22+s28+$0x0] =	vst.idx.msk vm2, v21  }
0x22c: {  	v20 =	vsel vm2, $0x1, v5;
	[tilespmem:v23+s28+$0x0] =	vst.idx.msk vm2, v24  }
0x22d: {  	v13 =	vadd.s32 v20, v13;
	[tilespmem:v63+s28+$0x0] =	vst.idx.msk vm2, v25  }
.LBB2_28:
0x22e: {  	v20 =	vadd.s32 v14, v19  }
0x22f: {  	v20 =	vmul.u32 $0xE, v20;
	_ =	sdelay $0x1  }
0x230: {  	v21 =	vadd.s32 v11, v20  }
0x231: {  	v22 =	vadd.s32 v20, v12;
	_ =	sdelay $0x3  }
0x232: {  	v20 =	vld.idx.msk [tilespmem:v21+s25+$0x0], $0xffff  }
0x233: {  	v21 =	vld.idx.msk [tilespmem:v22+s25+$0x0], $0xffff;
	_ =	sdelay $0x4  }
0x234: {  	v22 =	vsub.s32 v21, v20  }
0x235: {  	v22 =	vxor.u32 $0x80000000, v22  }
0x236: {  	(xrf0) =	vmax.scan.msk.u32 $0xffff, v22;
	_ =	sdelay $0x5  }
0x237: {  	v22, _, _ =	vpop (xrf0)  }
0x238: {  	(v2sf) =	vpush v22, $0xF;
	_ =	sdelay $0xe  }
0x239: {  	s5 =	spop (v2sf)  }
0x23a: {  	s16 =	sxor.u32 $0x80000000, s5  }
0x23b: {  	p1 =	slt.s32 s16, $0x1  }
.Ltmp21:
0x23c: {  	_ = 	snop;
	(pc) =	sbr.rel @p1 .LBB2_34-.Ltmp21, $1  }
0x23d: {  	_ =	sdelay $0x3  }
0x23e: {  	p2 =	sne.s32 s16, $0x1  }
.Ltmp22:
0x23f: {  	_ = 	snop;
	(pc) =	sbr.rel @!p2 .LBB2_30-.Ltmp22, $4  }
0x240: {  	s5 =	simm.s32 $0x0;
	v22 =	vshll.u32 v13, $0x2  }
0x241: {  	v23 =	vadd.s32 s5, v20;
	v22 =	vadd.s32 v4, v22  }
0x242: {  	vm2 =	vlt.s32 v23, v21;
	v24 =	vadd.s32 v10, v22  }
0x243: {  	s17 =	simm.s32 $0x1;
	p1 =	por $0x0, $0x0;
	v26 =	vnsel vm2, $0x0, v23;
	v23 =	vand.u32 $0xFFFFFFF8, v24  }
0x244: {  	_ =	sdelay $0x3  }
0x245: {  	v26 =	vld.idx.msk [tilespmem:v26+s24+$0x0], $0xffff;
	_ =	sdelay $0x7  }
0x246: {  	v29 =	vld.idx.msk [tilespmem:v26+s21+$0x0], $0xffff  }
0x247: {  	v24 =	vld.idx.msk [tilespmem:v26+s22+$0x0], $0xffff;
	_ =	sdelay $0x1  }
0x248: {  	v25 =	vld.idx.msk [tilespmem:v26+s23+$0x0], $0xffff;
	_ =	sdelay $0x2  }
0x249: {  	v27 =	vsub.f32 v29, v6;
	v28 =	vsub.f32 v24, v7;
	_ =	sdelay $0x1  }
0x24a: {  	v30 =	vsub.f32 v25, v8;
	v27 =	vmul.f32 v27, v27;
	v28 =	vmul.f32 v28, v28;
	_ =	sdelay $0x1  }
0x24b: {  	v30 =	vmul.f32 v30, v30;
	v27 =	vadd.f32 v28, v27;
	_ =	sdelay $0x1  }
0x24c: {  	v27 =	vadd.f32 v30, v27  }
0x24d: {  	vm3 =	vlt.s32 v13, $0x30  }
0x24e: {  	vm2 =	vmand vm3, vm2;
	vm3 =	vle.f32 v27, $4.900000060e-03  }
0x24f: {  	vm3 =	vmand vm2, vm3  }
0x250: {  	v28 =	vadd.s32 v9, v13;
	_ =	sdelay $0x1  }
0x251: {  	v22 =	vand.u32 $0x4, v22  }
0x252: {  	p2 =	sne.s32 s16, $0x2;
	v30 =	vor.u32 v22, v23;
	v22 =	vsel vm3, $0x1, v5  }
.Ltmp23:
0x253: {  	v23 =	vadd.s32 s17, v20;
	v27 =	vor.u32 $0x1, v30;
	v13 =	vadd.s32 v22, v13;
	(pc) =	sbr.rel @!p2 .LBB2_33-.Ltmp23, $4  }
0x254: {  	vm2 =	vlt.s32 v23, v21;
	v22 =	vshll.u32 v13, $0x2;
	[tilespmem:v28+s26+$0x0] =	vst.idx.msk vm3, v26;
	v28 =	vor.u32 $0x2, v30  }
0x255: {  	v22 =	vadd.s32 v4, v22;
	v26 =	vnsel vm2, $0x0, v23  }
0x256: {  	v31 =	vadd.s32 v10, v22  }
0x257: {  	p1 =	por $0x1, $0x1;
	s17 =	simm.s32 $0x2;
	v23 =	vand.u32 $0xFFFFFFF8, v31;
	[tilespmem:v30+s28+$0x0] =	vst.idx.msk vm3, v29  }
.LBB2_32:
0x258: {  	[tilespmem:v27+s28+$0x0] =	vst.idx.msk vm3, v24;
	s5 =	smov.u32 s17;
	s17 =	sadd.s32 $0x1, s17  }
0x259: {  	p2 =	sne.s32 s16, s17;
	[tilespmem:v28+s28+$0x0] =	vst.idx.msk vm3, v25  }
0x25a: {  	v29 =	vld.idx.msk [tilespmem:v26+s24+$0x0], $0xffff;
	_ =	sdelay $0x7  }
0x25b: {  	v30 =	vld.idx.msk [tilespmem:v29+s21+$0x0], $0xffff  }
0x25c: {  	v24 =	vld.idx.msk [tilespmem:v29+s22+$0x0], $0xffff  }
0x25d: {  	v25 =	vld.idx.msk [tilespmem:v29+s23+$0x0], $0xffff;
	_ =	sdelay $0x3  }
0x25e: {  	v26 =	vsub.f32 v30, v6  }
0x25f: {  	v27 =	vsub.f32 v24, v7  }
0x260: {  	v28 =	vsub.f32 v25, v8;
	v26 =	vmul.f32 v26, v26  }
0x261: {  	v27 =	vmul.f32 v27, v27  }
0x262: {  	v28 =	vmul.f32 v28, v28  }
0x263: {  	v26 =	vadd.f32 v27, v26;
	_ =	sdelay $0x1  }
0x264: {  	vm3 =	vlt.s32 v13, $0x30;
	v26 =	vadd.f32 v28, v26  }
0x265: {  	vm2 =	vmand vm3, vm2  }
0x266: {  	vm3 =	vle.f32 v26, $4.900000060e-03  }
0x267: {  	v31 =	vadd.s32 v9, v13;
	v22 =	vand.u32 $0x4, v22;
	vm3 =	vmand vm2, vm3  }
0x268: {  	v32 =	vor.u32 v22, v23;
	v22 =	vsel vm3, $0x1, v5  }
0x269: {  	v27 =	vor.u32 $0x1, v32;
	v13 =	vadd.s32 v22, v13  }
.Ltmp24:
0x26a: {  	v23 =	vadd.s32 s5, v20;
	v28 =	vor.u32 $0x2, v32;
	v22 =	vshll.u32 v13, $0x2;
	(pc) =	sbr.rel @p2 .LBB2_32-.Ltmp24, $4  }
0x26b: {  	vm2 =	vlt.s32 v23, v21;
	v22 =	vadd.s32 v4, v22  }
0x26c: {  	v26 =	vnsel vm2, $0x0, v23;
	v23 =	vadd.s32 v10, v22  }
0x26d: {  	v23 =	vand.u32 $0xFFFFFFF8, v23;
	[tilespmem:v31+s26+$0x0] =	vst.idx.msk vm3, v29  }
0x26e: {  	[tilespmem:v32+s28+$0x0] =	vst.idx.msk vm3, v30  }
.LBB2_33:
0x26f: {  	_ =	sdelay $0x4  }
0x270: {  	[tilespmem:v27+s28+$0x0] =	vst.idx.msk @p1 vm3, v24  }
0x271: {  	[tilespmem:v28+s28+$0x0] =	vst.idx.msk @p1 vm3, v25  }
0x272: {  	v20 =	vld.idx.msk [tilespmem:v26+s24+$0x0], $0xffff;
	_ =	sdelay $0x7  }
0x273: {  	v21 =	vld.idx.msk [tilespmem:v20+s21+$0x0], $0xffff  }
0x274: {  	v24 =	vld.idx.msk [tilespmem:v20+s22+$0x0], $0xffff;
	_ =	sdelay $0x1  }
0x275: {  	v25 =	vld.idx.msk [tilespmem:v20+s23+$0x0], $0xffff;
	_ =	sdelay $0x2  }
0x276: {  	v59 =	vsub.f32 v21, v6;
	v60 =	vsub.f32 v24, v7;
	_ =	sdelay $0x1  }
0x277: {  	v61 =	vsub.f32 v25, v8;
	v26 =	vmul.f32 v59, v59;
	v27 =	vmul.f32 v60, v60;
	_ =	sdelay $0x1  }
0x278: {  	v28 =	vmul.f32 v61, v61;
	v26 =	vadd.f32 v27, v26;
	_ =	sdelay $0x1  }
0x279: {  	v26 =	vadd.f32 v28, v26  }
0x27a: {  	vm3 =	vlt.s32 v13, $0x30  }
0x27b: {  	vm2 =	vmand vm3, vm2;
	vm3 =	vle.f32 v26, $4.900000060e-03  }
0x27c: {  	vm2 =	vmand vm2, vm3  }
0x27d: {  	v62 =	vadd.s32 v9, v13;
	v22 =	vand.u32 $0x4, v22  }
0x27e: {  	v22 =	vor.u32 v22, v23  }
0x27f: {  	v23 =	vor.u32 $0x1, v22  }
0x280: {  	v63 =	vor.u32 $0x2, v22;
	_ =	sdelay $0x1  }
0x281: {  	[tilespmem:v62+s26+$0x0] =	vst.idx.msk vm2, v20  }
0x282: {  	[tilespmem:v22+s28+$0x0] =	vst.idx.msk vm2, v21  }
0x283: {  	v20 =	vsel vm2, $0x1, v5;
	[tilespmem:v23+s28+$0x0] =	vst.idx.msk vm2, v24  }
0x284: {  	v13 =	vadd.s32 v20, v13;
	[tilespmem:v63+s28+$0x0] =	vst.idx.msk vm2, v25  }
.LBB2_34:
0x285: {  	v19 =	vadd.s32 v19, v18  }
0x286: {  	v19 =	vmul.u32 $0xE, v19;
	_ =	sdelay $0x1  }
0x287: {  	v20 =	vadd.s32 v11, v19  }
0x288: {  	v19 =	vadd.s32 v19, v12;
	_ =	sdelay $0x3  }
0x289: {  	v20 =	vld.idx.msk [tilespmem:v20+s25+$0x0], $0xffff  }
0x28a: {  	v21 =	vld.idx.msk [tilespmem:v19+s25+$0x0], $0xffff;
	_ =	sdelay $0x4  }
0x28b: {  	v19 =	vnsel vm1, $0x0, v20;
	v20 =	vnsel vm1, $0x0, v21  }
0x28c: {  	v21 =	vsub.s32 v20, v19  }
0x28d: {  	v21 =	vxor.u32 $0x80000000, v21  }
0x28e: {  	(xrf0) =	vmax.scan.msk.u32 $0xffff, v21;
	_ =	sdelay $0x5  }
0x28f: {  	v21, _, _ =	vpop (xrf0)  }
0x290: {  	(v2sf) =	vpush v21, $0xF;
	_ =	sdelay $0xe  }
0x291: {  	s5 =	spop (v2sf)  }
0x292: {  	s16 =	sxor.u32 $0x80000000, s5  }
0x293: {  	p1 =	slt.s32 s16, $0x1  }
.Ltmp25:
0x294: {  	_ = 	snop;
	(pc) =	sbr.rel @p1 .LBB2_40-.Ltmp25, $1  }
0x295: {  	_ =	sdelay $0x3  }
0x296: {  	p2 =	sne.s32 s16, $0x1  }
.Ltmp26:
0x297: {  	_ = 	snop;
	(pc) =	sbr.rel @!p2 .LBB2_36-.Ltmp26, $4  }
0x298: {  	s5 =	simm.s32 $0x0;
	v21 =	vshll.u32 v13, $0x2  }
0x299: {  	v22 =	vadd.s32 s5, v19;
	v21 =	vadd.s32 v4, v21  }
0x29a: {  	vm2 =	vlt.s32 v22, v20;
	v23 =	vadd.s32 v10, v21  }
0x29b: {  	s17 =	simm.s32 $0x1;
	p1 =	por $0x0, $0x0;
	v25 =	vnsel vm2, $0x0, v22;
	v22 =	vand.u32 $0xFFFFFFF8, v23  }
0x29c: {  	_ =	sdelay $0x3  }
0x29d: {  	v25 =	vld.idx.msk [tilespmem:v25+s24+$0x0], $0xffff;
	_ =	sdelay $0x7  }
0x29e: {  	v28 =	vld.idx.msk [tilespmem:v25+s21+$0x0], $0xffff  }
0x29f: {  	v23 =	vld.idx.msk [tilespmem:v25+s22+$0x0], $0xffff;
	_ =	sdelay $0x1  }
0x2a0: {  	v24 =	vld.idx.msk [tilespmem:v25+s23+$0x0], $0xffff;
	_ =	sdelay $0x2  }
0x2a1: {  	v26 =	vsub.f32 v28, v6;
	v27 =	vsub.f32 v23, v7;
	_ =	sdelay $0x1  }
0x2a2: {  	v29 =	vsub.f32 v24, v8;
	v26 =	vmul.f32 v26, v26;
	v27 =	vmul.f32 v27, v27;
	_ =	sdelay $0x1  }
0x2a3: {  	v29 =	vmul.f32 v29, v29;
	v26 =	vadd.f32 v27, v26;
	_ =	sdelay $0x1  }
0x2a4: {  	v26 =	vadd.f32 v29, v26  }
0x2a5: {  	vm3 =	vlt.s32 v13, $0x30  }
0x2a6: {  	vm2 =	vmand vm3, vm2;
	vm3 =	vle.f32 v26, $4.900000060e-03  }
0x2a7: {  	vm3 =	vmand vm2, vm3  }
0x2a8: {  	v27 =	vadd.s32 v9, v13;
	_ =	sdelay $0x1  }
0x2a9: {  	v21 =	vand.u32 $0x4, v21  }
0x2aa: {  	p2 =	sne.s32 s16, $0x2;
	v29 =	vor.u32 v21, v22;
	v21 =	vsel vm3, $0x1, v5  }
.Ltmp27:
0x2ab: {  	v22 =	vadd.s32 s17, v19;
	v26 =	vor.u32 $0x1, v29;
	v13 =	vadd.s32 v21, v13;
	(pc) =	sbr.rel @!p2 .LBB2_39-.Ltmp27, $4  }
0x2ac: {  	vm2 =	vlt.s32 v22, v20;
	v21 =	vshll.u32 v13, $0x2;
	[tilespmem:v27+s26+$0x0] =	vst.idx.msk vm3, v25;
	v27 =	vor.u32 $0x2, v29  }
0x2ad: {  	v21 =	vadd.s32 v4, v21;
	v25 =	vnsel vm2, $0x0, v22  }
0x2ae: {  	v30 =	vadd.s32 v10, v21  }
0x2af: {  	p1 =	por $0x1, $0x1;
	s17 =	simm.s32 $0x2;
	v22 =	vand.u32 $0xFFFFFFF8, v30;
	[tilespmem:v29+s28+$0x0] =	vst.idx.msk vm3, v28  }
.LBB2_38:
0x2b0: {  	[tilespmem:v26+s28+$0x0] =	vst.idx.msk vm3, v23;
	s5 =	smov.u32 s17;
	s17 =	sadd.s32 $0x1, s17  }
0x2b1: {  	p2 =	sne.s32 s16, s17;
	[tilespmem:v27+s28+$0x0] =	vst.idx.msk vm3, v24  }
0x2b2: {  	v28 =	vld.idx.msk [tilespmem:v25+s24+$0x0], $0xffff;
	_ =	sdelay $0x7  }
0x2b3: {  	v29 =	vld.idx.msk [tilespmem:v28+s21+$0x0], $0xffff  }
0x2b4: {  	v23 =	vld.idx.msk [tilespmem:v28+s22+$0x0], $0xffff  }
0x2b5: {  	v24 =	vld.idx.msk [tilespmem:v28+s23+$0x0], $0xffff;
	_ =	sdelay $0x3  }
0x2b6: {  	v25 =	vsub.f32 v29, v6  }
0x2b7: {  	v26 =	vsub.f32 v23, v7  }
0x2b8: {  	v27 =	vsub.f32 v24, v8;
	v25 =	vmul.f32 v25, v25  }
0x2b9: {  	v26 =	vmul.f32 v26, v26  }
0x2ba: {  	v27 =	vmul.f32 v27, v27  }
0x2bb: {  	v25 =	vadd.f32 v26, v25;
	_ =	sdelay $0x1  }
0x2bc: {  	vm3 =	vlt.s32 v13, $0x30;
	v25 =	vadd.f32 v27, v25  }
0x2bd: {  	vm2 =	vmand vm3, vm2  }
0x2be: {  	vm3 =	vle.f32 v25, $4.900000060e-03  }
0x2bf: {  	v30 =	vadd.s32 v9, v13;
	v21 =	vand.u32 $0x4, v21;
	vm3 =	vmand vm2, vm3  }
0x2c0: {  	v31 =	vor.u32 v21, v22;
	v21 =	vsel vm3, $0x1, v5  }
0x2c1: {  	v26 =	vor.u32 $0x1, v31;
	v13 =	vadd.s32 v21, v13  }
.Ltmp28:
0x2c2: {  	v22 =	vadd.s32 s5, v19;
	v27 =	vor.u32 $0x2, v31;
	v21 =	vshll.u32 v13, $0x2;
	(pc) =	sbr.rel @p2 .LBB2_38-.Ltmp28, $4  }
0x2c3: {  	vm2 =	vlt.s32 v22, v20;
	v21 =	vadd.s32 v4, v21  }
0x2c4: {  	v25 =	vnsel vm2, $0x0, v22;
	v22 =	vadd.s32 v10, v21  }
0x2c5: {  	v22 =	vand.u32 $0xFFFFFFF8, v22;
	[tilespmem:v30+s26+$0x0] =	vst.idx.msk vm3, v28  }
0x2c6: {  	[tilespmem:v31+s28+$0x0] =	vst.idx.msk vm3, v29  }
.LBB2_39:
0x2c7: {  	_ =	sdelay $0x4  }
0x2c8: {  	[tilespmem:v26+s28+$0x0] =	vst.idx.msk @p1 vm3, v23  }
0x2c9: {  	[tilespmem:v27+s28+$0x0] =	vst.idx.msk @p1 vm3, v24  }
0x2ca: {  	v19 =	vld.idx.msk [tilespmem:v25+s24+$0x0], $0xffff;
	_ =	sdelay $0x7  }
0x2cb: {  	v20 =	vld.idx.msk [tilespmem:v19+s21+$0x0], $0xffff  }
0x2cc: {  	v23 =	vld.idx.msk [tilespmem:v19+s22+$0x0], $0xffff;
	_ =	sdelay $0x1  }
0x2cd: {  	v24 =	vld.idx.msk [tilespmem:v19+s23+$0x0], $0xffff;
	_ =	sdelay $0x2  }
0x2ce: {  	v59 =	vsub.f32 v20, v6;
	v60 =	vsub.f32 v23, v7;
	_ =	sdelay $0x1  }
0x2cf: {  	v61 =	vsub.f32 v24, v8;
	v25 =	vmul.f32 v59, v59;
	v26 =	vmul.f32 v60, v60;
	_ =	sdelay $0x1  }
0x2d0: {  	v27 =	vmul.f32 v61, v61;
	v25 =	vadd.f32 v26, v25;
	_ =	sdelay $0x1  }
0x2d1: {  	v25 =	vadd.f32 v27, v25  }
0x2d2: {  	vm3 =	vlt.s32 v13, $0x30  }
0x2d3: {  	vm2 =	vmand vm3, vm2;
	vm3 =	vle.f32 v25, $4.900000060e-03  }
0x2d4: {  	vm2 =	vmand vm2, vm3  }
0x2d5: {  	v62 =	vadd.s32 v9, v13;
	v21 =	vand.u32 $0x4, v21  }
0x2d6: {  	v21 =	vor.u32 v21, v22  }
0x2d7: {  	v22 =	vor.u32 $0x1, v21  }
0x2d8: {  	v63 =	vor.u32 $0x2, v21;
	_ =	sdelay $0x1  }
0x2d9: {  	[tilespmem:v62+s26+$0x0] =	vst.idx.msk vm2, v19  }
0x2da: {  	[tilespmem:v21+s28+$0x0] =	vst.idx.msk vm2, v20  }
0x2db: {  	v19 =	vsel vm2, $0x1, v5;
	[tilespmem:v22+s28+$0x0] =	vst.idx.msk vm2, v23  }
0x2dc: {  	v13 =	vadd.s32 v19, v13;
	[tilespmem:v63+s28+$0x0] =	vst.idx.msk vm2, v24  }
.LBB2_40:
0x2dd: {  	v16 =	vmin.u32 v16, $0xC  }
0x2de: {  	v16 =	vmul.u32 $0xE, v16;
	_ =	sdelay $0x1  }
0x2df: {  	v16 =	vadd.s32 $0xE, v16  }
0x2e0: {  	v17 =	vadd.s32 v16, v17  }
0x2e1: {  	v17 =	vmul.u32 $0xE, v17;
	_ =	sdelay $0x1  }
0x2e2: {  	v19 =	vadd.s32 v11, v17  }
0x2e3: {  	v17 =	vadd.s32 v17, v12;
	_ =	sdelay $0x3  }
0x2e4: {  	v19 =	vld.idx.msk [tilespmem:v19+s25+$0x0], $0xffff  }
0x2e5: {  	v17 =	vld.idx.msk [tilespmem:v17+s25+$0x0], $0xffff;
	_ =	sdelay $0x2  }
0x2e6: {  	vm2 =	vlt.s32 v15, $0xD  }
0x2e7: {  	vm0 =	vmand vm2, vm0  }
0x2e8: {  	v15 =	vnsel vm0, $0x0, v19;
	v17 =	vnsel vm0, $0x0, v17  }
0x2e9: {  	v19 =	vsub.s32 v17, v15  }
0x2ea: {  	v19 =	vxor.u32 $0x80000000, v19  }
0x2eb: {  	(xrf0) =	vmax.scan.msk.u32 $0xffff, v19;
	_ =	sdelay $0x5  }
0x2ec: {  	v19, _, _ =	vpop (xrf0)  }
0x2ed: {  	(v2sf) =	vpush v19, $0xF;
	_ =	sdelay $0xe  }
0x2ee: {  	s5 =	spop (v2sf)  }
0x2ef: {  	s16 =	sxor.u32 $0x80000000, s5  }
0x2f0: {  	p1 =	slt.s32 s16, $0x1  }
.Ltmp29:
0x2f1: {  	_ = 	snop;
	(pc) =	sbr.rel @p1 .LBB2_46-.Ltmp29, $1  }
0x2f2: {  	_ =	sdelay $0x3  }
0x2f3: {  	p2 =	sne.s32 s16, $0x1  }
.Ltmp30:
0x2f4: {  	_ = 	snop;
	(pc) =	sbr.rel @!p2 .LBB2_42-.Ltmp30, $4  }
0x2f5: {  	s5 =	simm.s32 $0x0;
	v19 =	vshll.u32 v13, $0x2  }
0x2f6: {  	v20 =	vadd.s32 s5, v15;
	v19 =	vadd.s32 v4, v19  }
0x2f7: {  	vm0 =	vlt.s32 v20, v17;
	v21 =	vadd.s32 v10, v19  }
0x2f8: {  	s17 =	simm.s32 $0x1;
	p1 =	por $0x0, $0x0;
	v23 =	vnsel vm0, $0x0, v20;
	v20 =	vand.u32 $0xFFFFFFF8, v21  }
0x2f9: {  	_ =	sdelay $0x3  }
0x2fa: {  	v23 =	vld.idx.msk [tilespmem:v23+s24+$0x0], $0xffff;
	_ =	sdelay $0x7  }
0x2fb: {  	v26 =	vld.idx.msk [tilespmem:v23+s21+$0x0], $0xffff  }
0x2fc: {  	v21 =	vld.idx.msk [tilespmem:v23+s22+$0x0], $0xffff;
	_ =	sdelay $0x1  }
0x2fd: {  	v22 =	vld.idx.msk [tilespmem:v23+s23+$0x0], $0xffff;
	_ =	sdelay $0x2  }
0x2fe: {  	v24 =	vsub.f32 v26, v6;
	v25 =	vsub.f32 v21, v7;
	_ =	sdelay $0x1  }
0x2ff: {  	v27 =	vsub.f32 v22, v8;
	v24 =	vmul.f32 v24, v24;
	v25 =	vmul.f32 v25, v25;
	_ =	sdelay $0x1  }
0x300: {  	v27 =	vmul.f32 v27, v27;
	v24 =	vadd.f32 v25, v24;
	_ =	sdelay $0x1  }
0x301: {  	v24 =	vadd.f32 v27, v24  }
0x302: {  	vm3 =	vlt.s32 v13, $0x30  }
0x303: {  	vm0 =	vmand vm3, vm0;
	vm3 =	vle.f32 v24, $4.900000060e-03  }
0x304: {  	vm3 =	vmand vm0, vm3  }
0x305: {  	v25 =	vadd.s32 v9, v13;
	_ =	sdelay $0x1  }
0x306: {  	v19 =	vand.u32 $0x4, v19  }
0x307: {  	p2 =	sne.s32 s16, $0x2;
	v27 =	vor.u32 v19, v20;
	v19 =	vsel vm3, $0x1, v5  }
.Ltmp31:
0x308: {  	v20 =	vadd.s32 s17, v15;
	v24 =	vor.u32 $0x1, v27;
	v13 =	vadd.s32 v19, v13;
	(pc) =	sbr.rel @!p2 .LBB2_45-.Ltmp31, $4  }
0x309: {  	vm0 =	vlt.s32 v20, v17;
	v19 =	vshll.u32 v13, $0x2;
	[tilespmem:v25+s26+$0x0] =	vst.idx.msk vm3, v23;
	v25 =	vor.u32 $0x2, v27  }
0x30a: {  	v19 =	vadd.s32 v4, v19;
	v23 =	vnsel vm0, $0x0, v20  }
0x30b: {  	v28 =	vadd.s32 v10, v19  }
0x30c: {  	p1 =	por $0x1, $0x1;
	s17 =	simm.s32 $0x2;
	v20 =	vand.u32 $0xFFFFFFF8, v28;
	[tilespmem:v27+s28+$0x0] =	vst.idx.msk vm3, v26  }
.LBB2_44:
0x30d: {  	[tilespmem:v24+s28+$0x0] =	vst.idx.msk vm3, v21;
	s5 =	smov.u32 s17;
	s17 =	sadd.s32 $0x1, s17  }
0x30e: {  	p2 =	sne.s32 s16, s17;
	[tilespmem:v25+s28+$0x0] =	vst.idx.msk vm3, v22  }
0x30f: {  	v26 =	vld.idx.msk [tilespmem:v23+s24+$0x0], $0xffff;
	_ =	sdelay $0x7  }
0x310: {  	v27 =	vld.idx.msk [tilespmem:v26+s21+$0x0], $0xffff  }
0x311: {  	v21 =	vld.idx.msk [tilespmem:v26+s22+$0x0], $0xffff  }
0x312: {  	v22 =	vld.idx.msk [tilespmem:v26+s23+$0x0], $0xffff;
	_ =	sdelay $0x3  }
0x313: {  	v23 =	vsub.f32 v27, v6  }
0x314: {  	v24 =	vsub.f32 v21, v7  }
0x315: {  	v25 =	vsub.f32 v22, v8;
	v23 =	vmul.f32 v23, v23  }
0x316: {  	v24 =	vmul.f32 v24, v24  }
0x317: {  	v25 =	vmul.f32 v25, v25  }
0x318: {  	v23 =	vadd.f32 v24, v23;
	_ =	sdelay $0x1  }
0x319: {  	vm3 =	vlt.s32 v13, $0x30;
	v23 =	vadd.f32 v25, v23  }
0x31a: {  	vm0 =	vmand vm3, vm0  }
0x31b: {  	vm3 =	vle.f32 v23, $4.900000060e-03  }
0x31c: {  	v28 =	vadd.s32 v9, v13;
	v19 =	vand.u32 $0x4, v19;
	vm3 =	vmand vm0, vm3  }
0x31d: {  	v29 =	vor.u32 v19, v20;
	v19 =	vsel vm3, $0x1, v5  }
0x31e: {  	v24 =	vor.u32 $0x1, v29;
	v13 =	vadd.s32 v19, v13  }
.Ltmp32:
0x31f: {  	v20 =	vadd.s32 s5, v15;
	v25 =	vor.u32 $0x2, v29;
	v19 =	vshll.u32 v13, $0x2;
	(pc) =	sbr.rel @p2 .LBB2_44-.Ltmp32, $4  }
0x320: {  	vm0 =	vlt.s32 v20, v17;
	v19 =	vadd.s32 v4, v19  }
0x321: {  	v23 =	vnsel vm0, $0x0, v20;
	v20 =	vadd.s32 v10, v19  }
0x322: {  	v20 =	vand.u32 $0xFFFFFFF8, v20;
	[tilespmem:v28+s26+$0x0] =	vst.idx.msk vm3, v26  }
0x323: {  	[tilespmem:v29+s28+$0x0] =	vst.idx.msk vm3, v27  }
.LBB2_45:
0x324: {  	_ =	sdelay $0x4  }
0x325: {  	[tilespmem:v24+s28+$0x0] =	vst.idx.msk @p1 vm3, v21  }
0x326: {  	[tilespmem:v25+s28+$0x0] =	vst.idx.msk @p1 vm3, v22  }
0x327: {  	v15 =	vld.idx.msk [tilespmem:v23+s24+$0x0], $0xffff;
	_ =	sdelay $0x7  }
0x328: {  	v17 =	vld.idx.msk [tilespmem:v15+s21+$0x0], $0xffff  }
0x329: {  	v21 =	vld.idx.msk [tilespmem:v15+s22+$0x0], $0xffff;
	_ =	sdelay $0x1  }
0x32a: {  	v22 =	vld.idx.msk [tilespmem:v15+s23+$0x0], $0xffff;
	_ =	sdelay $0x2  }
0x32b: {  	v59 =	vsub.f32 v17, v6;
	v60 =	vsub.f32 v21, v7;
	_ =	sdelay $0x1  }
0x32c: {  	v61 =	vsub.f32 v22, v8;
	v23 =	vmul.f32 v59, v59;
	v24 =	vmul.f32 v60, v60;
	_ =	sdelay $0x1  }
0x32d: {  	v25 =	vmul.f32 v61, v61;
	v23 =	vadd.f32 v24, v23;
	_ =	sdelay $0x1  }
0x32e: {  	v23 =	vadd.f32 v25, v23  }
0x32f: {  	vm3 =	vlt.s32 v13, $0x30  }
0x330: {  	vm0 =	vmand vm3, vm0;
	vm3 =	vle.f32 v23, $4.900000060e-03  }
0x331: {  	vm0 =	vmand vm0, vm3  }
0x332: {  	v62 =	vadd.s32 v9, v13;
	v19 =	vand.u32 $0x4, v19  }
0x333: {  	v19 =	vor.u32 v19, v20  }
0x334: {  	v20 =	vor.u32 $0x1, v19  }
0x335: {  	v63 =	vor.u32 $0x2, v19;
	_ =	sdelay $0x1  }
0x336: {  	[tilespmem:v62+s26+$0x0] =	vst.idx.msk vm0, v15  }
0x337: {  	[tilespmem:v19+s28+$0x0] =	vst.idx.msk vm0, v17  }
0x338: {  	v15 =	vsel vm0, $0x1, v5;
	[tilespmem:v20+s28+$0x0] =	vst.idx.msk vm0, v21  }
0x339: {  	v13 =	vadd.s32 v15, v13;
	[tilespmem:v63+s28+$0x0] =	vst.idx.msk vm0, v22  }
.LBB2_46:
0x33a: {  	v14 =	vadd.s32 v14, v16  }
0x33b: {  	v14 =	vmul.u32 $0xE, v14;
	_ =	sdelay $0x1  }
0x33c: {  	v15 =	vadd.s32 v11, v14  }
0x33d: {  	v14 =	vadd.s32 v14, v12;
	_ =	sdelay $0x3  }
0x33e: {  	v15 =	vld.idx.msk [tilespmem:v15+s25+$0x0], $0xffff  }
0x33f: {  	v17 =	vld.idx.msk [tilespmem:v14+s25+$0x0], $0xffff;
	_ =	sdelay $0x4  }
0x340: {  	v14 =	vnsel vm2, $0x0, v15;
	v15 =	vnsel vm2, $0x0, v17  }
0x341: {  	v17 =	vsub.s32 v15, v14  }
0x342: {  	v17 =	vxor.u32 $0x80000000, v17  }
0x343: {  	(xrf0) =	vmax.scan.msk.u32 $0xffff, v17;
	_ =	sdelay $0x5  }
0x344: {  	v17, _, _ =	vpop (xrf0)  }
0x345: {  	(v2sf) =	vpush v17, $0xF;
	_ =	sdelay $0xe  }
0x346: {  	s5 =	spop (v2sf)  }
0x347: {  	s16 =	sxor.u32 $0x80000000, s5  }
0x348: {  	p1 =	slt.s32 s16, $0x1  }
.Ltmp33:
0x349: {  	_ = 	snop;
	(pc) =	sbr.rel @p1 .LBB2_52-.Ltmp33, $1  }
0x34a: {  	_ =	sdelay $0x3  }
0x34b: {  	p2 =	sne.s32 s16, $0x1  }
.Ltmp34:
0x34c: {  	_ = 	snop;
	(pc) =	sbr.rel @!p2 .LBB2_48-.Ltmp34, $4  }
0x34d: {  	s5 =	simm.s32 $0x0;
	v17 =	vshll.u32 v13, $0x2  }
0x34e: {  	v19 =	vadd.s32 s5, v14;
	v17 =	vadd.s32 v4, v17  }
0x34f: {  	vm0 =	vlt.s32 v19, v15;
	v20 =	vadd.s32 v10, v17  }
0x350: {  	s17 =	simm.s32 $0x1;
	p1 =	por $0x0, $0x0;
	v22 =	vnsel vm0, $0x0, v19;
	v19 =	vand.u32 $0xFFFFFFF8, v20  }
0x351: {  	_ =	sdelay $0x3  }
0x352: {  	v22 =	vld.idx.msk [tilespmem:v22+s24+$0x0], $0xffff;
	_ =	sdelay $0x7  }
0x353: {  	v25 =	vld.idx.msk [tilespmem:v22+s21+$0x0], $0xffff  }
0x354: {  	v20 =	vld.idx.msk [tilespmem:v22+s22+$0x0], $0xffff;
	_ =	sdelay $0x1  }
0x355: {  	v21 =	vld.idx.msk [tilespmem:v22+s23+$0x0], $0xffff;
	_ =	sdelay $0x2  }
0x356: {  	v23 =	vsub.f32 v25, v6;
	v24 =	vsub.f32 v20, v7;
	_ =	sdelay $0x1  }
0x357: {  	v26 =	vsub.f32 v21, v8;
	v23 =	vmul.f32 v23, v23;
	v24 =	vmul.f32 v24, v24;
	_ =	sdelay $0x1  }
0x358: {  	v26 =	vmul.f32 v26, v26;
	v23 =	vadd.f32 v24, v23;
	_ =	sdelay $0x1  }
0x359: {  	v23 =	vadd.f32 v26, v23  }
0x35a: {  	vm3 =	vlt.s32 v13, $0x30  }
0x35b: {  	vm0 =	vmand vm3, vm0;
	vm3 =	vle.f32 v23, $4.900000060e-03  }
0x35c: {  	vm3 =	vmand vm0, vm3  }
0x35d: {  	v24 =	vadd.s32 v9, v13;
	_ =	sdelay $0x1  }
0x35e: {  	v17 =	vand.u32 $0x4, v17  }
0x35f: {  	p2 =	sne.s32 s16, $0x2;
	v26 =	vor.u32 v17, v19;
	v17 =	vsel vm3, $0x1, v5  }
.Ltmp35:
0x360: {  	v19 =	vadd.s32 s17, v14;
	v23 =	vor.u32 $0x1, v26;
	v13 =	vadd.s32 v17, v13;
	(pc) =	sbr.rel @!p2 .LBB2_51-.Ltmp35, $4  }
0x361: {  	vm0 =	vlt.s32 v19, v15;
	v17 =	vshll.u32 v13, $0x2;
	[tilespmem:v24+s26+$0x0] =	vst.idx.msk vm3, v22;
	v24 =	vor.u32 $0x2, v26  }
0x362: {  	v17 =	vadd.s32 v4, v17;
	v22 =	vnsel vm0, $0x0, v19  }
0x363: {  	v27 =	vadd.s32 v10, v17  }
0x364: {  	p1 =	por $0x1, $0x1;
	s17 =	simm.s32 $0x2;
	v19 =	vand.u32 $0xFFFFFFF8, v27;
	[tilespmem:v26+s28+$0x0] =	vst.idx.msk vm3, v25  }
.LBB2_50:
0x365: {  	[tilespmem:v23+s28+$0x0] =	vst.idx.msk vm3, v20;
	s5 =	smov.u32 s17;
	s17 =	sadd.s32 $0x1, s17  }
0x366: {  	p2 =	sne.s32 s16, s17;
	[tilespmem:v24+s28+$0x0] =	vst.idx.msk vm3, v21  }
0x367: {  	v25 =	vld.idx.msk [tilespmem:v22+s24+$0x0], $0xffff;
	_ =	sdelay $0x7  }
0x368: {  	v26 =	vld.idx.msk [tilespmem:v25+s21+$0x0], $0xffff  }
0x369: {  	v20 =	vld.idx.msk [tilespmem:v25+s22+$0x0], $0xffff  }
0x36a: {  	v21 =	vld.idx.msk [tilespmem:v25+s23+$0x0], $0xffff;
	_ =	sdelay $0x3  }
0x36b: {  	v22 =	vsub.f32 v26, v6  }
0x36c: {  	v23 =	vsub.f32 v20, v7  }
0x36d: {  	v24 =	vsub.f32 v21, v8;
	v22 =	vmul.f32 v22, v22  }
0x36e: {  	v23 =	vmul.f32 v23, v23  }
0x36f: {  	v24 =	vmul.f32 v24, v24  }
0x370: {  	v22 =	vadd.f32 v23, v22;
	_ =	sdelay $0x1  }
0x371: {  	vm3 =	vlt.s32 v13, $0x30;
	v22 =	vadd.f32 v24, v22  }
0x372: {  	vm0 =	vmand vm3, vm0  }
0x373: {  	vm3 =	vle.f32 v22, $4.900000060e-03  }
0x374: {  	v27 =	vadd.s32 v9, v13;
	v17 =	vand.u32 $0x4, v17;
	vm3 =	vmand vm0, vm3  }
0x375: {  	v28 =	vor.u32 v17, v19;
	v17 =	vsel vm3, $0x1, v5  }
0x376: {  	v23 =	vor.u32 $0x1, v28;
	v13 =	vadd.s32 v17, v13  }
.Ltmp36:
0x377: {  	v19 =	vadd.s32 s5, v14;
	v24 =	vor.u32 $0x2, v28;
	v17 =	vshll.u32 v13, $0x2;
	(pc) =	sbr.rel @p2 .LBB2_50-.Ltmp36, $4  }
0x378: {  	vm0 =	vlt.s32 v19, v15;
	v17 =	vadd.s32 v4, v17  }
0x379: {  	v22 =	vnsel vm0, $0x0, v19;
	v19 =	vadd.s32 v10, v17  }
0x37a: {  	v19 =	vand.u32 $0xFFFFFFF8, v19;
	[tilespmem:v27+s26+$0x0] =	vst.idx.msk vm3, v25  }
0x37b: {  	[tilespmem:v28+s28+$0x0] =	vst.idx.msk vm3, v26  }
.LBB2_51:
0x37c: {  	_ =	sdelay $0x4  }
0x37d: {  	[tilespmem:v23+s28+$0x0] =	vst.idx.msk @p1 vm3, v20  }
0x37e: {  	[tilespmem:v24+s28+$0x0] =	vst.idx.msk @p1 vm3, v21  }
0x37f: {  	v14 =	vld.idx.msk [tilespmem:v22+s24+$0x0], $0xffff;
	_ =	sdelay $0x7  }
0x380: {  	v15 =	vld.idx.msk [tilespmem:v14+s21+$0x0], $0xffff  }
0x381: {  	v20 =	vld.idx.msk [tilespmem:v14+s22+$0x0], $0xffff;
	_ =	sdelay $0x1  }
0x382: {  	v21 =	vld.idx.msk [tilespmem:v14+s23+$0x0], $0xffff;
	_ =	sdelay $0x2  }
0x383: {  	v59 =	vsub.f32 v15, v6;
	v60 =	vsub.f32 v20, v7;
	_ =	sdelay $0x1  }
0x384: {  	v61 =	vsub.f32 v21, v8;
	v22 =	vmul.f32 v59, v59;
	v23 =	vmul.f32 v60, v60;
	_ =	sdelay $0x1  }
0x385: {  	v24 =	vmul.f32 v61, v61;
	v22 =	vadd.f32 v23, v22;
	_ =	sdelay $0x1  }
0x386: {  	v22 =	vadd.f32 v24, v22  }
0x387: {  	vm3 =	vlt.s32 v13, $0x30  }
0x388: {  	vm0 =	vmand vm3, vm0;
	vm3 =	vle.f32 v22, $4.900000060e-03  }
0x389: {  	vm0 =	vmand vm0, vm3  }
0x38a: {  	v62 =	vadd.s32 v9, v13;
	v17 =	vand.u32 $0x4, v17  }
0x38b: {  	v17 =	vor.u32 v17, v19  }
0x38c: {  	v19 =	vor.u32 $0x1, v17  }
0x38d: {  	v63 =	vor.u32 $0x2, v17;
	_ =	sdelay $0x1  }
0x38e: {  	[tilespmem:v62+s26+$0x0] =	vst.idx.msk vm0, v14  }
0x38f: {  	[tilespmem:v17+s28+$0x0] =	vst.idx.msk vm0, v15  }
0x390: {  	v14 =	vsel vm0, $0x1, v5;
	[tilespmem:v19+s28+$0x0] =	vst.idx.msk vm0, v20  }
0x391: {  	v13 =	vadd.s32 v14, v13;
	[tilespmem:v63+s28+$0x0] =	vst.idx.msk vm0, v21  }
.LBB2_52:
0x392: {  	v14 =	vadd.s32 v18, v16  }
0x393: {  	v14 =	vmul.u32 $0xE, v14;
	_ =	sdelay $0x1  }
0x394: {  	v11 =	vadd.s32 v11, v14  }
0x395: {  	v12 =	vadd.s32 v14, v12;
	_ =	sdelay $0x3  }
0x396: {  	v11 =	vld.idx.msk [tilespmem:v11+s25+$0x0], $0xffff  }
0x397: {  	v12 =	vld.idx.msk [tilespmem:v12+s25+$0x0], $0xffff;
	_ =	sdelay $0x3  }
0x398: {  	vm0 =	vmand vm2, vm1  }
0x399: {  	v11 =	vnsel vm0, $0x0, v11;
	v12 =	vnsel vm0, $0x0, v12  }
0x39a: {  	v14 =	vsub.s32 v12, v11  }
0x39b: {  	v14 =	vxor.u32 $0x80000000, v14  }
0x39c: {  	(xrf0) =	vmax.scan.msk.u32 $0xffff, v14;
	_ =	sdelay $0x5  }
0x39d: {  	v14, _, _ =	vpop (xrf0)  }
0x39e: {  	(v2sf) =	vpush v14, $0xF;
	_ =	sdelay $0xe  }
0x39f: {  	s5 =	spop (v2sf)  }
0x3a0: {  	s16 =	sxor.u32 $0x80000000, s5  }
0x3a1: {  	p1 =	slt.s32 s16, $0x1  }
.Ltmp37:
0x3a2: {  	_ = 	snop;
	(pc) =	sbr.rel @p1 .LBB2_58-.Ltmp37, $1  }
0x3a3: {  	_ =	sdelay $0x3  }
0x3a4: {  	p2 =	sne.s32 s16, $0x1  }
.Ltmp38:
0x3a5: {  	_ = 	snop;
	(pc) =	sbr.rel @!p2 .LBB2_54-.Ltmp38, $4  }
0x3a6: {  	s5 =	simm.s32 $0x0;
	v14 =	vshll.u32 v13, $0x2  }
0x3a7: {  	v15 =	vadd.s32 s5, v11;
	v14 =	vadd.s32 v4, v14  }
0x3a8: {  	vm0 =	vlt.s32 v15, v12;
	v16 =	vadd.s32 v10, v14  }
0x3a9: {  	s17 =	simm.s32 $0x1;
	p1 =	por $0x0, $0x0;
	v18 =	vnsel vm0, $0x0, v15;
	v15 =	vand.u32 $0xFFFFFFF8, v16  }
0x3aa: {  	_ =	sdelay $0x3  }
0x3ab: {  	v18 =	vld.idx.msk [tilespmem:v18+s24+$0x0], $0xffff;
	_ =	sdelay $0x7  }
0x3ac: {  	v21 =	vld.idx.msk [tilespmem:v18+s21+$0x0], $0xffff  }
0x3ad: {  	v16 =	vld.idx.msk [tilespmem:v18+s22+$0x0], $0xffff;
	_ =	sdelay $0x1  }
0x3ae: {  	v17 =	vld.idx.msk [tilespmem:v18+s23+$0x0], $0xffff;
	_ =	sdelay $0x2  }
0x3af: {  	v19 =	vsub.f32 v21, v6;
	v20 =	vsub.f32 v16, v7;
	_ =	sdelay $0x1  }
0x3b0: {  	v22 =	vsub.f32 v17, v8;
	v19 =	vmul.f32 v19, v19;
	v20 =	vmul.f32 v20, v20;
	_ =	sdelay $0x1  }
0x3b1: {  	v22 =	vmul.f32 v22, v22;
	v19 =	vadd.f32 v20, v19;
	_ =	sdelay $0x1  }
0x3b2: {  	v19 =	vadd.f32 v22, v19  }
0x3b3: {  	vm1 =	vlt.s32 v13, $0x30  }
0x3b4: {  	vm0 =	vmand vm1, vm0;
	vm1 =	vle.f32 v19, $4.900000060e-03  }
0x3b5: {  	vm1 =	vmand vm0, vm1  }
0x3b6: {  	v20 =	vadd.s32 v9, v13;
	_ =	sdelay $0x1  }
0x3b7: {  	v14 =	vand.u32 $0x4, v14  }
0x3b8: {  	p2 =	sne.s32 s16, $0x2;
	v22 =	vor.u32 v14, v15;
	v14 =	vsel vm1, $0x1, v5  }
.Ltmp39:
0x3b9: {  	v15 =	vadd.s32 s17, v11;
	v19 =	vor.u32 $0x1, v22;
	v13 =	vadd.s32 v14, v13;
	(pc) =	sbr.rel @!p2 .LBB2_57-.Ltmp39, $4  }
0x3ba: {  	vm0 =	vlt.s32 v15, v12;
	v14 =	vshll.u32 v13, $0x2;
	[tilespmem:v20+s26+$0x0] =	vst.idx.msk vm1, v18;
	v20 =	vor.u32 $0x2, v22  }
0x3bb: {  	v14 =	vadd.s32 v4, v14;
	v18 =	vnsel vm0, $0x0, v15  }
0x3bc: {  	v23 =	vadd.s32 v10, v14  }
0x3bd: {  	p1 =	por $0x1, $0x1;
	s17 =	simm.s32 $0x2;
	v15 =	vand.u32 $0xFFFFFFF8, v23;
	[tilespmem:v22+s28+$0x0] =	vst.idx.msk vm1, v21  }
.LBB2_56:
0x3be: {  	[tilespmem:v19+s28+$0x0] =	vst.idx.msk vm1, v16;
	s5 =	smov.u32 s17;
	s17 =	sadd.s32 $0x1, s17  }
0x3bf: {  	p2 =	sne.s32 s16, s17;
	[tilespmem:v20+s28+$0x0] =	vst.idx.msk vm1, v17  }
0x3c0: {  	v21 =	vld.idx.msk [tilespmem:v18+s24+$0x0], $0xffff;
	_ =	sdelay $0x7  }
0x3c1: {  	v22 =	vld.idx.msk [tilespmem:v21+s21+$0x0], $0xffff  }
0x3c2: {  	v16 =	vld.idx.msk [tilespmem:v21+s22+$0x0], $0xffff  }
0x3c3: {  	v17 =	vld.idx.msk [tilespmem:v21+s23+$0x0], $0xffff;
	_ =	sdelay $0x3  }
0x3c4: {  	v18 =	vsub.f32 v22, v6  }
0x3c5: {  	v19 =	vsub.f32 v16, v7  }
0x3c6: {  	v20 =	vsub.f32 v17, v8;
	v18 =	vmul.f32 v18, v18  }
0x3c7: {  	v19 =	vmul.f32 v19, v19  }
0x3c8: {  	v20 =	vmul.f32 v20, v20  }
0x3c9: {  	v18 =	vadd.f32 v19, v18;
	_ =	sdelay $0x1  }
0x3ca: {  	vm1 =	vlt.s32 v13, $0x30;
	v18 =	vadd.f32 v20, v18  }
0x3cb: {  	vm0 =	vmand vm1, vm0  }
0x3cc: {  	vm1 =	vle.f32 v18, $4.900000060e-03  }
0x3cd: {  	v23 =	vadd.s32 v9, v13;
	v14 =	vand.u32 $0x4, v14;
	vm1 =	vmand vm0, vm1  }
0x3ce: {  	v24 =	vor.u32 v14, v15;
	v14 =	vsel vm1, $0x1, v5  }
0x3cf: {  	v19 =	vor.u32 $0x1, v24;
	v13 =	vadd.s32 v14, v13  }
.Ltmp40:
0x3d0: {  	v15 =	vadd.s32 s5, v11;
	v20 =	vor.u32 $0x2, v24;
	v14 =	vshll.u32 v13, $0x2;
	(pc) =	sbr.rel @p2 .LBB2_56-.Ltmp40, $4  }
0x3d1: {  	vm0 =	vlt.s32 v15, v12;
	v14 =	vadd.s32 v4, v14  }
0x3d2: {  	v18 =	vnsel vm0, $0x0, v15;
	v15 =	vadd.s32 v10, v14  }
0x3d3: {  	v15 =	vand.u32 $0xFFFFFFF8, v15;
	[tilespmem:v23+s26+$0x0] =	vst.idx.msk vm1, v21  }
0x3d4: {  	[tilespmem:v24+s28+$0x0] =	vst.idx.msk vm1, v22  }
.Ltmp41:
0x3d5: {  	_ = 	snop;
	(pc) =	sbr.rel .LBB2_57-.Ltmp41, $1  }
0x3d6: {  	_ =	sdelay $0x3  }
.LBB2_6:
.Ltmp42:
0x3d7: {  	(pc) =	sbr.rel .LBB2_9-.Ltmp42, $2  }
0x3d8: {  	_ =	sdelay $0x2  }
0x3d9: {  	_ = 	snop  }
.LBB2_12:
.Ltmp43:
0x3da: {  	(pc) =	sbr.rel .LBB2_15-.Ltmp43, $2  }
0x3db: {  	_ =	sdelay $0x2  }
0x3dc: {  	_ = 	snop  }
.LBB2_18:
.Ltmp44:
0x3dd: {  	(pc) =	sbr.rel .LBB2_21-.Ltmp44, $2  }
0x3de: {  	_ =	sdelay $0x2  }
0x3df: {  	_ = 	snop  }
.LBB2_24:
.Ltmp45:
0x3e0: {  	(pc) =	sbr.rel .LBB2_27-.Ltmp45, $2  }
0x3e1: {  	_ =	sdelay $0x2  }
0x3e2: {  	_ = 	snop  }
.LBB2_30:
.Ltmp46:
0x3e3: {  	(pc) =	sbr.rel .LBB2_33-.Ltmp46, $2  }
0x3e4: {  	_ =	sdelay $0x2  }
0x3e5: {  	_ = 	snop  }
.LBB2_36:
.Ltmp47:
0x3e6: {  	(pc) =	sbr.rel .LBB2_39-.Ltmp47, $2  }
0x3e7: {  	_ =	sdelay $0x2  }
0x3e8: {  	_ = 	snop  }
.LBB2_42:
.Ltmp48:
0x3e9: {  	(pc) =	sbr.rel .LBB2_45-.Ltmp48, $2  }
0x3ea: {  	_ =	sdelay $0x2  }
0x3eb: {  	_ = 	snop  }
.LBB2_48:
.Ltmp49:
0x3ec: {  	(pc) =	sbr.rel .LBB2_51-.Ltmp49, $2  }
0x3ed: {  	_ =	sdelay $0x2  }
0x3ee: {  	_ = 	snop  }
.LBB2_60:
0x3ef: {  	_ =	sfence.sel $0x180000  }
0x3f0: {  	[bflag:$0x0] =	sbarrier.arrive $0xFFFF  }
0x3f1: {  	_ =	strace $0x9000004A  }
0x3f2: {  	[bflag:$0x2] =	sbarrier.arrive $0xFFFF  }
0x3f3: {  	s0 =	rddreg [dreg:$0x3]  }
0x3f4: {  	s0 =	sadd.s32 @!p0 $0x100000, s0  }
0x3f5: {  	[sflag:s0] =	ssyncadd.tile.s32 @!p0 $0x1;
	_ =	shalt  }
.Lfunc_end2:
_tile_overlayer_lowered:
.L_overlay_start_2:
0x3f6: {  	(tag) =	ssettag $0x2  }
0x3f7: {  	s0 =	rddreg [dreg:$0x0];
	s2 =	stileid.u32  }
0x3f8: {  	s1 =	rddreg [dreg:$0x1];
	p0 =	sne.s32 s2, $0x0  }
0x3f9: {  	s3 =	rddreg [dreg:$0x2];
	[bflag:$0x3] =	sbarrier.arrive $0xFFFF;
	s2 =	simm.s32 @!p0 $0x1C04  }
0x3fa: {  	[timem:s3], [sflag:s2] =	dma.local @!p0 [hbm:s0], s1  }
0x3fb: {  	s0 =	simm.s32 @!p0 $0x4  }
0x3fc: {  	_ =	swait.ge @!p0 [sflag:s0], s1  }
0x3fd: {  	s1 =	ssub.s32 @!p0 $0x0, s1;
	[sflag:s0] =	ssyncset.done @!p0 $0x0  }
0x3fe: {  	[sflag:s0] =	ssyncadd.s32 @!p0 s1  }
0x3ff: {  	[bflag:$0x3] =	sbarrier.arrive $0xFFFF  }
0x400: {  	_ =	shalt  }

</sc_bundles>
